<compile_context>
chip_gen: v7x
topology: tpu7x:2x2x1
jax: 0.10.2.dev20260603
libtpu: 0.0.44.dev20260713+nightly
codegen_flags: <defaults>
</compile_context>

<pallas_src>
import jax
import jax.numpy as jnp
from jax import lax
from jax.experimental import pallas as pl
from jax.experimental.pallas import tpu as pltpu
from jax.experimental.pallas import tpu_sc as plsc

_N = 10000
_E = 320000
_D = 128
_G = 16
_EPS = 1e-5

_NC, _NS, _L = 2, 16, 16
_NW = _NC * _NS
_C = 128
_NCH = 80
_EPW = _C * _NCH
_EPAD = _NW * _EPW
_NP = 10240
_RPS = _NP // _NS
_RB = 1000
_NRB = _N // _RB
_K = 3



def _fill_buf(buf, val):
    def row(i, _):
        for k in range(_D // _L):
            buf[i, pl.ds(k * _L, _L)] = jnp.full((_L,), val, jnp.float32)
        return 0
    lax.fori_loop(0, _C, row, 0)


def _zero_table(buf, table_sh, s):
    _fill_buf(buf, 0.0)
    for t in range(_RPS // _C):
        pltpu.sync_copy(buf, table_sh.at[pl.ds(s * _RPS + t * _C, _C)])


def _readout(table_sh, out_hbm, c, s, sem):
    for t in range(_RPS // _C):
        r0 = s * _RPS + t * _C
        pltpu.async_copy(table_sh.at[pl.ds(r0, _C)],
                         out_hbm.at[c, pl.ds(r0, _C)], sem)
    for t in range(_RPS // _C):
        r0 = s * _RPS + t * _C
        pltpu.make_async_copy(table_sh.at[pl.ds(r0, _C)],
                              out_hbm.at[c, pl.ds(r0, _C)], sem).wait()


def _sc_deg_body(dst_hbm, out_hbm, didx_v, buf_v, table_sh, sem):
    c = lax.axis_index("c")
    s = lax.axis_index("s")
    wid = s * _NC + c

    _zero_table(buf_v, table_sh, s)
    _fill_buf(buf_v, 1.0)
    pltpu.sync_copy(dst_hbm.at[wid], didx_v)
    plsc.subcore_barrier()

    def chunk(j, _):
        pltpu.sync_copy(buf_v, table_sh.at[didx_v.at[j]], add=True)
        return 0
    lax.fori_loop(0, _NCH, chunk, 0)
    plsc.subcore_barrier()
    _readout(table_sh, out_hbm, c, s, sem)


def _sc_agg_body(h_hbm, src_hbm, dst_hbm, out_hbm, sidx_v, didx_v, rows_big,
                 table_sh, sem):
    c = lax.axis_index("c")
    s = lax.axis_index("s")
    wid = s * _NC + c
    buf0 = rows_big.at[pl.ds(0, _C)]

    _zero_table(buf0, table_sh, s)
    pltpu.sync_copy(src_hbm.at[wid], sidx_v)
    pltpu.sync_copy(dst_hbm.at[wid], didx_v)
    plsc.subcore_barrier()

    def chunk(j, _):
        pltpu.async_copy(h_hbm.at[sidx_v.at[j]], buf0, sem).wait()
        pltpu.sync_copy(buf0, table_sh.at[didx_v.at[j]], add=True)
        return 0
    lax.fori_loop(0, _NCH, chunk, 0)
    plsc.subcore_barrier()
    _readout(table_sh, out_hbm, c, s, sem)


_sc_mesh = plsc.VectorSubcoreMesh(
    core_axis_name="c", subcore_axis_name="s",
    num_cores=_NC, num_subcores=_NS)

_deg_call = pl.kernel(
    _sc_deg_body,
    out_type=jax.ShapeDtypeStruct((_NC, _NP, _D), jnp.float32),
    mesh=_sc_mesh,
    scratch_types=[
        pltpu.VMEM((_NCH, _C), jnp.int32),
        pltpu.VMEM((_C, _D), jnp.float32),
        pltpu.VMEM_SHARED((_NP, _D), jnp.float32),
        pltpu.SemaphoreType.DMA,
    ],
)

_agg_call = pl.kernel(
    _sc_agg_body,
    out_type=jax.ShapeDtypeStruct((_NC, _NP, _D), jnp.float32),
    mesh=_sc_mesh,
    scratch_types=[
        pltpu.VMEM((_NCH, _C), jnp.int32),
        pltpu.VMEM((_NCH, _C), jnp.int32),
        pltpu.VMEM((_C, _D), jnp.float32),
        pltpu.VMEM_SHARED((_NP, _D), jnp.float32),
        pltpu.SemaphoreType.DMA,
    ],
)



def _tc_lin_body(x_ref, w_ref, d0_ref, d1_ref, h_ref, dinv_ref):
    deg = 1.0 + jnp.max(d0_ref[...] + d1_ref[...], axis=1, keepdims=True)
    dv = jnp.broadcast_to(lax.rsqrt(deg), (_RB, _D))
    dinv_ref[...] = dv
    h = jnp.dot(x_ref[...], w_ref[...], preferred_element_type=jnp.float32)
    h_ref[...] = h * dv


_lin_call = pl.pallas_call(
    _tc_lin_body,
    grid=(_NRB,),
    in_specs=[
        pl.BlockSpec((_RB, _D), lambda i: (i, 0)),
        pl.BlockSpec((_D, _D), lambda i: (0, 0)),
        pl.BlockSpec((_RB, _D), lambda i: (i, 0)),
        pl.BlockSpec((_RB, _D), lambda i: (i, 0)),
    ],
    out_specs=[pl.BlockSpec((_RB, _D), lambda i: (i, 0)),
               pl.BlockSpec((_RB, _D), lambda i: (i, 0))],
    out_shape=[jax.ShapeDtypeStruct((_N, _D), jnp.float32),
               jax.ShapeDtypeStruct((_N, _D), jnp.float32)],
)


def _layer_post(a0, a1, hp, dinv, b, g, bt):
    t = dinv * (a0 + a1 + hp) + b
    m = jnp.mean(t, axis=1, keepdims=True)
    v = jnp.mean((t - m) ** 2, axis=1, keepdims=True)
    return jnp.maximum((t - m) * lax.rsqrt(v + _EPS) * g + bt, 0.0)


def _tc_mid_body(a0_ref, a1_ref, hp_ref, dinv_ref, b_ref, g_ref, bt_ref,
                 w_ref, o_ref):
    y = _layer_post(a0_ref[...], a1_ref[...], hp_ref[...], dinv_ref[...],
                    b_ref[...], g_ref[...], bt_ref[...])
    o_ref[...] = jnp.dot(y, w_ref[...],
                         preferred_element_type=jnp.float32) * dinv_ref[...]


_row_spec = pl.BlockSpec((_RB, _D), lambda i: (i, 0))
_vec_spec = pl.BlockSpec((1, _D), lambda i: (0, 0))

_mid_call = pl.pallas_call(
    _tc_mid_body,
    grid=(_NRB,),
    in_specs=[_row_spec, _row_spec, _row_spec, _row_spec,
              _vec_spec, _vec_spec, _vec_spec,
              pl.BlockSpec((_D, _D), lambda i: (0, 0))],
    out_specs=_row_spec,
    out_shape=jax.ShapeDtypeStruct((_N, _D), jnp.float32),
)


def _tc_final_body(a0_ref, a1_ref, hp_ref, dinv_ref, b_ref, g_ref, bt_ref,
                   batch_ref, o_ref, sums, cnts):
    i = pl.program_id(0)
    y = _layer_post(a0_ref[...], a1_ref[...], hp_ref[...], dinv_ref[...],
                    b_ref[...], g_ref[...], bt_ref[...])
    bv = batch_ref[0, 0, :]
    gi = lax.broadcasted_iota(jnp.int32, (_G, _RB), 0)
    oh = (gi == bv[None, :]).astype(jnp.float32)
    ps = jnp.dot(oh, y, preferred_element_type=jnp.float32)
    pc = jnp.broadcast_to(jnp.sum(oh, axis=1, keepdims=True), (_G, _D))

    @pl.when(i == 0)
    def _():
        sums[...] = jnp.zeros((_G, _D), jnp.float32)
        cnts[...] = jnp.zeros((_G, _D), jnp.float32)

    sums[...] += ps
    cnts[...] += pc

    @pl.when(i == pl.num_programs(0) - 1)
    def _():
        o_ref[...] = sums[...] / jnp.maximum(cnts[...], 1.0)


_final_call = pl.pallas_call(
    _tc_final_body,
    grid=(_NRB,),
    in_specs=[_row_spec, _row_spec, _row_spec, _row_spec,
              _vec_spec, _vec_spec, _vec_spec,
              pl.BlockSpec((1, 1, _RB), lambda i: (i, 0, 0))],
    out_specs=pl.BlockSpec((_G, _D), lambda i: (0, 0)),
    out_shape=jax.ShapeDtypeStruct((_G, _D), jnp.float32),
    scratch_shapes=[pltpu.VMEM((_G, _D), jnp.float32),
                    pltpu.VMEM((_G, _D), jnp.float32)],
)



def kernel(x, edge_index, batch, W1, b1, g1, bt1, W2, b2, g2, bt2,
           W3, b3, g3, bt3):
    src = edge_index[0]
    dst = edge_index[1]
    pad = _EPAD - _E
    lanes = jnp.arange(pad, dtype=jnp.int32)
    src_p = jnp.concatenate(
        [src, lanes % _N]).reshape(_NW, _NCH, _C)
    dst_p = jnp.concatenate(
        [dst, _N + lanes % (_NP - _N)]).reshape(_NW, _NCH, _C)

    dparts = _deg_call(dst_p)

    b1r, g1r, bt1r = b1.reshape(1, _D), g1.reshape(1, _D), bt1.reshape(1, _D)
    b2r, g2r, bt2r = b2.reshape(1, _D), g2.reshape(1, _D), bt2.reshape(1, _D)
    b3r, g3r, bt3r = b3.reshape(1, _D), g3.reshape(1, _D), bt3.reshape(1, _D)
    batch3 = batch.reshape(_NRB, 1, _RB)

    h1, dinv = _lin_call(x, W1, dparts[0, :_N], dparts[1, :_N])
    a = _agg_call(h1, src_p, dst_p)
    h2 = _mid_call(a[0, :_N], a[1, :_N], h1, dinv, b1r, g1r, bt1r, W2)
    a = _agg_call(h2, src_p, dst_p)
    h3 = _mid_call(a[0, :_N], a[1, :_N], h2, dinv, b2r, g2r, bt2r, W3)
    a = _agg_call(h3, src_p, dst_p)
    return _final_call(a[0, :_N], a[1, :_N], h3, dinv, b3r, g3r, bt3r, batch3)

# --- scband reference (transcript-rebuilt; emitter-appended) ---
"""Pipeline reference for scband-gcn-29772713296319 (READ-ONLY COPY).

The authoritative reference and input builder live on the scoring server;
editing this copy changes nothing except your own understanding.
"""

import jax, jax.numpy as jnp
import numpy as np

N = 10000
E = 320000
D = 128
H = 128
G = 16


def _layer_norm(x, g, b, eps=1e-5):
    m = jnp.mean(x, axis=-1, keepdims=True)
    v = jnp.var(x, axis=-1, keepdims=True)
    return (x - m) * jax.lax.rsqrt(v + eps) * g + b


def _gcn_conv(x, W, b, src, dst, n):
    # PyG GCNConv: linear transform, add self-loops, symmetric normalization, scatter-add aggregate
    h = x @ W
    loop = jnp.arange(n, dtype=src.dtype)
    s = jnp.concatenate([src, loop])
    d = jnp.concatenate([dst, loop])
    deg = jnp.zeros((n,), h.dtype).at[d].add(1.0)
    dinv = jax.lax.rsqrt(deg)
    norm = dinv[s] * dinv[d]
    msg = h[s] * norm[:, None]
    out = jnp.zeros_like(h).at[d].add(msg)
    return out + b


def _forward(x, params, edge_index, batch):
    src, dst = edge_index[0], edge_index[1]
    n = x.shape[0]
    for (W, b, g, bt) in params:
        x = _gcn_conv(x, W, b, src, dst, n)
        x = jax.nn.relu(_layer_norm(x, g, bt))
        # dropout is identity in eval mode
    sums = jax.ops.segment_sum(x, batch, num_segments=G)
    cnts = jax.ops.segment_sum(jnp.ones((n,), x.dtype), batch, num_segments=G)
    return sums / jnp.clip(cnts, 1.0)[:, None]


def setup_inputs(seed: int = 0) -> dict:
    key = jax.random.key(seed)
    ks = jax.random.split(key, 8)
    x = jax.random.normal(ks[0], (N, D), jnp.float32)
    edge_index = jax.random.randint(ks[1], (2, E), 0, N, jnp.int32)
    batch = jnp.sort(jax.random.randint(ks[2], (N,), 0, G, jnp.int32))
    inp = {"x": x, "edge_index": edge_index, "batch": batch}
    dims = [(D, H), (H, H), (H, H)]
    for i, (din, dout) in enumerate(dims):
        k = jax.random.fold_in(key, 100 + i)
        inp[f"W{i+1}"] = jax.random.normal(k, (din, dout), jnp.float32) / np.sqrt(din)
        inp[f"b{i+1}"] = jnp.zeros((dout,), jnp.float32)
        inp[f"g{i+1}"] = jnp.ones((dout,), jnp.float32)
        inp[f"bt{i+1}"] = jnp.zeros((dout,), jnp.float32)
    return inp


def reference(x, edge_index, batch, W1, b1, g1, bt1, W2, b2, g2, bt2, W3, b3, g3, bt3):
    params = [(W1, b1, g1, bt1), (W2, b2, g2, bt2), (W3, b3, g3, bt3)]
    return _forward(x, params, edge_index, batch)

if __name__ == "__main__":
    import jax
    _d = setup_inputs()
    print(jax.jit(kernel)(*tuple(_d.values())))

</pallas_src>

<mosaic_0001>
#map = affine_map<(d0, d1) -> (0, 0, 0)>
module attributes {stable_mosaic.version = 14 : i64} {
  func.func @_sc_deg_body(%arg0: i32, %arg1: i32, %arg2: memref<32x80x128xi32, #tpu.memory_space<hbm>>, %arg3: memref<2x10240x128xf32, #tpu.memory_space<hbm>>, %arg4: memref<80x128xi32, #tpu.memory_space<vmem>>, %arg5: memref<128x128xf32, #tpu.memory_space<vmem>>, %arg6: memref<10240x128xf32, #tpu.memory_space<vmem_shared>>, %arg7: memref<!tpu.dma_semaphore, #tpu.memory_space<semaphore_mem>>) attributes {dimension_semantics = [#tpu.dimension_semantics<core_parallel>, #tpu.dimension_semantics<subcore_parallel>], iteration_bounds = array<i64: 2, 16>, scalar_prefetch = 0 : i64, scratch_operands = 4 : i64, tpu.core_type = #tpu.core_type<sc_vector_subcore>, window_params = [{transform_indices = #map}, {transform_indices = #map}]} {
    %mul3A = arith.constant 2 : i32
    %mul3A_0 = arith.muli %arg1, %mul3A : i32
    %add3A = arith.addi %mul3A_0, %arg0 : i32
    %scan3A = arith.constant 0 : i32
    %scan3A_1 = arith.constant 0 : i32
    %scan3A_2 = arith.constant 128 : i32
    %scan3A_3 = arith.addi %scan3A_1, %scan3A_2 : i32
    %scan3A_4 = arith.constant 1 : i32
    %scan3A_5 = scf.for %scan3A_130 = %scan3A_1 to %scan3A_3 step %scan3A_4 iter_args(%scan3A_131 = %scan3A) -> (i32)  : i32 {
      %broadcast_in_dim3A = arith.constant 0.000000e+00 : f32
      %broadcast_in_dim3A_132 = vector.broadcast %broadcast_in_dim3A : f32 to vector<16xf32>
      %swap3A = arith.index_cast %scan3A_130 : i32 to index
      %swap3A_133 = arith.constant 0 : index
      %swap3A_134 = tpu.vector_load %arg5[%swap3A, %swap3A_133] {strides = array<i32>} : memref<128x128xf32, #tpu.memory_space<vmem>>, vector<1x16xf32>,
      %swap3A_135 = vector.shape_cast %swap3A_134 : vector<1x16xf32> to vector<16xf32>
      %swap3A_136 = vector.shape_cast %broadcast_in_dim3A_132 : vector<16xf32> to vector<1x16xf32>
      tpu.vector_store %arg5[%swap3A, %swap3A_133], %swap3A_136 {strides = array<i32>} : memref<128x128xf32, #tpu.memory_space<vmem>>, vector<1x16xf32>,
      %broadcast_in_dim3A_137 = arith.constant 0.000000e+00 : f32
      %broadcast_in_dim3A_138 = vector.broadcast %broadcast_in_dim3A_137 : f32 to vector<16xf32>
      %swap3A_139 = arith.index_cast %scan3A_130 : i32 to index
      %swap3A_140 = arith.constant 16 : index
      %swap3A_141 = tpu.vector_load %arg5[%swap3A_139, %swap3A_140] {strides = array<i32>} : memref<128x128xf32, #tpu.memory_space<vmem>>, vector<1x16xf32>,
      %swap3A_142 = vector.shape_cast %swap3A_141 : vector<1x16xf32> to vector<16xf32>
      %swap3A_143 = vector.shape_cast %broadcast_in_dim3A_138 : vector<16xf32> to vector<1x16xf32>
      tpu.vector_store %arg5[%swap3A_139, %swap3A_140], %swap3A_143 {strides = array<i32>} : memref<128x128xf32, #tpu.memory_space<vmem>>, vector<1x16xf32>,
      %broadcast_in_dim3A_144 = arith.constant 0.000000e+00 : f32
      %broadcast_in_dim3A_145 = vector.broadcast %broadcast_in_dim3A_144 : f32 to vector<16xf32>
      %swap3A_146 = arith.index_cast %scan3A_130 : i32 to index
      %swap3A_147 = arith.constant 32 : index
      %swap3A_148 = tpu.vector_load %arg5[%swap3A_146, %swap3A_147] {strides = array<i32>} : memref<128x128xf32, #tpu.memory_space<vmem>>, vector<1x16xf32>,
      %swap3A_149 = vector.shape_cast %swap3A_148 : vector<1x16xf32> to vector<16xf32>
      %swap3A_150 = vector.shape_cast %broadcast_in_dim3A_145 : vector<16xf32> to vector<1x16xf32>
      tpu.vector_store %arg5[%swap3A_146, %swap3A_147], %swap3A_150 {strides = array<i32>} : memref<128x128xf32, #tpu.memory_space<vmem>>, vector<1x16xf32>,
      %broadcast_in_dim3A_151 = arith.constant 0.000000e+00 : f32
      %broadcast_in_dim3A_152 = vector.broadcast %broadcast_in_dim3A_151 : f32 to vector<16xf32>
      %swap3A_153 = arith.index_cast %scan3A_130 : i32 to index
      %swap3A_154 = arith.constant 48 : index
      %swap3A_155 = tpu.vector_load %arg5[%swap3A_153, %swap3A_154] {strides = array<i32>} : memref<128x128xf32, #tpu.memory_space<vmem>>, vector<1x16xf32>,
      %swap3A_156 = vector.shape_cast %swap3A_155 : vector<1x16xf32> to vector<16xf32>
      %swap3A_157 = vector.shape_cast %broadcast_in_dim3A_152 : vector<16xf32> to vector<1x16xf32>
      tpu.vector_store %arg5[%swap3A_153, %swap3A_154], %swap3A_157 {strides = array<i32>} : memref<128x128xf32, #tpu.memory_space<vmem>>, vector<1x16xf32>,
      %broadcast_in_dim3A_158 = arith.constant 0.000000e+00 : f32
      %broadcast_in_dim3A_159 = vector.broadcast %broadcast_in_dim3A_158 : f32 to vector<16xf32>
      %swap3A_160 = arith.index_cast %scan3A_130 : i32 to index
      %swap3A_161 = arith.constant 64 : index
      %swap3A_162 = tpu.vector_load %arg5[%swap3A_160, %swap3A_161] {strides = array<i32>} : memref<128x128xf32, #tpu.memory_space<vmem>>, vector<1x16xf32>,
      %swap3A_163 = vector.shape_cast %swap3A_162 : vector<1x16xf32> to vector<16xf32>
      %swap3A_164 = vector.shape_cast %broadcast_in_dim3A_159 : vector<16xf32> to vector<1x16xf32>
      tpu.vector_store %arg5[%swap3A_160, %swap3A_161], %swap3A_164 {strides = array<i32>} : memref<128x128xf32, #tpu.memory_space<vmem>>, vector<1x16xf32>,
      %broadcast_in_dim3A_165 = arith.constant 0.000000e+00 : f32
      %broadcast_in_dim3A_166 = vector.broadcast %broadcast_in_dim3A_165 : f32 to vector<16xf32>
      %swap3A_167 = arith.index_cast %scan3A_130 : i32 to index
      %swap3A_168 = arith.constant 80 : index
      %swap3A_169 = tpu.vector_load %arg5[%swap3A_167, %swap3A_168] {strides = array<i32>} : memref<128x128xf32, #tpu.memory_space<vmem>>, vector<1x16xf32>,
      %swap3A_170 = vector.shape_cast %swap3A_169 : vector<1x16xf32> to vector<16xf32>
      %swap3A_171 = vector.shape_cast %broadcast_in_dim3A_166 : vector<16xf32> to vector<1x16xf32>
      tpu.vector_store %arg5[%swap3A_167, %swap3A_168], %swap3A_171 {strides = array<i32>} : memref<128x128xf32, #tpu.memory_space<vmem>>, vector<1x16xf32>,
      %broadcast_in_dim3A_172 = arith.constant 0.000000e+00 : f32
      %broadcast_in_dim3A_173 = vector.broadcast %broadcast_in_dim3A_172 : f32 to vector<16xf32>
      %swap3A_174 = arith.index_cast %scan3A_130 : i32 to index
      %swap3A_175 = arith.constant 96 : index
      %swap3A_176 = tpu.vector_load %arg5[%swap3A_174, %swap3A_175] {strides = array<i32>} : memref<128x128xf32, #tpu.memory_space<vmem>>, vector<1x16xf32>,
      %swap3A_177 = vector.shape_cast %swap3A_176 : vector<1x16xf32> to vector<16xf32>
      %swap3A_178 = vector.shape_cast %broadcast_in_dim3A_173 : vector<16xf32> to vector<1x16xf32>
      tpu.vector_store %arg5[%swap3A_174, %swap3A_175], %swap3A_178 {strides = array<i32>} : memref<128x128xf32, #tpu.memory_space<vmem>>, vector<1x16xf32>,
      %broadcast_in_dim3A_179 = arith.constant 0.000000e+00 : f32
      %broadcast_in_dim3A_180 = vector.broadcast %broadcast_in_dim3A_179 : f32 to vector<16xf32>
      %swap3A_181 = arith.index_cast %scan3A_130 : i32 to index
      %swap3A_182 = arith.constant 112 : index
      %swap3A_183 = tpu.vector_load %arg5[%swap3A_181, %swap3A_182] {strides = array<i32>} : memref<128x128xf32, #tpu.memory_space<vmem>>, vector<1x16xf32>,
      %swap3A_184 = vector.shape_cast %swap3A_183 : vector<1x16xf32> to vector<16xf32>
      %swap3A_185 = vector.shape_cast %broadcast_in_dim3A_180 : vector<16xf32> to vector<1x16xf32>
      tpu.vector_store %arg5[%swap3A_181, %swap3A_182], %swap3A_185 {strides = array<i32>} : memref<128x128xf32, #tpu.memory_space<vmem>>, vector<1x16xf32>,
      %scan3A_186 = arith.constant 0 : i32
      scf.yield %scan3A_186 : i32
    }
    %scan3A_6 = arith.constant 128 : i32
    %mul3A_7 = arith.constant 640 : i32
    %mul3A_8 = arith.muli %arg1, %mul3A_7 : i32
    %add3A_9 = arith.constant 0 : i32
    %add3A_10 = arith.addi %mul3A_8, %add3A_9 : i32
    "tpu.region"() ({
      %run_scoped3A = tpu.sem_alloc : memref<!tpu.dma_semaphore, #tpu.memory_space<semaphore_mem>>
      %dma_start3A_130 = arith.constant 0 : i32
      %dma_start3A_131 = tpu.memref_slice %arg6[%add3A_10, %dma_start3A_130] : memref<10240x128xf32, #tpu.memory_space<vmem_shared>> -> memref<128x128xf32, #tpu.memory_space<vmem_shared>>
      %dma_start3A_132 = arith.constant 0 : i32
      %dma_start3A_133 = tpu.memref_slice %arg6[%add3A_10, %dma_start3A_132] : memref<10240x128xf32, #tpu.memory_space<vmem_shared>> -> memref<128x128xf32, #tpu.memory_space<vmem_shared>>
      tpu.enqueue_dma source(%arg5 : memref<128x128xf32, #tpu.memory_space<vmem>>) target(%dma_start3A_133 : memref<128x128xf32, #tpu.memory_space<vmem_shared>>) target_semaphore(%run_scoped3A : memref<!tpu.dma_semaphore, #tpu.memory_space<semaphore_mem>>)
      %dma_wait3A_134 = arith.constant 0 : i32
      %dma_wait3A_135 = tpu.memref_slice %arg6[%add3A_10, %dma_wait3A_134] : memref<10240x128xf32, #tpu.memory_space<vmem_shared>> -> memref<128x128xf32, #tpu.memory_space<vmem_shared>>
      %dma_wait3A_136 = arith.constant 0 : i32
      %dma_wait3A_137 = tpu.memref_slice %arg6[%add3A_10, %dma_wait3A_136] : memref<10240x128xf32, #tpu.memory_space<vmem_shared>> -> memref<128x128xf32, #tpu.memory_space<vmem_shared>>
      tpu.wait_dma2 semaphore(%run_scoped3A : memref<!tpu.dma_semaphore, #tpu.memory_space<semaphore_mem>>) src(%arg5 : memref<128x128xf32, #tpu.memory_space<vmem>>) dst(%dma_wait3A_137 : memref<128x128xf32, #tpu.memory_space<vmem_shared>>)
      tpu.yield
    }) : () -> ()
    %mul3A_11 = arith.constant 640 : i32
    %mul3A_12 = arith.muli %arg1, %mul3A_11 : i32
    %add3A_13 = arith.constant 128 : i32
    %add3A_14 = arith.addi %mul3A_12, %add3A_13 : i32
    "tpu.region"() ({
      %run_scoped3A = tpu.sem_alloc : memref<!tpu.dma_semaphore, #tpu.memory_space<semaphore_mem>>
      %dma_start3A_130 = arith.constant 0 : i32
      %dma_start3A_131 = tpu.memref_slice %arg6[%add3A_14, %dma_start3A_130] : memref<10240x128xf32, #tpu.memory_space<vmem_shared>> -> memref<128x128xf32, #tpu.memory_space<vmem_shared>>
      %dma_start3A_132 = arith.constant 0 : i32
      %dma_start3A_133 = tpu.memref_slice %arg6[%add3A_14, %dma_start3A_132] : memref<10240x128xf32, #tpu.memory_space<vmem_shared>> -> memref<128x128xf32, #tpu.memory_space<vmem_shared>>
      tpu.enqueue_dma source(%arg5 : memref<128x128xf32, #tpu.memory_space<vmem>>) target(%dma_start3A_133 : memref<128x128xf32, #tpu.memory_space<vmem_shared>>) target_semaphore(%run_scoped3A : memref<!tpu.dma_semaphore, #tpu.memory_space<semaphore_mem>>)
      %dma_wait3A_134 = arith.constant 0 : i32
      %dma_wait3A_135 = tpu.memref_slice %arg6[%add3A_14, %dma_wait3A_134] : memref<10240x128xf32, #tpu.memory_space<vmem_shared>> -> memref<128x128xf32, #tpu.memory_space<vmem_shared>>
      %dma_wait3A_136 = arith.constant 0 : i32
      %dma_wait3A_137 = tpu.memref_slice %arg6[%add3A_14, %dma_wait3A_136] : memref<10240x128xf32, #tpu.memory_space<vmem_shared>> -> memref<128x128xf32, #tpu.memory_space<vmem_shared>>
      tpu.wait_dma2 semaphore(%run_scoped3A : memref<!tpu.dma_semaphore, #tpu.memory_space<semaphore_mem>>) src(%arg5 : memref<128x128xf32, #tpu.memory_space<vmem>>) dst(%dma_wait3A_137 : memref<128x128xf32, #tpu.memory_space<vmem_shared>>)
      tpu.yield
    }) : () -> ()
    %mul3A_15 = arith.constant 640 : i32
    %mul3A_16 = arith.muli %arg1, %mul3A_15 : i32
    %add3A_17 = arith.constant 256 : i32
    %add3A_18 = arith.addi %mul3A_16, %add3A_17 : i32
    "tpu.region"() ({
      %run_scoped3A = tpu.sem_alloc : memref<!tpu.dma_semaphore, #tpu.memory_space<semaphore_mem>>
      %dma_start3A_130 = arith.constant 0 : i32
      %dma_start3A_131 = tpu.memref_slice %arg6[%add3A_18, %dma_start3A_130] : memref<10240x128xf32, #tpu.memory_space<vmem_shared>> -> memref<128x128xf32, #tpu.memory_space<vmem_shared>>
      %dma_start3A_132 = arith.constant 0 : i32
      %dma_start3A_133 = tpu.memref_slice %arg6[%add3A_18, %dma_start3A_132] : memref<10240x128xf32, #tpu.memory_space<vmem_shared>> -> memref<128x128xf32, #tpu.memory_space<vmem_shared>>
      tpu.enqueue_dma source(%arg5 : memref<128x128xf32, #tpu.memory_space<vmem>>) target(%dma_start3A_133 : memref<128x128xf32, #tpu.memory_space<vmem_shared>>) target_semaphore(%run_scoped3A : memref<!tpu.dma_semaphore, #tpu.memory_space<semaphore_mem>>)
      %dma_wait3A_134 = arith.constant 0 : i32
      %dma_wait3A_135 = tpu.memref_slice %arg6[%add3A_18, %dma_wait3A_134] : memref<10240x128xf32, #tpu.memory_space<vmem_shared>> -> memref<128x128xf32, #tpu.memory_space<vmem_shared>>
      %dma_wait3A_136 = arith.constant 0 : i32
      %dma_wait3A_137 = tpu.memref_slice %arg6[%add3A_18, %dma_wait3A_136] : memref<10240x128xf32, #tpu.memory_space<vmem_shared>> -> memref<128x128xf32, #tpu.memory_space<vmem_shared>>
      tpu.wait_dma2 semaphore(%run_scoped3A : memref<!tpu.dma_semaphore, #tpu.memory_space<semaphore_mem>>) src(%arg5 : memref<128x128xf32, #tpu.memory_space<vmem>>) dst(%dma_wait3A_137 : memref<128x128xf32, #tpu.memory_space<vmem_shared>>)
      tpu.yield
    }) : () -> ()
    %mul3A_19 = arith.constant 640 : i32
    %mul3A_20 = arith.muli %arg1, %mul3A_19 : i32
    %add3A_21 = arith.constant 384 : i32
    %add3A_22 = arith.addi %mul3A_20, %add3A_21 : i32
    "tpu.region"() ({
      %run_scoped3A = tpu.sem_alloc : memref<!tpu.dma_semaphore, #tpu.memory_space<semaphore_mem>>
      %dma_start3A_130 = arith.constant 0 : i32
      %dma_start3A_131 = tpu.memref_slice %arg6[%add3A_22, %dma_start3A_130] : memref<10240x128xf32, #tpu.memory_space<vmem_shared>> -> memref<128x128xf32, #tpu.memory_space<vmem_shared>>
      %dma_start3A_132 = arith.constant 0 : i32
      %dma_start3A_133 = tpu.memref_slice %arg6[%add3A_22, %dma_start3A_132] : memref<10240x128xf32, #tpu.memory_space<vmem_shared>> -> memref<128x128xf32, #tpu.memory_space<vmem_shared>>
      tpu.enqueue_dma source(%arg5 : memref<128x128xf32, #tpu.memory_space<vmem>>) target(%dma_start3A_133 : memref<128x128xf32, #tpu.memory_space<vmem_shared>>) target_semaphore(%run_scoped3A : memref<!tpu.dma_semaphore, #tpu.memory_space<semaphore_mem>>)
      %dma_wait3A_134 = arith.constant 0 : i32
      %dma_wait3A_135 = tpu.memref_slice %arg6[%add3A_22, %dma_wait3A_134] : memref<10240x128xf32, #tpu.memory_space<vmem_shared>> -> memref<128x128xf32, #tpu.memory_space<vmem_shared>>
      %dma_wait3A_136 = arith.constant 0 : i32
      %dma_wait3A_137 = tpu.memref_slice %arg6[%add3A_22, %dma_wait3A_136] : memref<10240x128xf32, #tpu.memory_space<vmem_shared>> -> memref<128x128xf32, #tpu.memory_space<vmem_shared>>
      tpu.wait_dma2 semaphore(%run_scoped3A : memref<!tpu.dma_semaphore, #tpu.memory_space<semaphore_mem>>) src(%arg5 : memref<128x128xf32, #tpu.memory_space<vmem>>) dst(%dma_wait3A_137 : memref<128x128xf32, #tpu.memory_space<vmem_shared>>)
      tpu.yield
    }) : () -> ()
    %mul3A_23 = arith.constant 640 : i32
    %mul3A_24 = arith.muli %arg1, %mul3A_23 : i32
    %add3A_25 = arith.constant 512 : i32
    %add3A_26 = arith.addi %mul3A_24, %add3A_25 : i32
    "tpu.region"() ({
      %run_scoped3A = tpu.sem_alloc : memref<!tpu.dma_semaphore, #tpu.memory_space<semaphore_mem>>
      %dma_start3A_130 = arith.constant 0 : i32
      %dma_start3A_131 = tpu.memref_slice %arg6[%add3A_26, %dma_start3A_130] : memref<10240x128xf32, #tpu.memory_space<vmem_shared>> -> memref<128x128xf32, #tpu.memory_space<vmem_shared>>
      %dma_start3A_132 = arith.constant 0 : i32
      %dma_start3A_133 = tpu.memref_slice %arg6[%add3A_26, %dma_start3A_132] : memref<10240x128xf32, #tpu.memory_space<vmem_shared>> -> memref<128x128xf32, #tpu.memory_space<vmem_shared>>
      tpu.enqueue_dma source(%arg5 : memref<128x128xf32, #tpu.memory_space<vmem>>) target(%dma_start3A_133 : memref<128x128xf32, #tpu.memory_space<vmem_shared>>) target_semaphore(%run_scoped3A : memref<!tpu.dma_semaphore, #tpu.memory_space<semaphore_mem>>)
      %dma_wait3A_134 = arith.constant 0 : i32
      %dma_wait3A_135 = tpu.memref_slice %arg6[%add3A_26, %dma_wait3A_134] : memref<10240x128xf32, #tpu.memory_space<vmem_shared>> -> memref<128x128xf32, #tpu.memory_space<vmem_shared>>
      %dma_wait3A_136 = arith.constant 0 : i32
      %dma_wait3A_137 = tpu.memref_slice %arg6[%add3A_26, %dma_wait3A_136] : memref<10240x128xf32, #tpu.memory_space<vmem_shared>> -> memref<128x128xf32, #tpu.memory_space<vmem_shared>>
      tpu.wait_dma2 semaphore(%run_scoped3A : memref<!tpu.dma_semaphore, #tpu.memory_space<semaphore_mem>>) src(%arg5 : memref<128x128xf32, #tpu.memory_space<vmem>>) dst(%dma_wait3A_137 : memref<128x128xf32, #tpu.memory_space<vmem_shared>>)
      tpu.yield
    }) : () -> ()
    %scan3A_27 = arith.constant 0 : i32
    %scan3A_28 = arith.constant 0 : i32
    %scan3A_29 = arith.constant 128 : i32
    %scan3A_30 = arith.addi %scan3A_28, %scan3A_29 : i32
    %scan3A_31 = arith.constant 1 : i32
    %scan3A_32 = scf.for %scan3A_130 = %scan3A_28 to %scan3A_30 step %scan3A_31 iter_args(%scan3A_131 = %scan3A_27) -> (i32)  : i32 {
      %broadcast_in_dim3A = arith.constant 1.000000e+00 : f32
      %broadcast_in_dim3A_132 = vector.broadcast %broadcast_in_dim3A : f32 to vector<16xf32>
      %swap3A = arith.index_cast %scan3A_130 : i32 to index
      %swap3A_133 = arith.constant 0 : index
      %swap3A_134 = tpu.vector_load %arg5[%swap3A, %swap3A_133] {strides = array<i32>} : memref<128x128xf32, #tpu.memory_space<vmem>>, vector<1x16xf32>,
      %swap3A_135 = vector.shape_cast %swap3A_134 : vector<1x16xf32> to vector<16xf32>
      %swap3A_136 = vector.shape_cast %broadcast_in_dim3A_132 : vector<16xf32> to vector<1x16xf32>
      tpu.vector_store %arg5[%swap3A, %swap3A_133], %swap3A_136 {strides = array<i32>} : memref<128x128xf32, #tpu.memory_space<vmem>>, vector<1x16xf32>,
      %broadcast_in_dim3A_137 = arith.constant 1.000000e+00 : f32
      %broadcast_in_dim3A_138 = vector.broadcast %broadcast_in_dim3A_137 : f32 to vector<16xf32>
      %swap3A_139 = arith.index_cast %scan3A_130 : i32 to index
      %swap3A_140 = arith.constant 16 : index
      %swap3A_141 = tpu.vector_load %arg5[%swap3A_139, %swap3A_140] {strides = array<i32>} : memref<128x128xf32, #tpu.memory_space<vmem>>, vector<1x16xf32>,
      %swap3A_142 = vector.shape_cast %swap3A_141 : vector<1x16xf32> to vector<16xf32>
      %swap3A_143 = vector.shape_cast %broadcast_in_dim3A_138 : vector<16xf32> to vector<1x16xf32>
      tpu.vector_store %arg5[%swap3A_139, %swap3A_140], %swap3A_143 {strides = array<i32>} : memref<128x128xf32, #tpu.memory_space<vmem>>, vector<1x16xf32>,
      %broadcast_in_dim3A_144 = arith.constant 1.000000e+00 : f32
      %broadcast_in_dim3A_145 = vector.broadcast %broadcast_in_dim3A_144 : f32 to vector<16xf32>
      %swap3A_146 = arith.index_cast %scan3A_130 : i32 to index
      %swap3A_147 = arith.constant 32 : index
      %swap3A_148 = tpu.vector_load %arg5[%swap3A_146, %swap3A_147] {strides = array<i32>} : memref<128x128xf32, #tpu.memory_space<vmem>>, vector<1x16xf32>,
      %swap3A_149 = vector.shape_cast %swap3A_148 : vector<1x16xf32> to vector<16xf32>
      %swap3A_150 = vector.shape_cast %broadcast_in_dim3A_145 : vector<16xf32> to vector<1x16xf32>
      tpu.vector_store %arg5[%swap3A_146, %swap3A_147], %swap3A_150 {strides = array<i32>} : memref<128x128xf32, #tpu.memory_space<vmem>>, vector<1x16xf32>,
      %broadcast_in_dim3A_151 = arith.constant 1.000000e+00 : f32
      %broadcast_in_dim3A_152 = vector.broadcast %broadcast_in_dim3A_151 : f32 to vector<16xf32>
      %swap3A_153 = arith.index_cast %scan3A_130 : i32 to index
      %swap3A_154 = arith.constant 48 : index
      %swap3A_155 = tpu.vector_load %arg5[%swap3A_153, %swap3A_154] {strides = array<i32>} : memref<128x128xf32, #tpu.memory_space<vmem>>, vector<1x16xf32>,
      %swap3A_156 = vector.shape_cast %swap3A_155 : vector<1x16xf32> to vector<16xf32>
      %swap3A_157 = vector.shape_cast %broadcast_in_dim3A_152 : vector<16xf32> to vector<1x16xf32>
      tpu.vector_store %arg5[%swap3A_153, %swap3A_154], %swap3A_157 {strides = array<i32>} : memref<128x128xf32, #tpu.memory_space<vmem>>, vector<1x16xf32>,
      %broadcast_in_dim3A_158 = arith.constant 1.000000e+00 : f32
      %broadcast_in_dim3A_159 = vector.broadcast %broadcast_in_dim3A_158 : f32 to vector<16xf32>
      %swap3A_160 = arith.index_cast %scan3A_130 : i32 to index
      %swap3A_161 = arith.constant 64 : index
      %swap3A_162 = tpu.vector_load %arg5[%swap3A_160, %swap3A_161] {strides = array<i32>} : memref<128x128xf32, #tpu.memory_space<vmem>>, vector<1x16xf32>,
      %swap3A_163 = vector.shape_cast %swap3A_162 : vector<1x16xf32> to vector<16xf32>
      %swap3A_164 = vector.shape_cast %broadcast_in_dim3A_159 : vector<16xf32> to vector<1x16xf32>
      tpu.vector_store %arg5[%swap3A_160, %swap3A_161], %swap3A_164 {strides = array<i32>} : memref<128x128xf32, #tpu.memory_space<vmem>>, vector<1x16xf32>,
      %broadcast_in_dim3A_165 = arith.constant 1.000000e+00 : f32
      %broadcast_in_dim3A_166 = vector.broadcast %broadcast_in_dim3A_165 : f32 to vector<16xf32>
      %swap3A_167 = arith.index_cast %scan3A_130 : i32 to index
      %swap3A_168 = arith.constant 80 : index
      %swap3A_169 = tpu.vector_load %arg5[%swap3A_167, %swap3A_168] {strides = array<i32>} : memref<128x128xf32, #tpu.memory_space<vmem>>, vector<1x16xf32>,
      %swap3A_170 = vector.shape_cast %swap3A_169 : vector<1x16xf32> to vector<16xf32>
      %swap3A_171 = vector.shape_cast %broadcast_in_dim3A_166 : vector<16xf32> to vector<1x16xf32>
      tpu.vector_store %arg5[%swap3A_167, %swap3A_168], %swap3A_171 {strides = array<i32>} : memref<128x128xf32, #tpu.memory_space<vmem>>, vector<1x16xf32>,
      %broadcast_in_dim3A_172 = arith.constant 1.000000e+00 : f32
      %broadcast_in_dim3A_173 = vector.broadcast %broadcast_in_dim3A_172 : f32 to vector<16xf32>
      %swap3A_174 = arith.index_cast %scan3A_130 : i32 to index
      %swap3A_175 = arith.constant 96 : index
      %swap3A_176 = tpu.vector_load %arg5[%swap3A_174, %swap3A_175] {strides = array<i32>} : memref<128x128xf32, #tpu.memory_space<vmem>>, vector<1x16xf32>,
      %swap3A_177 = vector.shape_cast %swap3A_176 : vector<1x16xf32> to vector<16xf32>
      %swap3A_178 = vector.shape_cast %broadcast_in_dim3A_173 : vector<16xf32> to vector<1x16xf32>
      tpu.vector_store %arg5[%swap3A_174, %swap3A_175], %swap3A_178 {strides = array<i32>} : memref<128x128xf32, #tpu.memory_space<vmem>>, vector<1x16xf32>,
      %broadcast_in_dim3A_179 = arith.constant 1.000000e+00 : f32
      %broadcast_in_dim3A_180 = vector.broadcast %broadcast_in_dim3A_179 : f32 to vector<16xf32>
      %swap3A_181 = arith.index_cast %scan3A_130 : i32 to index
      %swap3A_182 = arith.constant 112 : index
      %swap3A_183 = tpu.vector_load %arg5[%swap3A_181, %swap3A_182] {strides = array<i32>} : memref<128x128xf32, #tpu.memory_space<vmem>>, vector<1x16xf32>,
      %swap3A_184 = vector.shape_cast %swap3A_183 : vector<1x16xf32> to vector<16xf32>
      %swap3A_185 = vector.shape_cast %broadcast_in_dim3A_180 : vector<16xf32> to vector<1x16xf32>
      tpu.vector_store %arg5[%swap3A_181, %swap3A_182], %swap3A_185 {strides = array<i32>} : memref<128x128xf32, #tpu.memory_space<vmem>>, vector<1x16xf32>,
      %scan3A_186 = arith.constant 0 : i32
      scf.yield %scan3A_186 : i32
    }
    %scan3A_33 = arith.constant 128 : i32
    "tpu.region"() ({
      %run_scoped3A = tpu.sem_alloc : memref<!tpu.dma_semaphore, #tpu.memory_space<semaphore_mem>>
      %dma_start3A_130 = arith.constant 0 : i32
      %dma_start3A_131 = arith.constant 0 : i32
      %dma_start3A_132 = tpu.memref_slice %arg2[%add3A, %dma_start3A_130, %dma_start3A_131] : memref<32x80x128xi32, #tpu.memory_space<hbm>> -> memref<1x80x128xi32, #tpu.memory_space<hbm>>
      %dma_start3A_133 = tpu.memref_squeeze %dma_start3A_132 : memref<1x80x128xi32, #tpu.memory_space<hbm>> -> memref<80x128xi32, #tpu.memory_space<hbm>>
      %dma_start3A_134 = arith.constant 0 : i32
      %dma_start3A_135 = arith.constant 0 : i32
      %dma_start3A_136 = tpu.memref_slice %arg2[%add3A, %dma_start3A_134, %dma_start3A_135] : memref<32x80x128xi32, #tpu.memory_space<hbm>> -> memref<1x80x128xi32, #tpu.memory_space<hbm>>
      %dma_start3A_137 = tpu.memref_squeeze %dma_start3A_136 : memref<1x80x128xi32, #tpu.memory_space<hbm>> -> memref<80x128xi32, #tpu.memory_space<hbm>>
      tpu.enqueue_dma source(%dma_start3A_137 : memref<80x128xi32, #tpu.memory_space<hbm>>) target(%arg4 : memref<80x128xi32, #tpu.memory_space<vmem>>) target_semaphore(%run_scoped3A : memref<!tpu.dma_semaphore, #tpu.memory_space<semaphore_mem>>)
      %dma_wait3A_138 = arith.constant 0 : i32
      %dma_wait3A_139 = arith.constant 0 : i32
      %dma_wait3A_140 = tpu.memref_slice %arg2[%add3A, %dma_wait3A_138, %dma_wait3A_139] : memref<32x80x128xi32, #tpu.memory_space<hbm>> -> memref<1x80x128xi32, #tpu.memory_space<hbm>>
      %dma_wait3A_141 = tpu.memref_squeeze %dma_wait3A_140 : memref<1x80x128xi32, #tpu.memory_space<hbm>> -> memref<80x128xi32, #tpu.memory_space<hbm>>
      %dma_wait3A_142 = arith.constant 0 : i32
      %dma_wait3A_143 = arith.constant 0 : i32
      %dma_wait3A_144 = tpu.memref_slice %arg2[%add3A, %dma_wait3A_142, %dma_wait3A_143] : memref<32x80x128xi32, #tpu.memory_space<hbm>> -> memref<1x80x128xi32, #tpu.memory_space<hbm>>
      %dma_wait3A_145 = tpu.memref_squeeze %dma_wait3A_144 : memref<1x80x128xi32, #tpu.memory_space<hbm>> -> memref<80x128xi32, #tpu.memory_space<hbm>>
      tpu.wait_dma2 semaphore(%run_scoped3A : memref<!tpu.dma_semaphore, #tpu.memory_space<semaphore_mem>>) src(%dma_wait3A_145 : memref<80x128xi32, #tpu.memory_space<hbm>>) dst(%arg4 : memref<80x128xi32, #tpu.memory_space<vmem>>)
      tpu.yield
    }) : () -> ()
    %barrier3A = arith.constant 0 : index
    tpu.barrier barrier_id(%barrier3A)
    %scan3A_34 = arith.constant 0 : i32
    %scan3A_35 = arith.constant 0 : i32
    %scan3A_36 = arith.constant 80 : i32
    %scan3A_37 = arith.addi %scan3A_35, %scan3A_36 : i32
    %scan3A_38 = arith.constant 1 : i32
    %scan3A_39 = scf.for %scan3A_130 = %scan3A_35 to %scan3A_37 step %scan3A_38 iter_args(%scan3A_131 = %scan3A_34) -> (i32)  : i32 {
      "tpu.region"() ({
        %run_scoped3A = tpu.sem_alloc : memref<!tpu.dma_semaphore, #tpu.memory_space<semaphore_mem>>
        %dma_start3A_133 = arith.constant 0 : i32
        %dma_start3A_134 = tpu.memref_slice %arg4[%scan3A_130, %dma_start3A_133] : memref<80x128xi32, #tpu.memory_space<vmem>> -> memref<1x128xi32, #tpu.memory_space<vmem>>
        %dma_start3A_135 = tpu.memref_squeeze %dma_start3A_134 : memref<1x128xi32, #tpu.memory_space<vmem>> -> memref<128xi32, #tpu.memory_space<vmem>>
        %dma_start3A_136 = arith.constant 0 : i32
        %dma_start3A_137 = arith.constant 0 : i32
        %dma_start3A_138 = tpu.memref_slice %arg6[%dma_start3A_136, %dma_start3A_137] : memref<10240x128xf32, #tpu.memory_space<vmem_shared>> -> memref<10240x128xf32, #tpu.memory_space<vmem_shared>>
        tpu.enqueue_indirect_dma source(%arg5 : memref<128x128xf32, #tpu.memory_space<vmem>>) target(%dma_start3A_138 : memref<10240x128xf32, #tpu.memory_space<vmem_shared>>) offsets(%dma_start3A_135 : memref<128xi32, #tpu.memory_space<vmem>>) semaphore(%run_scoped3A : memref<!tpu.dma_semaphore, #tpu.memory_space<semaphore_mem>>) {add = true}
        %dma_wait3A_139 = arith.constant 0 : i32
        %dma_wait3A_140 = tpu.memref_slice %arg4[%scan3A_130, %dma_wait3A_139] : memref<80x128xi32, #tpu.memory_space<vmem>> -> memref<1x128xi32, #tpu.memory_space<vmem>>
        %dma_wait3A_141 = tpu.memref_squeeze %dma_wait3A_140 : memref<1x128xi32, #tpu.memory_space<vmem>> -> memref<128xi32, #tpu.memory_space<vmem>>
        %dma_wait3A_142 = arith.constant 0 : i32
        %dma_wait3A_143 = arith.constant 0 : i32
        %dma_wait3A_144 = tpu.memref_slice %arg6[%dma_wait3A_142, %dma_wait3A_143] : memref<10240x128xf32, #tpu.memory_space<vmem_shared>> -> memref<10240x128xf32, #tpu.memory_space<vmem_shared>>
        tpu.wait_indirect_dma semaphore(%run_scoped3A : memref<!tpu.dma_semaphore, #tpu.memory_space<semaphore_mem>>) src(%arg5 : memref<128x128xf32, #tpu.memory_space<vmem>>) dst(%dma_wait3A_144 : memref<10240x128xf32, #tpu.memory_space<vmem_shared>>)
        tpu.yield
      }) : () -> ()
      %scan3A_132 = arith.constant 0 : i32
      scf.yield %scan3A_132 : i32
    }
    %scan3A_40 = arith.constant 80 : i32
    %barrier3A_41 = arith.constant 0 : index
    tpu.barrier barrier_id(%barrier3A_41)
    %mul3A_42 = arith.constant 640 : i32
    %mul3A_43 = arith.muli %arg1, %mul3A_42 : i32
    %add3A_44 = arith.constant 0 : i32
    %add3A_45 = arith.addi %mul3A_43, %add3A_44 : i32
    %dma_start3A = arith.constant 0 : i32
    %dma_start3A_46 = tpu.memref_slice %arg3[%arg0, %add3A_45, %dma_start3A] : memref<2x10240x128xf32, #tpu.memory_space<hbm>> -> memref<1x128x128xf32, #tpu.memory_space<hbm>>
    %dma_start3A_47 = tpu.memref_squeeze %dma_start3A_46 : memref<1x128x128xf32, #tpu.memory_space<hbm>> -> memref<128x128xf32, #tpu.memory_space<hbm>>
    %dma_start3A_48 = arith.constant 0 : i32
    %dma_start3A_49 = tpu.memref_slice %arg6[%add3A_45, %dma_start3A_48] : memref<10240x128xf32, #tpu.memory_space<vmem_shared>> -> memref<128x128xf32, #tpu.memory_space<vmem_shared>>
    tpu.enqueue_dma source(%dma_start3A_49 : memref<128x128xf32, #tpu.memory_space<vmem_shared>>) target(%dma_start3A_47 : memref<128x128xf32, #tpu.memory_space<hbm>>) target_semaphore(%arg7 : memref<!tpu.dma_semaphore, #tpu.memory_space<semaphore_mem>>)
    %mul3A_50 = arith.constant 640 : i32
    %mul3A_51 = arith.muli %arg1, %mul3A_50 : i32
    %add3A_52 = arith.constant 128 : i32
    %add3A_53 = arith.addi %mul3A_51, %add3A_52 : i32
    %dma_start3A_54 = arith.constant 0 : i32
    %dma_start3A_55 = tpu.memref_slice %arg3[%arg0, %add3A_53, %dma_start3A_54] : memref<2x10240x128xf32, #tpu.memory_space<hbm>> -> memref<1x128x128xf32, #tpu.memory_space<hbm>>
    %dma_start3A_56 = tpu.memref_squeeze %dma_start3A_55 : memref<1x128x128xf32, #tpu.memory_space<hbm>> -> memref<128x128xf32, #tpu.memory_space<hbm>>
    %dma_start3A_57 = arith.constant 0 : i32
    %dma_start3A_58 = tpu.memref_slice %arg6[%add3A_53, %dma_start3A_57] : memref<10240x128xf32, #tpu.memory_space<vmem_shared>> -> memref<128x128xf32, #tpu.memory_space<vmem_shared>>
    tpu.enqueue_dma source(%dma_start3A_58 : memref<128x128xf32, #tpu.memory_space<vmem_shared>>) target(%dma_start3A_56 : memref<128x128xf32, #tpu.memory_space<hbm>>) target_semaphore(%arg7 : memref<!tpu.dma_semaphore, #tpu.memory_space<semaphore_mem>>)
    %mul3A_59 = arith.constant 640 : i32
    %mul3A_60 = arith.muli %arg1, %mul3A_59 : i32
    %add3A_61 = arith.constant 256 : i32
    %add3A_62 = arith.addi %mul3A_60, %add3A_61 : i32
    %dma_start3A_63 = arith.constant 0 : i32
    %dma_start3A_64 = tpu.memref_slice %arg3[%arg0, %add3A_62, %dma_start3A_63] : memref<2x10240x128xf32, #tpu.memory_space<hbm>> -> memref<1x128x128xf32, #tpu.memory_space<hbm>>
    %dma_start3A_65 = tpu.memref_squeeze %dma_start3A_64 : memref<1x128x128xf32, #tpu.memory_space<hbm>> -> memref<128x128xf32, #tpu.memory_space<hbm>>
    %dma_start3A_66 = arith.constant 0 : i32
    %dma_start3A_67 = tpu.memref_slice %arg6[%add3A_62, %dma_start3A_66] : memref<10240x128xf32, #tpu.memory_space<vmem_shared>> -> memref<128x128xf32, #tpu.memory_space<vmem_shared>>
    tpu.enqueue_dma source(%dma_start3A_67 : memref<128x128xf32, #tpu.memory_space<vmem_shared>>) target(%dma_start3A_65 : memref<128x128xf32, #tpu.memory_space<hbm>>) target_semaphore(%arg7 : memref<!tpu.dma_semaphore, #tpu.memory_space<semaphore_mem>>)
    %mul3A_68 = arith.constant 640 : i32
    %mul3A_69 = arith.muli %arg1, %mul3A_68 : i32
    %add3A_70 = arith.constant 384 : i32
    %add3A_71 = arith.addi %mul3A_69, %add3A_70 : i32
    %dma_start3A_72 = arith.constant 0 : i32
    %dma_start3A_73 = tpu.memref_slice %arg3[%arg0, %add3A_71, %dma_start3A_72] : memref<2x10240x128xf32, #tpu.memory_space<hbm>> -> memref<1x128x128xf32, #tpu.memory_space<hbm>>
    %dma_start3A_74 = tpu.memref_squeeze %dma_start3A_73 : memref<1x128x128xf32, #tpu.memory_space<hbm>> -> memref<128x128xf32, #tpu.memory_space<hbm>>
    %dma_start3A_75 = arith.constant 0 : i32
    %dma_start3A_76 = tpu.memref_slice %arg6[%add3A_71, %dma_start3A_75] : memref<10240x128xf32, #tpu.memory_space<vmem_shared>> -> memref<128x128xf32, #tpu.memory_space<vmem_shared>>
    tpu.enqueue_dma source(%dma_start3A_76 : memref<128x128xf32, #tpu.memory_space<vmem_shared>>) target(%dma_start3A_74 : memref<128x128xf32, #tpu.memory_space<hbm>>) target_semaphore(%arg7 : memref<!tpu.dma_semaphore, #tpu.memory_space<semaphore_mem>>)
    %mul3A_77 = arith.constant 640 : i32
    %mul3A_78 = arith.muli %arg1, %mul3A_77 : i32
    %add3A_79 = arith.constant 512 : i32
    %add3A_80 = arith.addi %mul3A_78, %add3A_79 : i32
    %dma_start3A_81 = arith.constant 0 : i32
    %dma_start3A_82 = tpu.memref_slice %arg3[%arg0, %add3A_80, %dma_start3A_81] : memref<2x10240x128xf32, #tpu.memory_space<hbm>> -> memref<1x128x128xf32, #tpu.memory_space<hbm>>
    %dma_start3A_83 = tpu.memref_squeeze %dma_start3A_82 : memref<1x128x128xf32, #tpu.memory_space<hbm>> -> memref<128x128xf32, #tpu.memory_space<hbm>>
    %dma_start3A_84 = arith.constant 0 : i32
    %dma_start3A_85 = tpu.memref_slice %arg6[%add3A_80, %dma_start3A_84] : memref<10240x128xf32, #tpu.memory_space<vmem_shared>> -> memref<128x128xf32, #tpu.memory_space<vmem_shared>>
    tpu.enqueue_dma source(%dma_start3A_85 : memref<128x128xf32, #tpu.memory_space<vmem_shared>>) target(%dma_start3A_83 : memref<128x128xf32, #tpu.memory_space<hbm>>) target_semaphore(%arg7 : memref<!tpu.dma_semaphore, #tpu.memory_space<semaphore_mem>>)
    %mul3A_86 = arith.constant 640 : i32
    %mul3A_87 = arith.muli %arg1, %mul3A_86 : i32
    %add3A_88 = arith.constant 0 : i32
    %add3A_89 = arith.addi %mul3A_87, %add3A_88 : i32
    %dma_wait3A = arith.constant 0 : i32
    %dma_wait3A_90 = tpu.memref_slice %arg3[%arg0, %add3A_89, %dma_wait3A] : memref<2x10240x128xf32, #tpu.memory_space<hbm>> -> memref<1x128x128xf32, #tpu.memory_space<hbm>>
    %dma_wait3A_91 = tpu.memref_squeeze %dma_wait3A_90 : memref<1x128x128xf32, #tpu.memory_space<hbm>> -> memref<128x128xf32, #tpu.memory_space<hbm>>
    %dma_wait3A_92 = arith.constant 0 : i32
    %dma_wait3A_93 = tpu.memref_slice %arg6[%add3A_89, %dma_wait3A_92] : memref<10240x128xf32, #tpu.memory_space<vmem_shared>> -> memref<128x128xf32, #tpu.memory_space<vmem_shared>>
    tpu.wait_dma2 semaphore(%arg7 : memref<!tpu.dma_semaphore, #tpu.memory_space<semaphore_mem>>) src(%dma_wait3A_93 : memref<128x128xf32, #tpu.memory_space<vmem_shared>>) dst(%dma_wait3A_91 : memref<128x128xf32, #tpu.memory_space<hbm>>)
    %mul3A_94 = arith.constant 640 : i32
    %mul3A_95 = arith.muli %arg1, %mul3A_94 : i32
    %add3A_96 = arith.constant 128 : i32
    %add3A_97 = arith.addi %mul3A_95, %add3A_96 : i32
    %dma_wait3A_98 = arith.constant 0 : i32
    %dma_wait3A_99 = tpu.memref_slice %arg3[%arg0, %add3A_97, %dma_wait3A_98] : memref<2x10240x128xf32, #tpu.memory_space<hbm>> -> memref<1x128x128xf32, #tpu.memory_space<hbm>>
    %dma_wait3A_100 = tpu.memref_squeeze %dma_wait3A_99 : memref<1x128x128xf32, #tpu.memory_space<hbm>> -> memref<128x128xf32, #tpu.memory_space<hbm>>
    %dma_wait3A_101 = arith.constant 0 : i32
    %dma_wait3A_102 = tpu.memref_slice %arg6[%add3A_97, %dma_wait3A_101] : memref<10240x128xf32, #tpu.memory_space<vmem_shared>> -> memref<128x128xf32, #tpu.memory_space<vmem_shared>>
    tpu.wait_dma2 semaphore(%arg7 : memref<!tpu.dma_semaphore, #tpu.memory_space<semaphore_mem>>) src(%dma_wait3A_102 : memref<128x128xf32, #tpu.memory_space<vmem_shared>>) dst(%dma_wait3A_100 : memref<128x128xf32, #tpu.memory_space<hbm>>)
    %mul3A_103 = arith.constant 640 : i32
    %mul3A_104 = arith.muli %arg1, %mul3A_103 : i32
    %add3A_105 = arith.constant 256 : i32
    %add3A_106 = arith.addi %mul3A_104, %add3A_105 : i32
    %dma_wait3A_107 = arith.constant 0 : i32
    %dma_wait3A_108 = tpu.memref_slice %arg3[%arg0, %add3A_106, %dma_wait3A_107] : memref<2x10240x128xf32, #tpu.memory_space<hbm>> -> memref<1x128x128xf32, #tpu.memory_space<hbm>>
    %dma_wait3A_109 = tpu.memref_squeeze %dma_wait3A_108 : memref<1x128x128xf32, #tpu.memory_space<hbm>> -> memref<128x128xf32, #tpu.memory_space<hbm>>
    %dma_wait3A_110 = arith.constant 0 : i32
    %dma_wait3A_111 = tpu.memref_slice %arg6[%add3A_106, %dma_wait3A_110] : memref<10240x128xf32, #tpu.memory_space<vmem_shared>> -> memref<128x128xf32, #tpu.memory_space<vmem_shared>>
    tpu.wait_dma2 semaphore(%arg7 : memref<!tpu.dma_semaphore, #tpu.memory_space<semaphore_mem>>) src(%dma_wait3A_111 : memref<128x128xf32, #tpu.memory_space<vmem_shared>>) dst(%dma_wait3A_109 : memref<128x128xf32, #tpu.memory_space<hbm>>)
    %mul3A_112 = arith.constant 640 : i32
    %mul3A_113 = arith.muli %arg1, %mul3A_112 : i32
    %add3A_114 = arith.constant 384 : i32
    %add3A_115 = arith.addi %mul3A_113, %add3A_114 : i32
    %dma_wait3A_116 = arith.constant 0 : i32
    %dma_wait3A_117 = tpu.memref_slice %arg3[%arg0, %add3A_115, %dma_wait3A_116] : memref<2x10240x128xf32, #tpu.memory_space<hbm>> -> memref<1x128x128xf32, #tpu.memory_space<hbm>>
    %dma_wait3A_118 = tpu.memref_squeeze %dma_wait3A_117 : memref<1x128x128xf32, #tpu.memory_space<hbm>> -> memref<128x128xf32, #tpu.memory_space<hbm>>
    %dma_wait3A_119 = arith.constant 0 : i32
    %dma_wait3A_120 = tpu.memref_slice %arg6[%add3A_115, %dma_wait3A_119] : memref<10240x128xf32, #tpu.memory_space<vmem_shared>> -> memref<128x128xf32, #tpu.memory_space<vmem_shared>>
    tpu.wait_dma2 semaphore(%arg7 : memref<!tpu.dma_semaphore, #tpu.memory_space<semaphore_mem>>) src(%dma_wait3A_120 : memref<128x128xf32, #tpu.memory_space<vmem_shared>>) dst(%dma_wait3A_118 : memref<128x128xf32, #tpu.memory_space<hbm>>)
    %mul3A_121 = arith.constant 640 : i32
    %mul3A_122 = arith.muli %arg1, %mul3A_121 : i32
    %add3A_123 = arith.constant 512 : i32
    %add3A_124 = arith.addi %mul3A_122, %add3A_123 : i32
    %dma_wait3A_125 = arith.constant 0 : i32
    %dma_wait3A_126 = tpu.memref_slice %arg3[%arg0, %add3A_124, %dma_wait3A_125] : memref<2x10240x128xf32, #tpu.memory_space<hbm>> -> memref<1x128x128xf32, #tpu.memory_space<hbm>>
    %dma_wait3A_127 = tpu.memref_squeeze %dma_wait3A_126 : memref<1x128x128xf32, #tpu.memory_space<hbm>> -> memref<128x128xf32, #tpu.memory_space<hbm>>
    %dma_wait3A_128 = arith.constant 0 : i32
    %dma_wait3A_129 = tpu.memref_slice %arg6[%add3A_124, %dma_wait3A_128] : memref<10240x128xf32, #tpu.memory_space<vmem_shared>> -> memref<128x128xf32, #tpu.memory_space<vmem_shared>>
    tpu.wait_dma2 semaphore(%arg7 : memref<!tpu.dma_semaphore, #tpu.memory_space<semaphore_mem>>) src(%dma_wait3A_129 : memref<128x128xf32, #tpu.memory_space<vmem_shared>>) dst(%dma_wait3A_127 : memref<128x128xf32, #tpu.memory_space<hbm>>)
    return
  }
}

#map = affine_map<(d0, d1) -> (0, 0)>
#map1 = affine_map<(d0, d1) -> (0, 0, 0)>
module attributes {stable_mosaic.version = 14 : i64} {
  func.func @_sc_agg_body(%arg0: i32, %arg1: i32, %arg2: memref<10000x128xf32, #tpu.memory_space<hbm>>, %arg3: memref<32x80x128xi32, #tpu.memory_space<hbm>>, %arg4: memref<32x80x128xi32, #tpu.memory_space<hbm>>, %arg5: memref<2x10240x128xf32, #tpu.memory_space<hbm>>, %arg6: memref<80x128xi32, #tpu.memory_space<vmem>>, %arg7: memref<80x128xi32, #tpu.memory_space<vmem>>, %arg8: memref<128x128xf32, #tpu.memory_space<vmem>>, %arg9: memref<10240x128xf32, #tpu.memory_space<vmem_shared>>, %arg10: memref<!tpu.dma_semaphore, #tpu.memory_space<semaphore_mem>>) attributes {dimension_semantics = [#tpu.dimension_semantics<core_parallel>, #tpu.dimension_semantics<subcore_parallel>], iteration_bounds = array<i64: 2, 16>, scalar_prefetch = 0 : i64, scratch_operands = 5 : i64, tpu.core_type = #tpu.core_type<sc_vector_subcore>, window_params = [{transform_indices = #map}, {transform_indices = #map1}, {transform_indices = #map1}, {transform_indices = #map1}]} {
    %mul3A = arith.constant 2 : i32
    %mul3A_0 = arith.muli %arg1, %mul3A : i32
    %add3A = arith.addi %mul3A_0, %arg0 : i32
    %scan3A = arith.constant 0 : i32
    %scan3A_1 = arith.constant 0 : i32
    %scan3A_2 = arith.constant 128 : i32
    %scan3A_3 = arith.addi %scan3A_1, %scan3A_2 : i32
    %scan3A_4 = arith.constant 1 : i32
    %scan3A_5 = scf.for %scan3A_123 = %scan3A_1 to %scan3A_3 step %scan3A_4 iter_args(%scan3A_124 = %scan3A) -> (i32)  : i32 {
      %broadcast_in_dim3A = arith.constant 0.000000e+00 : f32
      %broadcast_in_dim3A_125 = vector.broadcast %broadcast_in_dim3A : f32 to vector<16xf32>
      %swap3A = arith.constant 0 : i32
      %swap3A_126 = arith.constant 0 : i32
      %swap3A_127 = tpu.memref_slice %arg8[%swap3A, %swap3A_126] : memref<128x128xf32, #tpu.memory_space<vmem>> -> memref<128x128xf32, #tpu.memory_space<vmem>>
      %swap3A_128 = arith.index_cast %scan3A_123 : i32 to index
      %swap3A_129 = arith.constant 0 : index
      %swap3A_130 = tpu.vector_load %swap3A_127[%swap3A_128, %swap3A_129] {strides = array<i32>} : memref<128x128xf32, #tpu.memory_space<vmem>>, vector<1x16xf32>,
      %swap3A_131 = vector.shape_cast %swap3A_130 : vector<1x16xf32> to vector<16xf32>
      %swap3A_132 = vector.shape_cast %broadcast_in_dim3A_125 : vector<16xf32> to vector<1x16xf32>
      tpu.vector_store %swap3A_127[%swap3A_128, %swap3A_129], %swap3A_132 {strides = array<i32>} : memref<128x128xf32, #tpu.memory_space<vmem>>, vector<1x16xf32>,
      %broadcast_in_dim3A_133 = arith.constant 0.000000e+00 : f32
      %broadcast_in_dim3A_134 = vector.broadcast %broadcast_in_dim3A_133 : f32 to vector<16xf32>
      %swap3A_135 = arith.constant 0 : i32
      %swap3A_136 = arith.constant 0 : i32
      %swap3A_137 = tpu.memref_slice %arg8[%swap3A_135, %swap3A_136] : memref<128x128xf32, #tpu.memory_space<vmem>> -> memref<128x128xf32, #tpu.memory_space<vmem>>
      %swap3A_138 = arith.index_cast %scan3A_123 : i32 to index
      %swap3A_139 = arith.constant 16 : index
      %swap3A_140 = tpu.vector_load %swap3A_137[%swap3A_138, %swap3A_139] {strides = array<i32>} : memref<128x128xf32, #tpu.memory_space<vmem>>, vector<1x16xf32>,
      %swap3A_141 = vector.shape_cast %swap3A_140 : vector<1x16xf32> to vector<16xf32>
      %swap3A_142 = vector.shape_cast %broadcast_in_dim3A_134 : vector<16xf32> to vector<1x16xf32>
      tpu.vector_store %swap3A_137[%swap3A_138, %swap3A_139], %swap3A_142 {strides = array<i32>} : memref<128x128xf32, #tpu.memory_space<vmem>>, vector<1x16xf32>,
      %broadcast_in_dim3A_143 = arith.constant 0.000000e+00 : f32
      %broadcast_in_dim3A_144 = vector.broadcast %broadcast_in_dim3A_143 : f32 to vector<16xf32>
      %swap3A_145 = arith.constant 0 : i32
      %swap3A_146 = arith.constant 0 : i32
      %swap3A_147 = tpu.memref_slice %arg8[%swap3A_145, %swap3A_146] : memref<128x128xf32, #tpu.memory_space<vmem>> -> memref<128x128xf32, #tpu.memory_space<vmem>>
      %swap3A_148 = arith.index_cast %scan3A_123 : i32 to index
      %swap3A_149 = arith.constant 32 : index
      %swap3A_150 = tpu.vector_load %swap3A_147[%swap3A_148, %swap3A_149] {strides = array<i32>} : memref<128x128xf32, #tpu.memory_space<vmem>>, vector<1x16xf32>,
      %swap3A_151 = vector.shape_cast %swap3A_150 : vector<1x16xf32> to vector<16xf32>
      %swap3A_152 = vector.shape_cast %broadcast_in_dim3A_144 : vector<16xf32> to vector<1x16xf32>
      tpu.vector_store %swap3A_147[%swap3A_148, %swap3A_149], %swap3A_152 {strides = array<i32>} : memref<128x128xf32, #tpu.memory_space<vmem>>, vector<1x16xf32>,
      %broadcast_in_dim3A_153 = arith.constant 0.000000e+00 : f32
      %broadcast_in_dim3A_154 = vector.broadcast %broadcast_in_dim3A_153 : f32 to vector<16xf32>
      %swap3A_155 = arith.constant 0 : i32
      %swap3A_156 = arith.constant 0 : i32
      %swap3A_157 = tpu.memref_slice %arg8[%swap3A_155, %swap3A_156] : memref<128x128xf32, #tpu.memory_space<vmem>> -> memref<128x128xf32, #tpu.memory_space<vmem>>
      %swap3A_158 = arith.index_cast %scan3A_123 : i32 to index
      %swap3A_159 = arith.constant 48 : index
      %swap3A_160 = tpu.vector_load %swap3A_157[%swap3A_158, %swap3A_159] {strides = array<i32>} : memref<128x128xf32, #tpu.memory_space<vmem>>, vector<1x16xf32>,
      %swap3A_161 = vector.shape_cast %swap3A_160 : vector<1x16xf32> to vector<16xf32>
      %swap3A_162 = vector.shape_cast %broadcast_in_dim3A_154 : vector<16xf32> to vector<1x16xf32>
      tpu.vector_store %swap3A_157[%swap3A_158, %swap3A_159], %swap3A_162 {strides = array<i32>} : memref<128x128xf32, #tpu.memory_space<vmem>>, vector<1x16xf32>,
      %broadcast_in_dim3A_163 = arith.constant 0.000000e+00 : f32
      %broadcast_in_dim3A_164 = vector.broadcast %broadcast_in_dim3A_163 : f32 to vector<16xf32>
      %swap3A_165 = arith.constant 0 : i32
      %swap3A_166 = arith.constant 0 : i32
      %swap3A_167 = tpu.memref_slice %arg8[%swap3A_165, %swap3A_166] : memref<128x128xf32, #tpu.memory_space<vmem>> -> memref<128x128xf32, #tpu.memory_space<vmem>>
      %swap3A_168 = arith.index_cast %scan3A_123 : i32 to index
      %swap3A_169 = arith.constant 64 : index
      %swap3A_170 = tpu.vector_load %swap3A_167[%swap3A_168, %swap3A_169] {strides = array<i32>} : memref<128x128xf32, #tpu.memory_space<vmem>>, vector<1x16xf32>,
      %swap3A_171 = vector.shape_cast %swap3A_170 : vector<1x16xf32> to vector<16xf32>
      %swap3A_172 = vector.shape_cast %broadcast_in_dim3A_164 : vector<16xf32> to vector<1x16xf32>
      tpu.vector_store %swap3A_167[%swap3A_168, %swap3A_169], %swap3A_172 {strides = array<i32>} : memref<128x128xf32, #tpu.memory_space<vmem>>, vector<1x16xf32>,
      %broadcast_in_dim3A_173 = arith.constant 0.000000e+00 : f32
      %broadcast_in_dim3A_174 = vector.broadcast %broadcast_in_dim3A_173 : f32 to vector<16xf32>
      %swap3A_175 = arith.constant 0 : i32
      %swap3A_176 = arith.constant 0 : i32
      %swap3A_177 = tpu.memref_slice %arg8[%swap3A_175, %swap3A_176] : memref<128x128xf32, #tpu.memory_space<vmem>> -> memref<128x128xf32, #tpu.memory_space<vmem>>
      %swap3A_178 = arith.index_cast %scan3A_123 : i32 to index
      %swap3A_179 = arith.constant 80 : index
      %swap3A_180 = tpu.vector_load %swap3A_177[%swap3A_178, %swap3A_179] {strides = array<i32>} : memref<128x128xf32, #tpu.memory_space<vmem>>, vector<1x16xf32>,
      %swap3A_181 = vector.shape_cast %swap3A_180 : vector<1x16xf32> to vector<16xf32>
      %swap3A_182 = vector.shape_cast %broadcast_in_dim3A_174 : vector<16xf32> to vector<1x16xf32>
      tpu.vector_store %swap3A_177[%swap3A_178, %swap3A_179], %swap3A_182 {strides = array<i32>} : memref<128x128xf32, #tpu.memory_space<vmem>>, vector<1x16xf32>,
      %broadcast_in_dim3A_183 = arith.constant 0.000000e+00 : f32
      %broadcast_in_dim3A_184 = vector.broadcast %broadcast_in_dim3A_183 : f32 to vector<16xf32>
      %swap3A_185 = arith.constant 0 : i32
      %swap3A_186 = arith.constant 0 : i32
      %swap3A_187 = tpu.memref_slice %arg8[%swap3A_185, %swap3A_186] : memref<128x128xf32, #tpu.memory_space<vmem>> -> memref<128x128xf32, #tpu.memory_space<vmem>>
      %swap3A_188 = arith.index_cast %scan3A_123 : i32 to index
      %swap3A_189 = arith.constant 96 : index
      %swap3A_190 = tpu.vector_load %swap3A_187[%swap3A_188, %swap3A_189] {strides = array<i32>} : memref<128x128xf32, #tpu.memory_space<vmem>>, vector<1x16xf32>,
      %swap3A_191 = vector.shape_cast %swap3A_190 : vector<1x16xf32> to vector<16xf32>
      %swap3A_192 = vector.shape_cast %broadcast_in_dim3A_184 : vector<16xf32> to vector<1x16xf32>
      tpu.vector_store %swap3A_187[%swap3A_188, %swap3A_189], %swap3A_192 {strides = array<i32>} : memref<128x128xf32, #tpu.memory_space<vmem>>, vector<1x16xf32>,
      %broadcast_in_dim3A_193 = arith.constant 0.000000e+00 : f32
      %broadcast_in_dim3A_194 = vector.broadcast %broadcast_in_dim3A_193 : f32 to vector<16xf32>
      %swap3A_195 = arith.constant 0 : i32
      %swap3A_196 = arith.constant 0 : i32
      %swap3A_197 = tpu.memref_slice %arg8[%swap3A_195, %swap3A_196] : memref<128x128xf32, #tpu.memory_space<vmem>> -> memref<128x128xf32, #tpu.memory_space<vmem>>
      %swap3A_198 = arith.index_cast %scan3A_123 : i32 to index
      %swap3A_199 = arith.constant 112 : index
      %swap3A_200 = tpu.vector_load %swap3A_197[%swap3A_198, %swap3A_199] {strides = array<i32>} : memref<128x128xf32, #tpu.memory_space<vmem>>, vector<1x16xf32>,
      %swap3A_201 = vector.shape_cast %swap3A_200 : vector<1x16xf32> to vector<16xf32>
      %swap3A_202 = vector.shape_cast %broadcast_in_dim3A_194 : vector<16xf32> to vector<1x16xf32>
      tpu.vector_store %swap3A_197[%swap3A_198, %swap3A_199], %swap3A_202 {strides = array<i32>} : memref<128x128xf32, #tpu.memory_space<vmem>>, vector<1x16xf32>,
      %scan3A_203 = arith.constant 0 : i32
      scf.yield %scan3A_203 : i32
    }
    %scan3A_6 = arith.constant 128 : i32
    %mul3A_7 = arith.constant 640 : i32
    %mul3A_8 = arith.muli %arg1, %mul3A_7 : i32
    %add3A_9 = arith.constant 0 : i32
    %add3A_10 = arith.addi %mul3A_8, %add3A_9 : i32
    "tpu.region"() ({
      %run_scoped3A = tpu.sem_alloc : memref<!tpu.dma_semaphore, #tpu.memory_space<semaphore_mem>>
      %dma_start3A_123 = arith.constant 0 : i32
      %dma_start3A_124 = arith.constant 0 : i32
      %dma_start3A_125 = tpu.memref_slice %arg8[%dma_start3A_123, %dma_start3A_124] : memref<128x128xf32, #tpu.memory_space<vmem>> -> memref<128x128xf32, #tpu.memory_space<vmem>>
      %dma_start3A_126 = arith.constant 0 : i32
      %dma_start3A_127 = tpu.memref_slice %arg9[%add3A_10, %dma_start3A_126] : memref<10240x128xf32, #tpu.memory_space<vmem_shared>> -> memref<128x128xf32, #tpu.memory_space<vmem_shared>>
      %dma_start3A_128 = arith.constant 0 : i32
      %dma_start3A_129 = tpu.memref_slice %arg9[%add3A_10, %dma_start3A_128] : memref<10240x128xf32, #tpu.memory_space<vmem_shared>> -> memref<128x128xf32, #tpu.memory_space<vmem_shared>>
      %dma_start3A_130 = arith.constant 0 : i32
      %dma_start3A_131 = arith.constant 0 : i32
      %dma_start3A_132 = tpu.memref_slice %arg8[%dma_start3A_130, %dma_start3A_131] : memref<128x128xf32, #tpu.memory_space<vmem>> -> memref<128x128xf32, #tpu.memory_space<vmem>>
      tpu.enqueue_dma source(%dma_start3A_132 : memref<128x128xf32, #tpu.memory_space<vmem>>) target(%dma_start3A_129 : memref<128x128xf32, #tpu.memory_space<vmem_shared>>) target_semaphore(%run_scoped3A : memref<!tpu.dma_semaphore, #tpu.memory_space<semaphore_mem>>)
      %dma_wait3A_133 = arith.constant 0 : i32
      %dma_wait3A_134 = arith.constant 0 : i32
      %dma_wait3A_135 = tpu.memref_slice %arg8[%dma_wait3A_133, %dma_wait3A_134] : memref<128x128xf32, #tpu.memory_space<vmem>> -> memref<128x128xf32, #tpu.memory_space<vmem>>
      %dma_wait3A_136 = arith.constant 0 : i32
      %dma_wait3A_137 = tpu.memref_slice %arg9[%add3A_10, %dma_wait3A_136] : memref<10240x128xf32, #tpu.memory_space<vmem_shared>> -> memref<128x128xf32, #tpu.memory_space<vmem_shared>>
      %dma_wait3A_138 = arith.constant 0 : i32
      %dma_wait3A_139 = tpu.memref_slice %arg9[%add3A_10, %dma_wait3A_138] : memref<10240x128xf32, #tpu.memory_space<vmem_shared>> -> memref<128x128xf32, #tpu.memory_space<vmem_shared>>
      %dma_wait3A_140 = arith.constant 0 : i32
      %dma_wait3A_141 = arith.constant 0 : i32
      %dma_wait3A_142 = tpu.memref_slice %arg8[%dma_wait3A_140, %dma_wait3A_141] : memref<128x128xf32, #tpu.memory_space<vmem>> -> memref<128x128xf32, #tpu.memory_space<vmem>>
      tpu.wait_dma2 semaphore(%run_scoped3A : memref<!tpu.dma_semaphore, #tpu.memory_space<semaphore_mem>>) src(%dma_wait3A_142 : memref<128x128xf32, #tpu.memory_space<vmem>>) dst(%dma_wait3A_139 : memref<128x128xf32, #tpu.memory_space<vmem_shared>>)
      tpu.yield
    }) : () -> ()
    %mul3A_11 = arith.constant 640 : i32
    %mul3A_12 = arith.muli %arg1, %mul3A_11 : i32
    %add3A_13 = arith.constant 128 : i32
    %add3A_14 = arith.addi %mul3A_12, %add3A_13 : i32
    "tpu.region"() ({
      %run_scoped3A = tpu.sem_alloc : memref<!tpu.dma_semaphore, #tpu.memory_space<semaphore_mem>>
      %dma_start3A_123 = arith.constant 0 : i32
      %dma_start3A_124 = arith.constant 0 : i32
      %dma_start3A_125 = tpu.memref_slice %arg8[%dma_start3A_123, %dma_start3A_124] : memref<128x128xf32, #tpu.memory_space<vmem>> -> memref<128x128xf32, #tpu.memory_space<vmem>>
      %dma_start3A_126 = arith.constant 0 : i32
      %dma_start3A_127 = tpu.memref_slice %arg9[%add3A_14, %dma_start3A_126] : memref<10240x128xf32, #tpu.memory_space<vmem_shared>> -> memref<128x128xf32, #tpu.memory_space<vmem_shared>>
      %dma_start3A_128 = arith.constant 0 : i32
      %dma_start3A_129 = tpu.memref_slice %arg9[%add3A_14, %dma_start3A_128] : memref<10240x128xf32, #tpu.memory_space<vmem_shared>> -> memref<128x128xf32, #tpu.memory_space<vmem_shared>>
      %dma_start3A_130 = arith.constant 0 : i32
      %dma_start3A_131 = arith.constant 0 : i32
      %dma_start3A_132 = tpu.memref_slice %arg8[%dma_start3A_130, %dma_start3A_131] : memref<128x128xf32, #tpu.memory_space<vmem>> -> memref<128x128xf32, #tpu.memory_space<vmem>>
      tpu.enqueue_dma source(%dma_start3A_132 : memref<128x128xf32, #tpu.memory_space<vmem>>) target(%dma_start3A_129 : memref<128x128xf32, #tpu.memory_space<vmem_shared>>) target_semaphore(%run_scoped3A : memref<!tpu.dma_semaphore, #tpu.memory_space<semaphore_mem>>)
      %dma_wait3A_133 = arith.constant 0 : i32
      %dma_wait3A_134 = arith.constant 0 : i32
      %dma_wait3A_135 = tpu.memref_slice %arg8[%dma_wait3A_133, %dma_wait3A_134] : memref<128x128xf32, #tpu.memory_space<vmem>> -> memref<128x128xf32, #tpu.memory_space<vmem>>
      %dma_wait3A_136 = arith.constant 0 : i32
      %dma_wait3A_137 = tpu.memref_slice %arg9[%add3A_14, %dma_wait3A_136] : memref<10240x128xf32, #tpu.memory_space<vmem_shared>> -> memref<128x128xf32, #tpu.memory_space<vmem_shared>>
      %dma_wait3A_138 = arith.constant 0 : i32
      %dma_wait3A_139 = tpu.memref_slice %arg9[%add3A_14, %dma_wait3A_138] : memref<10240x128xf32, #tpu.memory_space<vmem_shared>> -> memref<128x128xf32, #tpu.memory_space<vmem_shared>>
      %dma_wait3A_140 = arith.constant 0 : i32
      %dma_wait3A_141 = arith.constant 0 : i32
      %dma_wait3A_142 = tpu.memref_slice %arg8[%dma_wait3A_140, %dma_wait3A_141] : memref<128x128xf32, #tpu.memory_space<vmem>> -> memref<128x128xf32, #tpu.memory_space<vmem>>
      tpu.wait_dma2 semaphore(%run_scoped3A : memref<!tpu.dma_semaphore, #tpu.memory_space<semaphore_mem>>) src(%dma_wait3A_142 : memref<128x128xf32, #tpu.memory_space<vmem>>) dst(%dma_wait3A_139 : memref<128x128xf32, #tpu.memory_space<vmem_shared>>)
      tpu.yield
    }) : () -> ()
    %mul3A_15 = arith.constant 640 : i32
    %mul3A_16 = arith.muli %arg1, %mul3A_15 : i32
    %add3A_17 = arith.constant 256 : i32
    %add3A_18 = arith.addi %mul3A_16, %add3A_17 : i32
    "tpu.region"() ({
      %run_scoped3A = tpu.sem_alloc : memref<!tpu.dma_semaphore, #tpu.memory_space<semaphore_mem>>
      %dma_start3A_123 = arith.constant 0 : i32
      %dma_start3A_124 = arith.constant 0 : i32
      %dma_start3A_125 = tpu.memref_slice %arg8[%dma_start3A_123, %dma_start3A_124] : memref<128x128xf32, #tpu.memory_space<vmem>> -> memref<128x128xf32, #tpu.memory_space<vmem>>
      %dma_start3A_126 = arith.constant 0 : i32
      %dma_start3A_127 = tpu.memref_slice %arg9[%add3A_18, %dma_start3A_126] : memref<10240x128xf32, #tpu.memory_space<vmem_shared>> -> memref<128x128xf32, #tpu.memory_space<vmem_shared>>
      %dma_start3A_128 = arith.constant 0 : i32
      %dma_start3A_129 = tpu.memref_slice %arg9[%add3A_18, %dma_start3A_128] : memref<10240x128xf32, #tpu.memory_space<vmem_shared>> -> memref<128x128xf32, #tpu.memory_space<vmem_shared>>
      %dma_start3A_130 = arith.constant 0 : i32
      %dma_start3A_131 = arith.constant 0 : i32
      %dma_start3A_132 = tpu.memref_slice %arg8[%dma_start3A_130, %dma_start3A_131] : memref<128x128xf32, #tpu.memory_space<vmem>> -> memref<128x128xf32, #tpu.memory_space<vmem>>
      tpu.enqueue_dma source(%dma_start3A_132 : memref<128x128xf32, #tpu.memory_space<vmem>>) target(%dma_start3A_129 : memref<128x128xf32, #tpu.memory_space<vmem_shared>>) target_semaphore(%run_scoped3A : memref<!tpu.dma_semaphore, #tpu.memory_space<semaphore_mem>>)
      %dma_wait3A_133 = arith.constant 0 : i32
      %dma_wait3A_134 = arith.constant 0 : i32
      %dma_wait3A_135 = tpu.memref_slice %arg8[%dma_wait3A_133, %dma_wait3A_134] : memref<128x128xf32, #tpu.memory_space<vmem>> -> memref<128x128xf32, #tpu.memory_space<vmem>>
      %dma_wait3A_136 = arith.constant 0 : i32
      %dma_wait3A_137 = tpu.memref_slice %arg9[%add3A_18, %dma_wait3A_136] : memref<10240x128xf32, #tpu.memory_space<vmem_shared>> -> memref<128x128xf32, #tpu.memory_space<vmem_shared>>
      %dma_wait3A_138 = arith.constant 0 : i32
      %dma_wait3A_139 = tpu.memref_slice %arg9[%add3A_18, %dma_wait3A_138] : memref<10240x128xf32, #tpu.memory_space<vmem_shared>> -> memref<128x128xf32, #tpu.memory_space<vmem_shared>>
      %dma_wait3A_140 = arith.constant 0 : i32
      %dma_wait3A_141 = arith.constant 0 : i32
      %dma_wait3A_142 = tpu.memref_slice %arg8[%dma_wait3A_140, %dma_wait3A_141] : memref<128x128xf32, #tpu.memory_space<vmem>> -> memref<128x128xf32, #tpu.memory_space<vmem>>
      tpu.wait_dma2 semaphore(%run_scoped3A : memref<!tpu.dma_semaphore, #tpu.memory_space<semaphore_mem>>) src(%dma_wait3A_142 : memref<128x128xf32, #tpu.memory_space<vmem>>) dst(%dma_wait3A_139 : memref<128x128xf32, #tpu.memory_space<vmem_shared>>)
      tpu.yield
    }) : () -> ()
    %mul3A_19 = arith.constant 640 : i32
    %mul3A_20 = arith.muli %arg1, %mul3A_19 : i32
    %add3A_21 = arith.constant 384 : i32
    %add3A_22 = arith.addi %mul3A_20, %add3A_21 : i32
    "tpu.region"() ({
      %run_scoped3A = tpu.sem_alloc : memref<!tpu.dma_semaphore, #tpu.memory_space<semaphore_mem>>
      %dma_start3A_123 = arith.constant 0 : i32
      %dma_start3A_124 = arith.constant 0 : i32
      %dma_start3A_125 = tpu.memref_slice %arg8[%dma_start3A_123, %dma_start3A_124] : memref<128x128xf32, #tpu.memory_space<vmem>> -> memref<128x128xf32, #tpu.memory_space<vmem>>
      %dma_start3A_126 = arith.constant 0 : i32
      %dma_start3A_127 = tpu.memref_slice %arg9[%add3A_22, %dma_start3A_126] : memref<10240x128xf32, #tpu.memory_space<vmem_shared>> -> memref<128x128xf32, #tpu.memory_space<vmem_shared>>
      %dma_start3A_128 = arith.constant 0 : i32
      %dma_start3A_129 = tpu.memref_slice %arg9[%add3A_22, %dma_start3A_128] : memref<10240x128xf32, #tpu.memory_space<vmem_shared>> -> memref<128x128xf32, #tpu.memory_space<vmem_shared>>
      %dma_start3A_130 = arith.constant 0 : i32
      %dma_start3A_131 = arith.constant 0 : i32
      %dma_start3A_132 = tpu.memref_slice %arg8[%dma_start3A_130, %dma_start3A_131] : memref<128x128xf32, #tpu.memory_space<vmem>> -> memref<128x128xf32, #tpu.memory_space<vmem>>
      tpu.enqueue_dma source(%dma_start3A_132 : memref<128x128xf32, #tpu.memory_space<vmem>>) target(%dma_start3A_129 : memref<128x128xf32, #tpu.memory_space<vmem_shared>>) target_semaphore(%run_scoped3A : memref<!tpu.dma_semaphore, #tpu.memory_space<semaphore_mem>>)
      %dma_wait3A_133 = arith.constant 0 : i32
      %dma_wait3A_134 = arith.constant 0 : i32
      %dma_wait3A_135 = tpu.memref_slice %arg8[%dma_wait3A_133, %dma_wait3A_134] : memref<128x128xf32, #tpu.memory_space<vmem>> -> memref<128x128xf32, #tpu.memory_space<vmem>>
      %dma_wait3A_136 = arith.constant 0 : i32
      %dma_wait3A_137 = tpu.memref_slice %arg9[%add3A_22, %dma_wait3A_136] : memref<10240x128xf32, #tpu.memory_space<vmem_shared>> -> memref<128x128xf32, #tpu.memory_space<vmem_shared>>
      %dma_wait3A_138 = arith.constant 0 : i32
      %dma_wait3A_139 = tpu.memref_slice %arg9[%add3A_22, %dma_wait3A_138] : memref<10240x128xf32, #tpu.memory_space<vmem_shared>> -> memref<128x128xf32, #tpu.memory_space<vmem_shared>>
      %dma_wait3A_140 = arith.constant 0 : i32
      %dma_wait3A_141 = arith.constant 0 : i32
      %dma_wait3A_142 = tpu.memref_slice %arg8[%dma_wait3A_140, %dma_wait3A_141] : memref<128x128xf32, #tpu.memory_space<vmem>> -> memref<128x128xf32, #tpu.memory_space<vmem>>
      tpu.wait_dma2 semaphore(%run_scoped3A : memref<!tpu.dma_semaphore, #tpu.memory_space<semaphore_mem>>) src(%dma_wait3A_142 : memref<128x128xf32, #tpu.memory_space<vmem>>) dst(%dma_wait3A_139 : memref<128x128xf32, #tpu.memory_space<vmem_shared>>)
      tpu.yield
    }) : () -> ()
    %mul3A_23 = arith.constant 640 : i32
    %mul3A_24 = arith.muli %arg1, %mul3A_23 : i32
    %add3A_25 = arith.constant 512 : i32
    %add3A_26 = arith.addi %mul3A_24, %add3A_25 : i32
    "tpu.region"() ({
      %run_scoped3A = tpu.sem_alloc : memref<!tpu.dma_semaphore, #tpu.memory_space<semaphore_mem>>
      %dma_start3A_123 = arith.constant 0 : i32
      %dma_start3A_124 = arith.constant 0 : i32
      %dma_start3A_125 = tpu.memref_slice %arg8[%dma_start3A_123, %dma_start3A_124] : memref<128x128xf32, #tpu.memory_space<vmem>> -> memref<128x128xf32, #tpu.memory_space<vmem>>
      %dma_start3A_126 = arith.constant 0 : i32
      %dma_start3A_127 = tpu.memref_slice %arg9[%add3A_26, %dma_start3A_126] : memref<10240x128xf32, #tpu.memory_space<vmem_shared>> -> memref<128x128xf32, #tpu.memory_space<vmem_shared>>
      %dma_start3A_128 = arith.constant 0 : i32
      %dma_start3A_129 = tpu.memref_slice %arg9[%add3A_26, %dma_start3A_128] : memref<10240x128xf32, #tpu.memory_space<vmem_shared>> -> memref<128x128xf32, #tpu.memory_space<vmem_shared>>
      %dma_start3A_130 = arith.constant 0 : i32
      %dma_start3A_131 = arith.constant 0 : i32
      %dma_start3A_132 = tpu.memref_slice %arg8[%dma_start3A_130, %dma_start3A_131] : memref<128x128xf32, #tpu.memory_space<vmem>> -> memref<128x128xf32, #tpu.memory_space<vmem>>
      tpu.enqueue_dma source(%dma_start3A_132 : memref<128x128xf32, #tpu.memory_space<vmem>>) target(%dma_start3A_129 : memref<128x128xf32, #tpu.memory_space<vmem_shared>>) target_semaphore(%run_scoped3A : memref<!tpu.dma_semaphore, #tpu.memory_space<semaphore_mem>>)
      %dma_wait3A_133 = arith.constant 0 : i32
      %dma_wait3A_134 = arith.constant 0 : i32
      %dma_wait3A_135 = tpu.memref_slice %arg8[%dma_wait3A_133, %dma_wait3A_134] : memref<128x128xf32, #tpu.memory_space<vmem>> -> memref<128x128xf32, #tpu.memory_space<vmem>>
      %dma_wait3A_136 = arith.constant 0 : i32
      %dma_wait3A_137 = tpu.memref_slice %arg9[%add3A_26, %dma_wait3A_136] : memref<10240x128xf32, #tpu.memory_space<vmem_shared>> -> memref<128x128xf32, #tpu.memory_space<vmem_shared>>
      %dma_wait3A_138 = arith.constant 0 : i32
      %dma_wait3A_139 = tpu.memref_slice %arg9[%add3A_26, %dma_wait3A_138] : memref<10240x128xf32, #tpu.memory_space<vmem_shared>> -> memref<128x128xf32, #tpu.memory_space<vmem_shared>>
      %dma_wait3A_140 = arith.constant 0 : i32
      %dma_wait3A_141 = arith.constant 0 : i32
      %dma_wait3A_142 = tpu.memref_slice %arg8[%dma_wait3A_140, %dma_wait3A_141] : memref<128x128xf32, #tpu.memory_space<vmem>> -> memref<128x128xf32, #tpu.memory_space<vmem>>
      tpu.wait_dma2 semaphore(%run_scoped3A : memref<!tpu.dma_semaphore, #tpu.memory_space<semaphore_mem>>) src(%dma_wait3A_142 : memref<128x128xf32, #tpu.memory_space<vmem>>) dst(%dma_wait3A_139 : memref<128x128xf32, #tpu.memory_space<vmem_shared>>)
      tpu.yield
    }) : () -> ()
    "tpu.region"() ({
      %run_scoped3A = tpu.sem_alloc : memref<!tpu.dma_semaphore, #tpu.memory_space<semaphore_mem>>
      %dma_start3A_123 = arith.constant 0 : i32
      %dma_start3A_124 = arith.constant 0 : i32
      %dma_start3A_125 = tpu.memref_slice %arg3[%add3A, %dma_start3A_123, %dma_start3A_124] : memref<32x80x128xi32, #tpu.memory_space<hbm>> -> memref<1x80x128xi32, #tpu.memory_space<hbm>>
      %dma_start3A_126 = tpu.memref_squeeze %dma_start3A_125 : memref<1x80x128xi32, #tpu.memory_space<hbm>> -> memref<80x128xi32, #tpu.memory_space<hbm>>
      %dma_start3A_127 = arith.constant 0 : i32
      %dma_start3A_128 = arith.constant 0 : i32
      %dma_start3A_129 = tpu.memref_slice %arg3[%add3A, %dma_start3A_127, %dma_start3A_128] : memref<32x80x128xi32, #tpu.memory_space<hbm>> -> memref<1x80x128xi32, #tpu.memory_space<hbm>>
      %dma_start3A_130 = tpu.memref_squeeze %dma_start3A_129 : memref<1x80x128xi32, #tpu.memory_space<hbm>> -> memref<80x128xi32, #tpu.memory_space<hbm>>
      tpu.enqueue_dma source(%dma_start3A_130 : memref<80x128xi32, #tpu.memory_space<hbm>>) target(%arg6 : memref<80x128xi32, #tpu.memory_space<vmem>>) target_semaphore(%run_scoped3A : memref<!tpu.dma_semaphore, #tpu.memory_space<semaphore_mem>>)
      %dma_wait3A_131 = arith.constant 0 : i32
      %dma_wait3A_132 = arith.constant 0 : i32
      %dma_wait3A_133 = tpu.memref_slice %arg3[%add3A, %dma_wait3A_131, %dma_wait3A_132] : memref<32x80x128xi32, #tpu.memory_space<hbm>> -> memref<1x80x128xi32, #tpu.memory_space<hbm>>
      %dma_wait3A_134 = tpu.memref_squeeze %dma_wait3A_133 : memref<1x80x128xi32, #tpu.memory_space<hbm>> -> memref<80x128xi32, #tpu.memory_space<hbm>>
      %dma_wait3A_135 = arith.constant 0 : i32
      %dma_wait3A_136 = arith.constant 0 : i32
      %dma_wait3A_137 = tpu.memref_slice %arg3[%add3A, %dma_wait3A_135, %dma_wait3A_136] : memref<32x80x128xi32, #tpu.memory_space<hbm>> -> memref<1x80x128xi32, #tpu.memory_space<hbm>>
      %dma_wait3A_138 = tpu.memref_squeeze %dma_wait3A_137 : memref<1x80x128xi32, #tpu.memory_space<hbm>> -> memref<80x128xi32, #tpu.memory_space<hbm>>
      tpu.wait_dma2 semaphore(%run_scoped3A : memref<!tpu.dma_semaphore, #tpu.memory_space<semaphore_mem>>) src(%dma_wait3A_138 : memref<80x128xi32, #tpu.memory_space<hbm>>) dst(%arg6 : memref<80x128xi32, #tpu.memory_space<vmem>>)
      tpu.yield
    }) : () -> ()
    "tpu.region"() ({
      %run_scoped3A = tpu.sem_alloc : memref<!tpu.dma_semaphore, #tpu.memory_space<semaphore_mem>>
      %dma_start3A_123 = arith.constant 0 : i32
      %dma_start3A_124 = arith.constant 0 : i32
      %dma_start3A_125 = tpu.memref_slice %arg4[%add3A, %dma_start3A_123, %dma_start3A_124] : memref<32x80x128xi32, #tpu.memory_space<hbm>> -> memref<1x80x128xi32, #tpu.memory_space<hbm>>
      %dma_start3A_126 = tpu.memref_squeeze %dma_start3A_125 : memref<1x80x128xi32, #tpu.memory_space<hbm>> -> memref<80x128xi32, #tpu.memory_space<hbm>>
      %dma_start3A_127 = arith.constant 0 : i32
      %dma_start3A_128 = arith.constant 0 : i32
      %dma_start3A_129 = tpu.memref_slice %arg4[%add3A, %dma_start3A_127, %dma_start3A_128] : memref<32x80x128xi32, #tpu.memory_space<hbm>> -> memref<1x80x128xi32, #tpu.memory_space<hbm>>
      %dma_start3A_130 = tpu.memref_squeeze %dma_start3A_129 : memref<1x80x128xi32, #tpu.memory_space<hbm>> -> memref<80x128xi32, #tpu.memory_space<hbm>>
      tpu.enqueue_dma source(%dma_start3A_130 : memref<80x128xi32, #tpu.memory_space<hbm>>) target(%arg7 : memref<80x128xi32, #tpu.memory_space<vmem>>) target_semaphore(%run_scoped3A : memref<!tpu.dma_semaphore, #tpu.memory_space<semaphore_mem>>)
      %dma_wait3A_131 = arith.constant 0 : i32
      %dma_wait3A_132 = arith.constant 0 : i32
      %dma_wait3A_133 = tpu.memref_slice %arg4[%add3A, %dma_wait3A_131, %dma_wait3A_132] : memref<32x80x128xi32, #tpu.memory_space<hbm>> -> memref<1x80x128xi32, #tpu.memory_space<hbm>>
      %dma_wait3A_134 = tpu.memref_squeeze %dma_wait3A_133 : memref<1x80x128xi32, #tpu.memory_space<hbm>> -> memref<80x128xi32, #tpu.memory_space<hbm>>
      %dma_wait3A_135 = arith.constant 0 : i32
      %dma_wait3A_136 = arith.constant 0 : i32
      %dma_wait3A_137 = tpu.memref_slice %arg4[%add3A, %dma_wait3A_135, %dma_wait3A_136] : memref<32x80x128xi32, #tpu.memory_space<hbm>> -> memref<1x80x128xi32, #tpu.memory_space<hbm>>
      %dma_wait3A_138 = tpu.memref_squeeze %dma_wait3A_137 : memref<1x80x128xi32, #tpu.memory_space<hbm>> -> memref<80x128xi32, #tpu.memory_space<hbm>>
      tpu.wait_dma2 semaphore(%run_scoped3A : memref<!tpu.dma_semaphore, #tpu.memory_space<semaphore_mem>>) src(%dma_wait3A_138 : memref<80x128xi32, #tpu.memory_space<hbm>>) dst(%arg7 : memref<80x128xi32, #tpu.memory_space<vmem>>)
      tpu.yield
    }) : () -> ()
    %barrier3A = arith.constant 0 : index
    tpu.barrier barrier_id(%barrier3A)
    %scan3A_27 = arith.constant 0 : i32
    %scan3A_28 = arith.constant 0 : i32
    %scan3A_29 = arith.constant 80 : i32
    %scan3A_30 = arith.addi %scan3A_28, %scan3A_29 : i32
    %scan3A_31 = arith.constant 1 : i32
    %scan3A_32 = scf.for %scan3A_123 = %scan3A_28 to %scan3A_30 step %scan3A_31 iter_args(%scan3A_124 = %scan3A_27) -> (i32)  : i32 {
      %dma_start3A_125 = arith.constant 0 : i32
      %dma_start3A_126 = arith.constant 0 : i32
      %dma_start3A_127 = tpu.memref_slice %arg8[%dma_start3A_125, %dma_start3A_126] : memref<128x128xf32, #tpu.memory_space<vmem>> -> memref<128x128xf32, #tpu.memory_space<vmem>>
      %dma_start3A_128 = arith.constant 0 : i32
      %dma_start3A_129 = tpu.memref_slice %arg6[%scan3A_123, %dma_start3A_128] : memref<80x128xi32, #tpu.memory_space<vmem>> -> memref<1x128xi32, #tpu.memory_space<vmem>>
      %dma_start3A_130 = tpu.memref_squeeze %dma_start3A_129 : memref<1x128xi32, #tpu.memory_space<vmem>> -> memref<128xi32, #tpu.memory_space<vmem>>
      %dma_start3A_131 = arith.constant 0 : i32
      %dma_start3A_132 = arith.constant 0 : i32
      %dma_start3A_133 = tpu.memref_slice %arg2[%dma_start3A_131, %dma_start3A_132] : memref<10000x128xf32, #tpu.memory_space<hbm>> -> memref<10000x128xf32, #tpu.memory_space<hbm>>
      tpu.enqueue_indirect_dma source(%dma_start3A_133 : memref<10000x128xf32, #tpu.memory_space<hbm>>) target(%dma_start3A_127 : memref<128x128xf32, #tpu.memory_space<vmem>>) offsets(%dma_start3A_130 : memref<128xi32, #tpu.memory_space<vmem>>) semaphore(%arg10 : memref<!tpu.dma_semaphore, #tpu.memory_space<semaphore_mem>>)
      %dma_wait3A_134 = arith.constant 0 : i32
      %dma_wait3A_135 = arith.constant 0 : i32
      %dma_wait3A_136 = tpu.memref_slice %arg8[%dma_wait3A_134, %dma_wait3A_135] : memref<128x128xf32, #tpu.memory_space<vmem>> -> memref<128x128xf32, #tpu.memory_space<vmem>>
      %dma_wait3A_137 = arith.constant 0 : i32
      %dma_wait3A_138 = tpu.memref_slice %arg6[%scan3A_123, %dma_wait3A_137] : memref<80x128xi32, #tpu.memory_space<vmem>> -> memref<1x128xi32, #tpu.memory_space<vmem>>
      %dma_wait3A_139 = tpu.memref_squeeze %dma_wait3A_138 : memref<1x128xi32, #tpu.memory_space<vmem>> -> memref<128xi32, #tpu.memory_space<vmem>>
      %dma_wait3A_140 = arith.constant 0 : i32
      %dma_wait3A_141 = arith.constant 0 : i32
      %dma_wait3A_142 = tpu.memref_slice %arg2[%dma_wait3A_140, %dma_wait3A_141] : memref<10000x128xf32, #tpu.memory_space<hbm>> -> memref<10000x128xf32, #tpu.memory_space<hbm>>
      tpu.wait_indirect_dma semaphore(%arg10 : memref<!tpu.dma_semaphore, #tpu.memory_space<semaphore_mem>>) src(%dma_wait3A_142 : memref<10000x128xf32, #tpu.memory_space<hbm>>) dst(%dma_wait3A_136 : memref<128x128xf32, #tpu.memory_space<vmem>>)
      "tpu.region"() ({
        %run_scoped3A = tpu.sem_alloc : memref<!tpu.dma_semaphore, #tpu.memory_space<semaphore_mem>>
        %dma_start3A_144 = arith.constant 0 : i32
        %dma_start3A_145 = arith.constant 0 : i32
        %dma_start3A_146 = tpu.memref_slice %arg8[%dma_start3A_144, %dma_start3A_145] : memref<128x128xf32, #tpu.memory_space<vmem>> -> memref<128x128xf32, #tpu.memory_space<vmem>>
        %dma_start3A_147 = arith.constant 0 : i32
        %dma_start3A_148 = tpu.memref_slice %arg7[%scan3A_123, %dma_start3A_147] : memref<80x128xi32, #tpu.memory_space<vmem>> -> memref<1x128xi32, #tpu.memory_space<vmem>>
        %dma_start3A_149 = tpu.memref_squeeze %dma_start3A_148 : memref<1x128xi32, #tpu.memory_space<vmem>> -> memref<128xi32, #tpu.memory_space<vmem>>
        %dma_start3A_150 = arith.constant 0 : i32
        %dma_start3A_151 = arith.constant 0 : i32
        %dma_start3A_152 = tpu.memref_slice %arg9[%dma_start3A_150, %dma_start3A_151] : memref<10240x128xf32, #tpu.memory_space<vmem_shared>> -> memref<10240x128xf32, #tpu.memory_space<vmem_shared>>
        tpu.enqueue_indirect_dma source(%dma_start3A_146 : memref<128x128xf32, #tpu.memory_space<vmem>>) target(%dma_start3A_152 : memref<10240x128xf32, #tpu.memory_space<vmem_shared>>) offsets(%dma_start3A_149 : memref<128xi32, #tpu.memory_space<vmem>>) semaphore(%run_scoped3A : memref<!tpu.dma_semaphore, #tpu.memory_space<semaphore_mem>>) {add = true}
        %dma_wait3A_153 = arith.constant 0 : i32
        %dma_wait3A_154 = arith.constant 0 : i32
        %dma_wait3A_155 = tpu.memref_slice %arg8[%dma_wait3A_153, %dma_wait3A_154] : memref<128x128xf32, #tpu.memory_space<vmem>> -> memref<128x128xf32, #tpu.memory_space<vmem>>
        %dma_wait3A_156 = arith.constant 0 : i32
        %dma_wait3A_157 = tpu.memref_slice %arg7[%scan3A_123, %dma_wait3A_156] : memref<80x128xi32, #tpu.memory_space<vmem>> -> memref<1x128xi32, #tpu.memory_space<vmem>>
        %dma_wait3A_158 = tpu.memref_squeeze %dma_wait3A_157 : memref<1x128xi32, #tpu.memory_space<vmem>> -> memref<128xi32, #tpu.memory_space<vmem>>
        %dma_wait3A_159 = arith.constant 0 : i32
        %dma_wait3A_160 = arith.constant 0 : i32
        %dma_wait3A_161 = tpu.memref_slice %arg9[%dma_wait3A_159, %dma_wait3A_160] : memref<10240x128xf32, #tpu.memory_space<vmem_shared>> -> memref<10240x128xf32, #tpu.memory_space<vmem_shared>>
        tpu.wait_indirect_dma semaphore(%run_scoped3A : memref<!tpu.dma_semaphore, #tpu.memory_space<semaphore_mem>>) src(%dma_wait3A_155 : memref<128x128xf32, #tpu.memory_space<vmem>>) dst(%dma_wait3A_161 : memref<10240x128xf32, #tpu.memory_space<vmem_shared>>)
        tpu.yield
      }) : () -> ()
      %scan3A_143 = arith.constant 0 : i32
      scf.yield %scan3A_143 : i32
    }
    %scan3A_33 = arith.constant 80 : i32
    %barrier3A_34 = arith.constant 0 : index
    tpu.barrier barrier_id(%barrier3A_34)
    %mul3A_35 = arith.constant 640 : i32
    %mul3A_36 = arith.muli %arg1, %mul3A_35 : i32
    %add3A_37 = arith.constant 0 : i32
    %add3A_38 = arith.addi %mul3A_36, %add3A_37 : i32
    %dma_start3A = arith.constant 0 : i32
    %dma_start3A_39 = tpu.memref_slice %arg5[%arg0, %add3A_38, %dma_start3A] : memref<2x10240x128xf32, #tpu.memory_space<hbm>> -> memref<1x128x128xf32, #tpu.memory_space<hbm>>
    %dma_start3A_40 = tpu.memref_squeeze %dma_start3A_39 : memref<1x128x128xf32, #tpu.memory_space<hbm>> -> memref<128x128xf32, #tpu.memory_space<hbm>>
    %dma_start3A_41 = arith.constant 0 : i32
    %dma_start3A_42 = tpu.memref_slice %arg9[%add3A_38, %dma_start3A_41] : memref<10240x128xf32, #tpu.memory_space<vmem_shared>> -> memref<128x128xf32, #tpu.memory_space<vmem_shared>>
    tpu.enqueue_dma source(%dma_start3A_42 : memref<128x128xf32, #tpu.memory_space<vmem_shared>>) target(%dma_start3A_40 : memref<128x128xf32, #tpu.memory_space<hbm>>) target_semaphore(%arg10 : memref<!tpu.dma_semaphore, #tpu.memory_space<semaphore_mem>>)
    %mul3A_43 = arith.constant 640 : i32
    %mul3A_44 = arith.muli %arg1, %mul3A_43 : i32
    %add3A_45 = arith.constant 128 : i32
    %add3A_46 = arith.addi %mul3A_44, %add3A_45 : i32
    %dma_start3A_47 = arith.constant 0 : i32
    %dma_start3A_48 = tpu.memref_slice %arg5[%arg0, %add3A_46, %dma_start3A_47] : memref<2x10240x128xf32, #tpu.memory_space<hbm>> -> memref<1x128x128xf32, #tpu.memory_space<hbm>>
    %dma_start3A_49 = tpu.memref_squeeze %dma_start3A_48 : memref<1x128x128xf32, #tpu.memory_space<hbm>> -> memref<128x128xf32, #tpu.memory_space<hbm>>
    %dma_start3A_50 = arith.constant 0 : i32
    %dma_start3A_51 = tpu.memref_slice %arg9[%add3A_46, %dma_start3A_50] : memref<10240x128xf32, #tpu.memory_space<vmem_shared>> -> memref<128x128xf32, #tpu.memory_space<vmem_shared>>
    tpu.enqueue_dma source(%dma_start3A_51 : memref<128x128xf32, #tpu.memory_space<vmem_shared>>) target(%dma_start3A_49 : memref<128x128xf32, #tpu.memory_space<hbm>>) target_semaphore(%arg10 : memref<!tpu.dma_semaphore, #tpu.memory_space<semaphore_mem>>)
    %mul3A_52 = arith.constant 640 : i32
    %mul3A_53 = arith.muli %arg1, %mul3A_52 : i32
    %add3A_54 = arith.constant 256 : i32
    %add3A_55 = arith.addi %mul3A_53, %add3A_54 : i32
    %dma_start3A_56 = arith.constant 0 : i32
    %dma_start3A_57 = tpu.memref_slice %arg5[%arg0, %add3A_55, %dma_start3A_56] : memref<2x10240x128xf32, #tpu.memory_space<hbm>> -> memref<1x128x128xf32, #tpu.memory_space<hbm>>
    %dma_start3A_58 = tpu.memref_squeeze %dma_start3A_57 : memref<1x128x128xf32, #tpu.memory_space<hbm>> -> memref<128x128xf32, #tpu.memory_space<hbm>>
    %dma_start3A_59 = arith.constant 0 : i32
    %dma_start3A_60 = tpu.memref_slice %arg9[%add3A_55, %dma_start3A_59] : memref<10240x128xf32, #tpu.memory_space<vmem_shared>> -> memref<128x128xf32, #tpu.memory_space<vmem_shared>>
    tpu.enqueue_dma source(%dma_start3A_60 : memref<128x128xf32, #tpu.memory_space<vmem_shared>>) target(%dma_start3A_58 : memref<128x128xf32, #tpu.memory_space<hbm>>) target_semaphore(%arg10 : memref<!tpu.dma_semaphore, #tpu.memory_space<semaphore_mem>>)
    %mul3A_61 = arith.constant 640 : i32
    %mul3A_62 = arith.muli %arg1, %mul3A_61 : i32
    %add3A_63 = arith.constant 384 : i32
    %add3A_64 = arith.addi %mul3A_62, %add3A_63 : i32
    %dma_start3A_65 = arith.constant 0 : i32
    %dma_start3A_66 = tpu.memref_slice %arg5[%arg0, %add3A_64, %dma_start3A_65] : memref<2x10240x128xf32, #tpu.memory_space<hbm>> -> memref<1x128x128xf32, #tpu.memory_space<hbm>>
    %dma_start3A_67 = tpu.memref_squeeze %dma_start3A_66 : memref<1x128x128xf32, #tpu.memory_space<hbm>> -> memref<128x128xf32, #tpu.memory_space<hbm>>
    %dma_start3A_68 = arith.constant 0 : i32
    %dma_start3A_69 = tpu.memref_slice %arg9[%add3A_64, %dma_start3A_68] : memref<10240x128xf32, #tpu.memory_space<vmem_shared>> -> memref<128x128xf32, #tpu.memory_space<vmem_shared>>
    tpu.enqueue_dma source(%dma_start3A_69 : memref<128x128xf32, #tpu.memory_space<vmem_shared>>) target(%dma_start3A_67 : memref<128x128xf32, #tpu.memory_space<hbm>>) target_semaphore(%arg10 : memref<!tpu.dma_semaphore, #tpu.memory_space<semaphore_mem>>)
    %mul3A_70 = arith.constant 640 : i32
    %mul3A_71 = arith.muli %arg1, %mul3A_70 : i32
    %add3A_72 = arith.constant 512 : i32
    %add3A_73 = arith.addi %mul3A_71, %add3A_72 : i32
    %dma_start3A_74 = arith.constant 0 : i32
    %dma_start3A_75 = tpu.memref_slice %arg5[%arg0, %add3A_73, %dma_start3A_74] : memref<2x10240x128xf32, #tpu.memory_space<hbm>> -> memref<1x128x128xf32, #tpu.memory_space<hbm>>
    %dma_start3A_76 = tpu.memref_squeeze %dma_start3A_75 : memref<1x128x128xf32, #tpu.memory_space<hbm>> -> memref<128x128xf32, #tpu.memory_space<hbm>>
    %dma_start3A_77 = arith.constant 0 : i32
    %dma_start3A_78 = tpu.memref_slice %arg9[%add3A_73, %dma_start3A_77] : memref<10240x128xf32, #tpu.memory_space<vmem_shared>> -> memref<128x128xf32, #tpu.memory_space<vmem_shared>>
    tpu.enqueue_dma source(%dma_start3A_78 : memref<128x128xf32, #tpu.memory_space<vmem_shared>>) target(%dma_start3A_76 : memref<128x128xf32, #tpu.memory_space<hbm>>) target_semaphore(%arg10 : memref<!tpu.dma_semaphore, #tpu.memory_space<semaphore_mem>>)
    %mul3A_79 = arith.constant 640 : i32
    %mul3A_80 = arith.muli %arg1, %mul3A_79 : i32
    %add3A_81 = arith.constant 0 : i32
    %add3A_82 = arith.addi %mul3A_80, %add3A_81 : i32
    %dma_wait3A = arith.constant 0 : i32
    %dma_wait3A_83 = tpu.memref_slice %arg5[%arg0, %add3A_82, %dma_wait3A] : memref<2x10240x128xf32, #tpu.memory_space<hbm>> -> memref<1x128x128xf32, #tpu.memory_space<hbm>>
    %dma_wait3A_84 = tpu.memref_squeeze %dma_wait3A_83 : memref<1x128x128xf32, #tpu.memory_space<hbm>> -> memref<128x128xf32, #tpu.memory_space<hbm>>
    %dma_wait3A_85 = arith.constant 0 : i32
    %dma_wait3A_86 = tpu.memref_slice %arg9[%add3A_82, %dma_wait3A_85] : memref<10240x128xf32, #tpu.memory_space<vmem_shared>> -> memref<128x128xf32, #tpu.memory_space<vmem_shared>>
    tpu.wait_dma2 semaphore(%arg10 : memref<!tpu.dma_semaphore, #tpu.memory_space<semaphore_mem>>) src(%dma_wait3A_86 : memref<128x128xf32, #tpu.memory_space<vmem_shared>>) dst(%dma_wait3A_84 : memref<128x128xf32, #tpu.memory_space<hbm>>)
    %mul3A_87 = arith.constant 640 : i32
    %mul3A_88 = arith.muli %arg1, %mul3A_87 : i32
    %add3A_89 = arith.constant 128 : i32
    %add3A_90 = arith.addi %mul3A_88, %add3A_89 : i32
    %dma_wait3A_91 = arith.constant 0 : i32
    %dma_wait3A_92 = tpu.memref_slice %arg5[%arg0, %add3A_90, %dma_wait3A_91] : memref<2x10240x128xf32, #tpu.memory_space<hbm>> -> memref<1x128x128xf32, #tpu.memory_space<hbm>>
    %dma_wait3A_93 = tpu.memref_squeeze %dma_wait3A_92 : memref<1x128x128xf32, #tpu.memory_space<hbm>> -> memref<128x128xf32, #tpu.memory_space<hbm>>
    %dma_wait3A_94 = arith.constant 0 : i32
    %dma_wait3A_95 = tpu.memref_slice %arg9[%add3A_90, %dma_wait3A_94] : memref<10240x128xf32, #tpu.memory_space<vmem_shared>> -> memref<128x128xf32, #tpu.memory_space<vmem_shared>>
    tpu.wait_dma2 semaphore(%arg10 : memref<!tpu.dma_semaphore, #tpu.memory_space<semaphore_mem>>) src(%dma_wait3A_95 : memref<128x128xf32, #tpu.memory_space<vmem_shared>>) dst(%dma_wait3A_93 : memref<128x128xf32, #tpu.memory_space<hbm>>)
    %mul3A_96 = arith.constant 640 : i32
    %mul3A_97 = arith.muli %arg1, %mul3A_96 : i32
    %add3A_98 = arith.constant 256 : i32
    %add3A_99 = arith.addi %mul3A_97, %add3A_98 : i32
    %dma_wait3A_100 = arith.constant 0 : i32
    %dma_wait3A_101 = tpu.memref_slice %arg5[%arg0, %add3A_99, %dma_wait3A_100] : memref<2x10240x128xf32, #tpu.memory_space<hbm>> -> memref<1x128x128xf32, #tpu.memory_space<hbm>>
    %dma_wait3A_102 = tpu.memref_squeeze %dma_wait3A_101 : memref<1x128x128xf32, #tpu.memory_space<hbm>> -> memref<128x128xf32, #tpu.memory_space<hbm>>
    %dma_wait3A_103 = arith.constant 0 : i32
    %dma_wait3A_104 = tpu.memref_slice %arg9[%add3A_99, %dma_wait3A_103] : memref<10240x128xf32, #tpu.memory_space<vmem_shared>> -> memref<128x128xf32, #tpu.memory_space<vmem_shared>>
    tpu.wait_dma2 semaphore(%arg10 : memref<!tpu.dma_semaphore, #tpu.memory_space<semaphore_mem>>) src(%dma_wait3A_104 : memref<128x128xf32, #tpu.memory_space<vmem_shared>>) dst(%dma_wait3A_102 : memref<128x128xf32, #tpu.memory_space<hbm>>)
    %mul3A_105 = arith.constant 640 : i32
    %mul3A_106 = arith.muli %arg1, %mul3A_105 : i32
    %add3A_107 = arith.constant 384 : i32
    %add3A_108 = arith.addi %mul3A_106, %add3A_107 : i32
    %dma_wait3A_109 = arith.constant 0 : i32
    %dma_wait3A_110 = tpu.memref_slice %arg5[%arg0, %add3A_108, %dma_wait3A_109] : memref<2x10240x128xf32, #tpu.memory_space<hbm>> -> memref<1x128x128xf32, #tpu.memory_space<hbm>>
    %dma_wait3A_111 = tpu.memref_squeeze %dma_wait3A_110 : memref<1x128x128xf32, #tpu.memory_space<hbm>> -> memref<128x128xf32, #tpu.memory_space<hbm>>
    %dma_wait3A_112 = arith.constant 0 : i32
    %dma_wait3A_113 = tpu.memref_slice %arg9[%add3A_108, %dma_wait3A_112] : memref<10240x128xf32, #tpu.memory_space<vmem_shared>> -> memref<128x128xf32, #tpu.memory_space<vmem_shared>>
    tpu.wait_dma2 semaphore(%arg10 : memref<!tpu.dma_semaphore, #tpu.memory_space<semaphore_mem>>) src(%dma_wait3A_113 : memref<128x128xf32, #tpu.memory_space<vmem_shared>>) dst(%dma_wait3A_111 : memref<128x128xf32, #tpu.memory_space<hbm>>)
    %mul3A_114 = arith.constant 640 : i32
    %mul3A_115 = arith.muli %arg1, %mul3A_114 : i32
    %add3A_116 = arith.constant 512 : i32
    %add3A_117 = arith.addi %mul3A_115, %add3A_116 : i32
    %dma_wait3A_118 = arith.constant 0 : i32
    %dma_wait3A_119 = tpu.memref_slice %arg5[%arg0, %add3A_117, %dma_wait3A_118] : memref<2x10240x128xf32, #tpu.memory_space<hbm>> -> memref<1x128x128xf32, #tpu.memory_space<hbm>>
    %dma_wait3A_120 = tpu.memref_squeeze %dma_wait3A_119 : memref<1x128x128xf32, #tpu.memory_space<hbm>> -> memref<128x128xf32, #tpu.memory_space<hbm>>
    %dma_wait3A_121 = arith.constant 0 : i32
    %dma_wait3A_122 = tpu.memref_slice %arg9[%add3A_117, %dma_wait3A_121] : memref<10240x128xf32, #tpu.memory_space<vmem_shared>> -> memref<128x128xf32, #tpu.memory_space<vmem_shared>>
    tpu.wait_dma2 semaphore(%arg10 : memref<!tpu.dma_semaphore, #tpu.memory_space<semaphore_mem>>) src(%dma_wait3A_122 : memref<128x128xf32, #tpu.memory_space<vmem_shared>>) dst(%dma_wait3A_120 : memref<128x128xf32, #tpu.memory_space<hbm>>)
    return
  }
}

#map = affine_map<(d0, d1) -> (0, 0)>
#map1 = affine_map<(d0, d1) -> (0, 0, 0)>
module attributes {stable_mosaic.version = 14 : i64} {
  func.func @_sc_agg_body(%arg0: i32, %arg1: i32, %arg2: memref<10000x128xf32, #tpu.memory_space<hbm>>, %arg3: memref<32x80x128xi32, #tpu.memory_space<hbm>>, %arg4: memref<32x80x128xi32, #tpu.memory_space<hbm>>, %arg5: memref<2x10240x128xf32, #tpu.memory_space<hbm>>, %arg6: memref<80x128xi32, #tpu.memory_space<vmem>>, %arg7: memref<80x128xi32, #tpu.memory_space<vmem>>, %arg8: memref<128x128xf32, #tpu.memory_space<vmem>>, %arg9: memref<10240x128xf32, #tpu.memory_space<vmem_shared>>, %arg10: memref<!tpu.dma_semaphore, #tpu.memory_space<semaphore_mem>>) attributes {dimension_semantics = [#tpu.dimension_semantics<core_parallel>, #tpu.dimension_semantics<subcore_parallel>], iteration_bounds = array<i64: 2, 16>, scalar_prefetch = 0 : i64, scratch_operands = 5 : i64, tpu.core_type = #tpu.core_type<sc_vector_subcore>, window_params = [{transform_indices = #map}, {transform_indices = #map1}, {transform_indices = #map1}, {transform_indices = #map1}]} {
    %mul3A = arith.constant 2 : i32
    %mul3A_0 = arith.muli %arg1, %mul3A : i32
    %add3A = arith.addi %mul3A_0, %arg0 : i32
    %scan3A = arith.constant 0 : i32
    %scan3A_1 = arith.constant 0 : i32
    %scan3A_2 = arith.constant 128 : i32
    %scan3A_3 = arith.addi %scan3A_1, %scan3A_2 : i32
    %scan3A_4 = arith.constant 1 : i32
    %scan3A_5 = scf.for %scan3A_123 = %scan3A_1 to %scan3A_3 step %scan3A_4 iter_args(%scan3A_124 = %scan3A) -> (i32)  : i32 {
      %broadcast_in_dim3A = arith.constant 0.000000e+00 : f32
      %broadcast_in_dim3A_125 = vector.broadcast %broadcast_in_dim3A : f32 to vector<16xf32>
      %swap3A = arith.constant 0 : i32
      %swap3A_126 = arith.constant 0 : i32
      %swap3A_127 = tpu.memref_slice %arg8[%swap3A, %swap3A_126] : memref<128x128xf32, #tpu.memory_space<vmem>> -> memref<128x128xf32, #tpu.memory_space<vmem>>
      %swap3A_128 = arith.index_cast %scan3A_123 : i32 to index
      %swap3A_129 = arith.constant 0 : index
      %swap3A_130 = tpu.vector_load %swap3A_127[%swap3A_128, %swap3A_129] {strides = array<i32>} : memref<128x128xf32, #tpu.memory_space<vmem>>, vector<1x16xf32>,
      %swap3A_131 = vector.shape_cast %swap3A_130 : vector<1x16xf32> to vector<16xf32>
      %swap3A_132 = vector.shape_cast %broadcast_in_dim3A_125 : vector<16xf32> to vector<1x16xf32>
      tpu.vector_store %swap3A_127[%swap3A_128, %swap3A_129], %swap3A_132 {strides = array<i32>} : memref<128x128xf32, #tpu.memory_space<vmem>>, vector<1x16xf32>,
      %broadcast_in_dim3A_133 = arith.constant 0.000000e+00 : f32
      %broadcast_in_dim3A_134 = vector.broadcast %broadcast_in_dim3A_133 : f32 to vector<16xf32>
      %swap3A_135 = arith.constant 0 : i32
      %swap3A_136 = arith.constant 0 : i32
      %swap3A_137 = tpu.memref_slice %arg8[%swap3A_135, %swap3A_136] : memref<128x128xf32, #tpu.memory_space<vmem>> -> memref<128x128xf32, #tpu.memory_space<vmem>>
      %swap3A_138 = arith.index_cast %scan3A_123 : i32 to index
      %swap3A_139 = arith.constant 16 : index
      %swap3A_140 = tpu.vector_load %swap3A_137[%swap3A_138, %swap3A_139] {strides = array<i32>} : memref<128x128xf32, #tpu.memory_space<vmem>>, vector<1x16xf32>,
      %swap3A_141 = vector.shape_cast %swap3A_140 : vector<1x16xf32> to vector<16xf32>
      %swap3A_142 = vector.shape_cast %broadcast_in_dim3A_134 : vector<16xf32> to vector<1x16xf32>
      tpu.vector_store %swap3A_137[%swap3A_138, %swap3A_139], %swap3A_142 {strides = array<i32>} : memref<128x128xf32, #tpu.memory_space<vmem>>, vector<1x16xf32>,
      %broadcast_in_dim3A_143 = arith.constant 0.000000e+00 : f32
      %broadcast_in_dim3A_144 = vector.broadcast %broadcast_in_dim3A_143 : f32 to vector<16xf32>
      %swap3A_145 = arith.constant 0 : i32
      %swap3A_146 = arith.constant 0 : i32
      %swap3A_147 = tpu.memref_slice %arg8[%swap3A_145, %swap3A_146] : memref<128x128xf32, #tpu.memory_space<vmem>> -> memref<128x128xf32, #tpu.memory_space<vmem>>
      %swap3A_148 = arith.index_cast %scan3A_123 : i32 to index
      %swap3A_149 = arith.constant 32 : index
      %swap3A_150 = tpu.vector_load %swap3A_147[%swap3A_148, %swap3A_149] {strides = array<i32>} : memref<128x128xf32, #tpu.memory_space<vmem>>, vector<1x16xf32>,
      %swap3A_151 = vector.shape_cast %swap3A_150 : vector<1x16xf32> to vector<16xf32>
      %swap3A_152 = vector.shape_cast %broadcast_in_dim3A_144 : vector<16xf32> to vector<1x16xf32>
      tpu.vector_store %swap3A_147[%swap3A_148, %swap3A_149], %swap3A_152 {strides = array<i32>} : memref<128x128xf32, #tpu.memory_space<vmem>>, vector<1x16xf32>,
      %broadcast_in_dim3A_153 = arith.constant 0.000000e+00 : f32
      %broadcast_in_dim3A_154 = vector.broadcast %broadcast_in_dim3A_153 : f32 to vector<16xf32>
      %swap3A_155 = arith.constant 0 : i32
      %swap3A_156 = arith.constant 0 : i32
      %swap3A_157 = tpu.memref_slice %arg8[%swap3A_155, %swap3A_156] : memref<128x128xf32, #tpu.memory_space<vmem>> -> memref<128x128xf32, #tpu.memory_space<vmem>>
      %swap3A_158 = arith.index_cast %scan3A_123 : i32 to index
      %swap3A_159 = arith.constant 48 : index
      %swap3A_160 = tpu.vector_load %swap3A_157[%swap3A_158, %swap3A_159] {strides = array<i32>} : memref<128x128xf32, #tpu.memory_space<vmem>>, vector<1x16xf32>,
      %swap3A_161 = vector.shape_cast %swap3A_160 : vector<1x16xf32> to vector<16xf32>
      %swap3A_162 = vector.shape_cast %broadcast_in_dim3A_154 : vector<16xf32> to vector<1x16xf32>
      tpu.vector_store %swap3A_157[%swap3A_158, %swap3A_159], %swap3A_162 {strides = array<i32>} : memref<128x128xf32, #tpu.memory_space<vmem>>, vector<1x16xf32>,
      %broadcast_in_dim3A_163 = arith.constant 0.000000e+00 : f32
      %broadcast_in_dim3A_164 = vector.broadcast %broadcast_in_dim3A_163 : f32 to vector<16xf32>
      %swap3A_165 = arith.constant 0 : i32
      %swap3A_166 = arith.constant 0 : i32
      %swap3A_167 = tpu.memref_slice %arg8[%swap3A_165, %swap3A_166] : memref<128x128xf32, #tpu.memory_space<vmem>> -> memref<128x128xf32, #tpu.memory_space<vmem>>
      %swap3A_168 = arith.index_cast %scan3A_123 : i32 to index
      %swap3A_169 = arith.constant 64 : index
      %swap3A_170 = tpu.vector_load %swap3A_167[%swap3A_168, %swap3A_169] {strides = array<i32>} : memref<128x128xf32, #tpu.memory_space<vmem>>, vector<1x16xf32>,
      %swap3A_171 = vector.shape_cast %swap3A_170 : vector<1x16xf32> to vector<16xf32>
      %swap3A_172 = vector.shape_cast %broadcast_in_dim3A_164 : vector<16xf32> to vector<1x16xf32>
      tpu.vector_store %swap3A_167[%swap3A_168, %swap3A_169], %swap3A_172 {strides = array<i32>} : memref<128x128xf32, #tpu.memory_space<vmem>>, vector<1x16xf32>,
      %broadcast_in_dim3A_173 = arith.constant 0.000000e+00 : f32
      %broadcast_in_dim3A_174 = vector.broadcast %broadcast_in_dim3A_173 : f32 to vector<16xf32>
      %swap3A_175 = arith.constant 0 : i32
      %swap3A_176 = arith.constant 0 : i32
      %swap3A_177 = tpu.memref_slice %arg8[%swap3A_175, %swap3A_176] : memref<128x128xf32, #tpu.memory_space<vmem>> -> memref<128x128xf32, #tpu.memory_space<vmem>>
      %swap3A_178 = arith.index_cast %scan3A_123 : i32 to index
      %swap3A_179 = arith.constant 80 : index
      %swap3A_180 = tpu.vector_load %swap3A_177[%swap3A_178, %swap3A_179] {strides = array<i32>} : memref<128x128xf32, #tpu.memory_space<vmem>>, vector<1x16xf32>,
      %swap3A_181 = vector.shape_cast %swap3A_180 : vector<1x16xf32> to vector<16xf32>
      %swap3A_182 = vector.shape_cast %broadcast_in_dim3A_174 : vector<16xf32> to vector<1x16xf32>
      tpu.vector_store %swap3A_177[%swap3A_178, %swap3A_179], %swap3A_182 {strides = array<i32>} : memref<128x128xf32, #tpu.memory_space<vmem>>, vector<1x16xf32>,
      %broadcast_in_dim3A_183 = arith.constant 0.000000e+00 : f32
      %broadcast_in_dim3A_184 = vector.broadcast %broadcast_in_dim3A_183 : f32 to vector<16xf32>
      %swap3A_185 = arith.constant 0 : i32
      %swap3A_186 = arith.constant 0 : i32
      %swap3A_187 = tpu.memref_slice %arg8[%swap3A_185, %swap3A_186] : memref<128x128xf32, #tpu.memory_space<vmem>> -> memref<128x128xf32, #tpu.memory_space<vmem>>
      %swap3A_188 = arith.index_cast %scan3A_123 : i32 to index
      %swap3A_189 = arith.constant 96 : index
      %swap3A_190 = tpu.vector_load %swap3A_187[%swap3A_188, %swap3A_189] {strides = array<i32>} : memref<128x128xf32, #tpu.memory_space<vmem>>, vector<1x16xf32>,
      %swap3A_191 = vector.shape_cast %swap3A_190 : vector<1x16xf32> to vector<16xf32>
      %swap3A_192 = vector.shape_cast %broadcast_in_dim3A_184 : vector<16xf32> to vector<1x16xf32>
      tpu.vector_store %swap3A_187[%swap3A_188, %swap3A_189], %swap3A_192 {strides = array<i32>} : memref<128x128xf32, #tpu.memory_space<vmem>>, vector<1x16xf32>,
      %broadcast_in_dim3A_193 = arith.constant 0.000000e+00 : f32
      %broadcast_in_dim3A_194 = vector.broadcast %broadcast_in_dim3A_193 : f32 to vector<16xf32>
      %swap3A_195 = arith.constant 0 : i32
      %swap3A_196 = arith.constant 0 : i32
      %swap3A_197 = tpu.memref_slice %arg8[%swap3A_195, %swap3A_196] : memref<128x128xf32, #tpu.memory_space<vmem>> -> memref<128x128xf32, #tpu.memory_space<vmem>>
      %swap3A_198 = arith.index_cast %scan3A_123 : i32 to index
      %swap3A_199 = arith.constant 112 : index
      %swap3A_200 = tpu.vector_load %swap3A_197[%swap3A_198, %swap3A_199] {strides = array<i32>} : memref<128x128xf32, #tpu.memory_space<vmem>>, vector<1x16xf32>,
      %swap3A_201 = vector.shape_cast %swap3A_200 : vector<1x16xf32> to vector<16xf32>
      %swap3A_202 = vector.shape_cast %broadcast_in_dim3A_194 : vector<16xf32> to vector<1x16xf32>
      tpu.vector_store %swap3A_197[%swap3A_198, %swap3A_199], %swap3A_202 {strides = array<i32>} : memref<128x128xf32, #tpu.memory_space<vmem>>, vector<1x16xf32>,
      %scan3A_203 = arith.constant 0 : i32
      scf.yield %scan3A_203 : i32
    }
    %scan3A_6 = arith.constant 128 : i32
    %mul3A_7 = arith.constant 640 : i32
    %mul3A_8 = arith.muli %arg1, %mul3A_7 : i32
    %add3A_9 = arith.constant 0 : i32
    %add3A_10 = arith.addi %mul3A_8, %add3A_9 : i32
    "tpu.region"() ({
      %run_scoped3A = tpu.sem_alloc : memref<!tpu.dma_semaphore, #tpu.memory_space<semaphore_mem>>
      %dma_start3A_123 = arith.constant 0 : i32
      %dma_start3A_124 = arith.constant 0 : i32
      %dma_start3A_125 = tpu.memref_slice %arg8[%dma_start3A_123, %dma_start3A_124] : memref<128x128xf32, #tpu.memory_space<vmem>> -> memref<128x128xf32, #tpu.memory_space<vmem>>
      %dma_start3A_126 = arith.constant 0 : i32
      %dma_start3A_127 = tpu.memref_slice %arg9[%add3A_10, %dma_start3A_126] : memref<10240x128xf32, #tpu.memory_space<vmem_shared>> -> memref<128x128xf32, #tpu.memory_space<vmem_shared>>
      %dma_start3A_128 = arith.constant 0 : i32
      %dma_start3A_129 = tpu.memref_slice %arg9[%add3A_10, %dma_start3A_128] : memref<10240x128xf32, #tpu.memory_space<vmem_shared>> -> memref<128x128xf32, #tpu.memory_space<vmem_shared>>
      %dma_start3A_130 = arith.constant 0 : i32
      %dma_start3A_131 = arith.constant 0 : i32
      %dma_start3A_132 = tpu.memref_slice %arg8[%dma_start3A_130, %dma_start3A_131] : memref<128x128xf32, #tpu.memory_space<vmem>> -> memref<128x128xf32, #tpu.memory_space<vmem>>
      tpu.enqueue_dma source(%dma_start3A_132 : memref<128x128xf32, #tpu.memory_space<vmem>>) target(%dma_start3A_129 : memref<128x128xf32, #tpu.memory_space<vmem_shared>>) target_semaphore(%run_scoped3A : memref<!tpu.dma_semaphore, #tpu.memory_space<semaphore_mem>>)
      %dma_wait3A_133 = arith.constant 0 : i32
      %dma_wait3A_134 = arith.constant 0 : i32
      %dma_wait3A_135 = tpu.memref_slice %arg8[%dma_wait3A_133, %dma_wait3A_134] : memref<128x128xf32, #tpu.memory_space<vmem>> -> memref<128x128xf32, #tpu.memory_space<vmem>>
      %dma_wait3A_136 = arith.constant 0 : i32
      %dma_wait3A_137 = tpu.memref_slice %arg9[%add3A_10, %dma_wait3A_136] : memref<10240x128xf32, #tpu.memory_space<vmem_shared>> -> memref<128x128xf32, #tpu.memory_space<vmem_shared>>
      %dma_wait3A_138 = arith.constant 0 : i32
      %dma_wait3A_139 = tpu.memref_slice %arg9[%add3A_10, %dma_wait3A_138] : memref<10240x128xf32, #tpu.memory_space<vmem_shared>> -> memref<128x128xf32, #tpu.memory_space<vmem_shared>>
      %dma_wait3A_140 = arith.constant 0 : i32
      %dma_wait3A_141 = arith.constant 0 : i32
      %dma_wait3A_142 = tpu.memref_slice %arg8[%dma_wait3A_140, %dma_wait3A_141] : memref<128x128xf32, #tpu.memory_space<vmem>> -> memref<128x128xf32, #tpu.memory_space<vmem>>
      tpu.wait_dma2 semaphore(%run_scoped3A : memref<!tpu.dma_semaphore, #tpu.memory_space<semaphore_mem>>) src(%dma_wait3A_142 : memref<128x128xf32, #tpu.memory_space<vmem>>) dst(%dma_wait3A_139 : memref<128x128xf32, #tpu.memory_space<vmem_shared>>)
      tpu.yield
    }) : () -> ()
    %mul3A_11 = arith.constant 640 : i32
    %mul3A_12 = arith.muli %arg1, %mul3A_11 : i32
    %add3A_13 = arith.constant 128 : i32
    %add3A_14 = arith.addi %mul3A_12, %add3A_13 : i32
    "tpu.region"() ({
      %run_scoped3A = tpu.sem_alloc : memref<!tpu.dma_semaphore, #tpu.memory_space<semaphore_mem>>
      %dma_start3A_123 = arith.constant 0 : i32
      %dma_start3A_124 = arith.constant 0 : i32
      %dma_start3A_125 = tpu.memref_slice %arg8[%dma_start3A_123, %dma_start3A_124] : memref<128x128xf32, #tpu.memory_space<vmem>> -> memref<128x128xf32, #tpu.memory_space<vmem>>
      %dma_start3A_126 = arith.constant 0 : i32
      %dma_start3A_127 = tpu.memref_slice %arg9[%add3A_14, %dma_start3A_126] : memref<10240x128xf32, #tpu.memory_space<vmem_shared>> -> memref<128x128xf32, #tpu.memory_space<vmem_shared>>
      %dma_start3A_128 = arith.constant 0 : i32
      %dma_start3A_129 = tpu.memref_slice %arg9[%add3A_14, %dma_start3A_128] : memref<10240x128xf32, #tpu.memory_space<vmem_shared>> -> memref<128x128xf32, #tpu.memory_space<vmem_shared>>
      %dma_start3A_130 = arith.constant 0 : i32
      %dma_start3A_131 = arith.constant 0 : i32
      %dma_start3A_132 = tpu.memref_slice %arg8[%dma_start3A_130, %dma_start3A_131] : memref<128x128xf32, #tpu.memory_space<vmem>> -> memref<128x128xf32, #tpu.memory_space<vmem>>
      tpu.enqueue_dma source(%dma_start3A_132 : memref<128x128xf32, #tpu.memory_space<vmem>>) target(%dma_start3A_129 : memref<128x128xf32, #tpu.memory_space<vmem_shared>>) target_semaphore(%run_scoped3A : memref<!tpu.dma_semaphore, #tpu.memory_space<semaphore_mem>>)
      %dma_wait3A_133 = arith.constant 0 : i32
      %dma_wait3A_134 = arith.constant 0 : i32
      %dma_wait3A_135 = tpu.memref_slice %arg8[%dma_wait3A_133, %dma_wait3A_134] : memref<128x128xf32, #tpu.memory_space<vmem>> -> memref<128x128xf32, #tpu.memory_space<vmem>>
      %dma_wait3A_136 = arith.constant 0 : i32
      %dma_wait3A_137 = tpu.memref_slice %arg9[%add3A_14, %dma_wait3A_136] : memref<10240x128xf32, #tpu.memory_space<vmem_shared>> -> memref<128x128xf32, #tpu.memory_space<vmem_shared>>
      %dma_wait3A_138 = arith.constant 0 : i32
      %dma_wait3A_139 = tpu.memref_slice %arg9[%add3A_14, %dma_wait3A_138] : memref<10240x128xf32, #tpu.memory_space<vmem_shared>> -> memref<128x128xf32, #tpu.memory_space<vmem_shared>>
      %dma_wait3A_140 = arith.constant 0 : i32
      %dma_wait3A_141 = arith.constant 0 : i32
      %dma_wait3A_142 = tpu.memref_slice %arg8[%dma_wait3A_140, %dma_wait3A_141] : memref<128x128xf32, #tpu.memory_space<vmem>> -> memref<128x128xf32, #tpu.memory_space<vmem>>
      tpu.wait_dma2 semaphore(%run_scoped3A : memref<!tpu.dma_semaphore, #tpu.memory_space<semaphore_mem>>) src(%dma_wait3A_142 : memref<128x128xf32, #tpu.memory_space<vmem>>) dst(%dma_wait3A_139 : memref<128x128xf32, #tpu.memory_space<vmem_shared>>)
      tpu.yield
    }) : () -> ()
    %mul3A_15 = arith.constant 640 : i32
    %mul3A_16 = arith.muli %arg1, %mul3A_15 : i32
    %add3A_17 = arith.constant 256 : i32
    %add3A_18 = arith.addi %mul3A_16, %add3A_17 : i32
    "tpu.region"() ({
      %run_scoped3A = tpu.sem_alloc : memref<!tpu.dma_semaphore, #tpu.memory_space<semaphore_mem>>
      %dma_start3A_123 = arith.constant 0 : i32
      %dma_start3A_124 = arith.constant 0 : i32
      %dma_start3A_125 = tpu.memref_slice %arg8[%dma_start3A_123, %dma_start3A_124] : memref<128x128xf32, #tpu.memory_space<vmem>> -> memref<128x128xf32, #tpu.memory_space<vmem>>
      %dma_start3A_126 = arith.constant 0 : i32
      %dma_start3A_127 = tpu.memref_slice %arg9[%add3A_18, %dma_start3A_126] : memref<10240x128xf32, #tpu.memory_space<vmem_shared>> -> memref<128x128xf32, #tpu.memory_space<vmem_shared>>
      %dma_start3A_128 = arith.constant 0 : i32
      %dma_start3A_129 = tpu.memref_slice %arg9[%add3A_18, %dma_start3A_128] : memref<10240x128xf32, #tpu.memory_space<vmem_shared>> -> memref<128x128xf32, #tpu.memory_space<vmem_shared>>
      %dma_start3A_130 = arith.constant 0 : i32
      %dma_start3A_131 = arith.constant 0 : i32
      %dma_start3A_132 = tpu.memref_slice %arg8[%dma_start3A_130, %dma_start3A_131] : memref<128x128xf32, #tpu.memory_space<vmem>> -> memref<128x128xf32, #tpu.memory_space<vmem>>
      tpu.enqueue_dma source(%dma_start3A_132 : memref<128x128xf32, #tpu.memory_space<vmem>>) target(%dma_start3A_129 : memref<128x128xf32, #tpu.memory_space<vmem_shared>>) target_semaphore(%run_scoped3A : memref<!tpu.dma_semaphore, #tpu.memory_space<semaphore_mem>>)
      %dma_wait3A_133 = arith.constant 0 : i32
      %dma_wait3A_134 = arith.constant 0 : i32
      %dma_wait3A_135 = tpu.memref_slice %arg8[%dma_wait3A_133, %dma_wait3A_134] : memref<128x128xf32, #tpu.memory_space<vmem>> -> memref<128x128xf32, #tpu.memory_space<vmem>>
      %dma_wait3A_136 = arith.constant 0 : i32
      %dma_wait3A_137 = tpu.memref_slice %arg9[%add3A_18, %dma_wait3A_136] : memref<10240x128xf32, #tpu.memory_space<vmem_shared>> -> memref<128x128xf32, #tpu.memory_space<vmem_shared>>
      %dma_wait3A_138 = arith.constant 0 : i32
      %dma_wait3A_139 = tpu.memref_slice %arg9[%add3A_18, %dma_wait3A_138] : memref<10240x128xf32, #tpu.memory_space<vmem_shared>> -> memref<128x128xf32, #tpu.memory_space<vmem_shared>>
      %dma_wait3A_140 = arith.constant 0 : i32
      %dma_wait3A_141 = arith.constant 0 : i32
      %dma_wait3A_142 = tpu.memref_slice %arg8[%dma_wait3A_140, %dma_wait3A_141] : memref<128x128xf32, #tpu.memory_space<vmem>> -> memref<128x128xf32, #tpu.memory_space<vmem>>
      tpu.wait_dma2 semaphore(%run_scoped3A : memref<!tpu.dma_semaphore, #tpu.memory_space<semaphore_mem>>) src(%dma_wait3A_142 : memref<128x128xf32, #tpu.memory_space<vmem>>) dst(%dma_wait3A_139 : memref<128x128xf32, #tpu.memory_space<vmem_shared>>)
      tpu.yield
    }) : () -> ()
    %mul3A_19 = arith.constant 640 : i32
    %mul3A_20 = arith.muli %arg1, %mul3A_19 : i32
    %add3A_21 = arith.constant 384 : i32
    %add3A_22 = arith.addi %mul3A_20, %add3A_21 : i32
    "tpu.region"() ({
      %run_scoped3A = tpu.sem_alloc : memref<!tpu.dma_semaphore, #tpu.memory_space<semaphore_mem>>
      %dma_start3A_123 = arith.constant 0 : i32
      %dma_start3A_124 = arith.constant 0 : i32
      %dma_start3A_125 = tpu.memref_slice %arg8[%dma_start3A_123, %dma_start3A_124] : memref<128x128xf32, #tpu.memory_space<vmem>> -> memref<128x128xf32, #tpu.memory_space<vmem>>
      %dma_start3A_126 = arith.constant 0 : i32
      %dma_start3A_127 = tpu.memref_slice %arg9[%add3A_22, %dma_start3A_126] : memref<10240x128xf32, #tpu.memory_space<vmem_shared>> -> memref<128x128xf32, #tpu.memory_space<vmem_shared>>
      %dma_start3A_128 = arith.constant 0 : i32
      %dma_start3A_129 = tpu.memref_slice %arg9[%add3A_22, %dma_start3A_128] : memref<10240x128xf32, #tpu.memory_space<vmem_shared>> -> memref<128x128xf32, #tpu.memory_space<vmem_shared>>
      %dma_start3A_130 = arith.constant 0 : i32
      %dma_start3A_131 = arith.constant 0 : i32
      %dma_start3A_132 = tpu.memref_slice %arg8[%dma_start3A_130, %dma_start3A_131] : memref<128x128xf32, #tpu.memory_space<vmem>> -> memref<128x128xf32, #tpu.memory_space<vmem>>
      tpu.enqueue_dma source(%dma_start3A_132 : memref<128x128xf32, #tpu.memory_space<vmem>>) target(%dma_start3A_129 : memref<128x128xf32, #tpu.memory_space<vmem_shared>>) target_semaphore(%run_scoped3A : memref<!tpu.dma_semaphore, #tpu.memory_space<semaphore_mem>>)
      %dma_wait3A_133 = arith.constant 0 : i32
      %dma_wait3A_134 = arith.constant 0 : i32
      %dma_wait3A_135 = tpu.memref_slice %arg8[%dma_wait3A_133, %dma_wait3A_134] : memref<128x128xf32, #tpu.memory_space<vmem>> -> memref<128x128xf32, #tpu.memory_space<vmem>>
      %dma_wait3A_136 = arith.constant 0 : i32
      %dma_wait3A_137 = tpu.memref_slice %arg9[%add3A_22, %dma_wait3A_136] : memref<10240x128xf32, #tpu.memory_space<vmem_shared>> -> memref<128x128xf32, #tpu.memory_space<vmem_shared>>
      %dma_wait3A_138 = arith.constant 0 : i32
      %dma_wait3A_139 = tpu.memref_slice %arg9[%add3A_22, %dma_wait3A_138] : memref<10240x128xf32, #tpu.memory_space<vmem_shared>> -> memref<128x128xf32, #tpu.memory_space<vmem_shared>>
      %dma_wait3A_140 = arith.constant 0 : i32
      %dma_wait3A_141 = arith.constant 0 : i32
      %dma_wait3A_142 = tpu.memref_slice %arg8[%dma_wait3A_140, %dma_wait3A_141] : memref<128x128xf32, #tpu.memory_space<vmem>> -> memref<128x128xf32, #tpu.memory_space<vmem>>
      tpu.wait_dma2 semaphore(%run_scoped3A : memref<!tpu.dma_semaphore, #tpu.memory_space<semaphore_mem>>) src(%dma_wait3A_142 : memref<128x128xf32, #tpu.memory_space<vmem>>) dst(%dma_wait3A_139 : memref<128x128xf32, #tpu.memory_space<vmem_shared>>)
      tpu.yield
    }) : () -> ()
    %mul3A_23 = arith.constant 640 : i32
    %mul3A_24 = arith.muli %arg1, %mul3A_23 : i32
    %add3A_25 = arith.constant 512 : i32
    %add3A_26 = arith.addi %mul3A_24, %add3A_25 : i32
    "tpu.region"() ({
      %run_scoped3A = tpu.sem_alloc : memref<!tpu.dma_semaphore, #tpu.memory_space<semaphore_mem>>
      %dma_start3A_123 = arith.constant 0 : i32
      %dma_start3A_124 = arith.constant 0 : i32
      %dma_start3A_125 = tpu.memref_slice %arg8[%dma_start3A_123, %dma_start3A_124] : memref<128x128xf32, #tpu.memory_space<vmem>> -> memref<128x128xf32, #tpu.memory_space<vmem>>
      %dma_start3A_126 = arith.constant 0 : i32
      %dma_start3A_127 = tpu.memref_slice %arg9[%add3A_26, %dma_start3A_126] : memref<10240x128xf32, #tpu.memory_space<vmem_shared>> -> memref<128x128xf32, #tpu.memory_space<vmem_shared>>
      %dma_start3A_128 = arith.constant 0 : i32
      %dma_start3A_129 = tpu.memref_slice %arg9[%add3A_26, %dma_start3A_128] : memref<10240x128xf32, #tpu.memory_space<vmem_shared>> -> memref<128x128xf32, #tpu.memory_space<vmem_shared>>
      %dma_start3A_130 = arith.constant 0 : i32
      %dma_start3A_131 = arith.constant 0 : i32
      %dma_start3A_132 = tpu.memref_slice %arg8[%dma_start3A_130, %dma_start3A_131] : memref<128x128xf32, #tpu.memory_space<vmem>> -> memref<128x128xf32, #tpu.memory_space<vmem>>
      tpu.enqueue_dma source(%dma_start3A_132 : memref<128x128xf32, #tpu.memory_space<vmem>>) target(%dma_start3A_129 : memref<128x128xf32, #tpu.memory_space<vmem_shared>>) target_semaphore(%run_scoped3A : memref<!tpu.dma_semaphore, #tpu.memory_space<semaphore_mem>>)
      %dma_wait3A_133 = arith.constant 0 : i32
      %dma_wait3A_134 = arith.constant 0 : i32
      %dma_wait3A_135 = tpu.memref_slice %arg8[%dma_wait3A_133, %dma_wait3A_134] : memref<128x128xf32, #tpu.memory_space<vmem>> -> memref<128x128xf32, #tpu.memory_space<vmem>>
      %dma_wait3A_136 = arith.constant 0 : i32
      %dma_wait3A_137 = tpu.memref_slice %arg9[%add3A_26, %dma_wait3A_136] : memref<10240x128xf32, #tpu.memory_space<vmem_shared>> -> memref<128x128xf32, #tpu.memory_space<vmem_shared>>
      %dma_wait3A_138 = arith.constant 0 : i32
      %dma_wait3A_139 = tpu.memref_slice %arg9[%add3A_26, %dma_wait3A_138] : memref<10240x128xf32, #tpu.memory_space<vmem_shared>> -> memref<128x128xf32, #tpu.memory_space<vmem_shared>>
      %dma_wait3A_140 = arith.constant 0 : i32
      %dma_wait3A_141 = arith.constant 0 : i32
      %dma_wait3A_142 = tpu.memref_slice %arg8[%dma_wait3A_140, %dma_wait3A_141] : memref<128x128xf32, #tpu.memory_space<vmem>> -> memref<128x128xf32, #tpu.memory_space<vmem>>
      tpu.wait_dma2 semaphore(%run_scoped3A : memref<!tpu.dma_semaphore, #tpu.memory_space<semaphore_mem>>) src(%dma_wait3A_142 : memref<128x128xf32, #tpu.memory_space<vmem>>) dst(%dma_wait3A_139 : memref<128x128xf32, #tpu.memory_space<vmem_shared>>)
      tpu.yield
    }) : () -> ()
    "tpu.region"() ({
      %run_scoped3A = tpu.sem_alloc : memref<!tpu.dma_semaphore, #tpu.memory_space<semaphore_mem>>
      %dma_start3A_123 = arith.constant 0 : i32
      %dma_start3A_124 = arith.constant 0 : i32
      %dma_start3A_125 = tpu.memref_slice %arg3[%add3A, %dma_start3A_123, %dma_start3A_124] : memref<32x80x128xi32, #tpu.memory_space<hbm>> -> memref<1x80x128xi32, #tpu.memory_space<hbm>>
      %dma_start3A_126 = tpu.memref_squeeze %dma_start3A_125 : memref<1x80x128xi32, #tpu.memory_space<hbm>> -> memref<80x128xi32, #tpu.memory_space<hbm>>
      %dma_start3A_127 = arith.constant 0 : i32
      %dma_start3A_128 = arith.constant 0 : i32
      %dma_start3A_129 = tpu.memref_slice %arg3[%add3A, %dma_start3A_127, %dma_start3A_128] : memref<32x80x128xi32, #tpu.memory_space<hbm>> -> memref<1x80x128xi32, #tpu.memory_space<hbm>>
      %dma_start3A_130 = tpu.memref_squeeze %dma_start3A_129 : memref<1x80x128xi32, #tpu.memory_space<hbm>> -> memref<80x128xi32, #tpu.memory_space<hbm>>
      tpu.enqueue_dma source(%dma_start3A_130 : memref<80x128xi32, #tpu.memory_space<hbm>>) target(%arg6 : memref<80x128xi32, #tpu.memory_space<vmem>>) target_semaphore(%run_scoped3A : memref<!tpu.dma_semaphore, #tpu.memory_space<semaphore_mem>>)
      %dma_wait3A_131 = arith.constant 0 : i32
      %dma_wait3A_132 = arith.constant 0 : i32
      %dma_wait3A_133 = tpu.memref_slice %arg3[%add3A, %dma_wait3A_131, %dma_wait3A_132] : memref<32x80x128xi32, #tpu.memory_space<hbm>> -> memref<1x80x128xi32, #tpu.memory_space<hbm>>
      %dma_wait3A_134 = tpu.memref_squeeze %dma_wait3A_133 : memref<1x80x128xi32, #tpu.memory_space<hbm>> -> memref<80x128xi32, #tpu.memory_space<hbm>>
      %dma_wait3A_135 = arith.constant 0 : i32
      %dma_wait3A_136 = arith.constant 0 : i32
      %dma_wait3A_137 = tpu.memref_slice %arg3[%add3A, %dma_wait3A_135, %dma_wait3A_136] : memref<32x80x128xi32, #tpu.memory_space<hbm>> -> memref<1x80x128xi32, #tpu.memory_space<hbm>>
      %dma_wait3A_138 = tpu.memref_squeeze %dma_wait3A_137 : memref<1x80x128xi32, #tpu.memory_space<hbm>> -> memref<80x128xi32, #tpu.memory_space<hbm>>
      tpu.wait_dma2 semaphore(%run_scoped3A : memref<!tpu.dma_semaphore, #tpu.memory_space<semaphore_mem>>) src(%dma_wait3A_138 : memref<80x128xi32, #tpu.memory_space<hbm>>) dst(%arg6 : memref<80x128xi32, #tpu.memory_space<vmem>>)
      tpu.yield
    }) : () -> ()
    "tpu.region"() ({
      %run_scoped3A = tpu.sem_alloc : memref<!tpu.dma_semaphore, #tpu.memory_space<semaphore_mem>>
      %dma_start3A_123 = arith.constant 0 : i32
      %dma_start3A_124 = arith.constant 0 : i32
      %dma_start3A_125 = tpu.memref_slice %arg4[%add3A, %dma_start3A_123, %dma_start3A_124] : memref<32x80x128xi32, #tpu.memory_space<hbm>> -> memref<1x80x128xi32, #tpu.memory_space<hbm>>
      %dma_start3A_126 = tpu.memref_squeeze %dma_start3A_125 : memref<1x80x128xi32, #tpu.memory_space<hbm>> -> memref<80x128xi32, #tpu.memory_space<hbm>>
      %dma_start3A_127 = arith.constant 0 : i32
      %dma_start3A_128 = arith.constant 0 : i32
      %dma_start3A_129 = tpu.memref_slice %arg4[%add3A, %dma_start3A_127, %dma_start3A_128] : memref<32x80x128xi32, #tpu.memory_space<hbm>> -> memref<1x80x128xi32, #tpu.memory_space<hbm>>
      %dma_start3A_130 = tpu.memref_squeeze %dma_start3A_129 : memref<1x80x128xi32, #tpu.memory_space<hbm>> -> memref<80x128xi32, #tpu.memory_space<hbm>>
      tpu.enqueue_dma source(%dma_start3A_130 : memref<80x128xi32, #tpu.memory_space<hbm>>) target(%arg7 : memref<80x128xi32, #tpu.memory_space<vmem>>) target_semaphore(%run_scoped3A : memref<!tpu.dma_semaphore, #tpu.memory_space<semaphore_mem>>)
      %dma_wait3A_131 = arith.constant 0 : i32
      %dma_wait3A_132 = arith.constant 0 : i32
      %dma_wait3A_133 = tpu.memref_slice %arg4[%add3A, %dma_wait3A_131, %dma_wait3A_132] : memref<32x80x128xi32, #tpu.memory_space<hbm>> -> memref<1x80x128xi32, #tpu.memory_space<hbm>>
      %dma_wait3A_134 = tpu.memref_squeeze %dma_wait3A_133 : memref<1x80x128xi32, #tpu.memory_space<hbm>> -> memref<80x128xi32, #tpu.memory_space<hbm>>
      %dma_wait3A_135 = arith.constant 0 : i32
      %dma_wait3A_136 = arith.constant 0 : i32
      %dma_wait3A_137 = tpu.memref_slice %arg4[%add3A, %dma_wait3A_135, %dma_wait3A_136] : memref<32x80x128xi32, #tpu.memory_space<hbm>> -> memref<1x80x128xi32, #tpu.memory_space<hbm>>
      %dma_wait3A_138 = tpu.memref_squeeze %dma_wait3A_137 : memref<1x80x128xi32, #tpu.memory_space<hbm>> -> memref<80x128xi32, #tpu.memory_space<hbm>>
      tpu.wait_dma2 semaphore(%run_scoped3A : memref<!tpu.dma_semaphore, #tpu.memory_space<semaphore_mem>>) src(%dma_wait3A_138 : memref<80x128xi32, #tpu.memory_space<hbm>>) dst(%arg7 : memref<80x128xi32, #tpu.memory_space<vmem>>)
      tpu.yield
    }) : () -> ()
    %barrier3A = arith.constant 0 : index
    tpu.barrier barrier_id(%barrier3A)
    %scan3A_27 = arith.constant 0 : i32
    %scan3A_28 = arith.constant 0 : i32
    %scan3A_29 = arith.constant 80 : i32
    %scan3A_30 = arith.addi %scan3A_28, %scan3A_29 : i32
    %scan3A_31 = arith.constant 1 : i32
    %scan3A_32 = scf.for %scan3A_123 = %scan3A_28 to %scan3A_30 step %scan3A_31 iter_args(%scan3A_124 = %scan3A_27) -> (i32)  : i32 {
      %dma_start3A_125 = arith.constant 0 : i32
      %dma_start3A_126 = arith.constant 0 : i32
      %dma_start3A_127 = tpu.memref_slice %arg8[%dma_start3A_125, %dma_start3A_126] : memref<128x128xf32, #tpu.memory_space<vmem>> -> memref<128x128xf32, #tpu.memory_space<vmem>>
      %dma_start3A_128 = arith.constant 0 : i32
      %dma_start3A_129 = tpu.memref_slice %arg6[%scan3A_123, %dma_start3A_128] : memref<80x128xi32, #tpu.memory_space<vmem>> -> memref<1x128xi32, #tpu.memory_space<vmem>>
      %dma_start3A_130 = tpu.memref_squeeze %dma_start3A_129 : memref<1x128xi32, #tpu.memory_space<vmem>> -> memref<128xi32, #tpu.memory_space<vmem>>
      %dma_start3A_131 = arith.constant 0 : i32
      %dma_start3A_132 = arith.constant 0 : i32
      %dma_start3A_133 = tpu.memref_slice %arg2[%dma_start3A_131, %dma_start3A_132] : memref<10000x128xf32, #tpu.memory_space<hbm>> -> memref<10000x128xf32, #tpu.memory_space<hbm>>
      tpu.enqueue_indirect_dma source(%dma_start3A_133 : memref<10000x128xf32, #tpu.memory_space<hbm>>) target(%dma_start3A_127 : memref<128x128xf32, #tpu.memory_space<vmem>>) offsets(%dma_start3A_130 : memref<128xi32, #tpu.memory_space<vmem>>) semaphore(%arg10 : memref<!tpu.dma_semaphore, #tpu.memory_space<semaphore_mem>>)
      %dma_wait3A_134 = arith.constant 0 : i32
      %dma_wait3A_135 = arith.constant 0 : i32
      %dma_wait3A_136 = tpu.memref_slice %arg8[%dma_wait3A_134, %dma_wait3A_135] : memref<128x128xf32, #tpu.memory_space<vmem>> -> memref<128x128xf32, #tpu.memory_space<vmem>>
      %dma_wait3A_137 = arith.constant 0 : i32
      %dma_wait3A_138 = tpu.memref_slice %arg6[%scan3A_123, %dma_wait3A_137] : memref<80x128xi32, #tpu.memory_space<vmem>> -> memref<1x128xi32, #tpu.memory_space<vmem>>
      %dma_wait3A_139 = tpu.memref_squeeze %dma_wait3A_138 : memref<1x128xi32, #tpu.memory_space<vmem>> -> memref<128xi32, #tpu.memory_space<vmem>>
      %dma_wait3A_140 = arith.constant 0 : i32
      %dma_wait3A_141 = arith.constant 0 : i32
      %dma_wait3A_142 = tpu.memref_slice %arg2[%dma_wait3A_140, %dma_wait3A_141] : memref<10000x128xf32, #tpu.memory_space<hbm>> -> memref<10000x128xf32, #tpu.memory_space<hbm>>
      tpu.wait_indirect_dma semaphore(%arg10 : memref<!tpu.dma_semaphore, #tpu.memory_space<semaphore_mem>>) src(%dma_wait3A_142 : memref<10000x128xf32, #tpu.memory_space<hbm>>) dst(%dma_wait3A_136 : memref<128x128xf32, #tpu.memory_space<vmem>>)
      "tpu.region"() ({
        %run_scoped3A = tpu.sem_alloc : memref<!tpu.dma_semaphore, #tpu.memory_space<semaphore_mem>>
        %dma_start3A_144 = arith.constant 0 : i32
        %dma_start3A_145 = arith.constant 0 : i32
        %dma_start3A_146 = tpu.memref_slice %arg8[%dma_start3A_144, %dma_start3A_145] : memref<128x128xf32, #tpu.memory_space<vmem>> -> memref<128x128xf32, #tpu.memory_space<vmem>>
        %dma_start3A_147 = arith.constant 0 : i32
        %dma_start3A_148 = tpu.memref_slice %arg7[%scan3A_123, %dma_start3A_147] : memref<80x128xi32, #tpu.memory_space<vmem>> -> memref<1x128xi32, #tpu.memory_space<vmem>>
        %dma_start3A_149 = tpu.memref_squeeze %dma_start3A_148 : memref<1x128xi32, #tpu.memory_space<vmem>> -> memref<128xi32, #tpu.memory_space<vmem>>
        %dma_start3A_150 = arith.constant 0 : i32
        %dma_start3A_151 = arith.constant 0 : i32
        %dma_start3A_152 = tpu.memref_slice %arg9[%dma_start3A_150, %dma_start3A_151] : memref<10240x128xf32, #tpu.memory_space<vmem_shared>> -> memref<10240x128xf32, #tpu.memory_space<vmem_shared>>
        tpu.enqueue_indirect_dma source(%dma_start3A_146 : memref<128x128xf32, #tpu.memory_space<vmem>>) target(%dma_start3A_152 : memref<10240x128xf32, #tpu.memory_space<vmem_shared>>) offsets(%dma_start3A_149 : memref<128xi32, #tpu.memory_space<vmem>>) semaphore(%run_scoped3A : memref<!tpu.dma_semaphore, #tpu.memory_space<semaphore_mem>>) {add = true}
        %dma_wait3A_153 = arith.constant 0 : i32
        %dma_wait3A_154 = arith.constant 0 : i32
        %dma_wait3A_155 = tpu.memref_slice %arg8[%dma_wait3A_153, %dma_wait3A_154] : memref<128x128xf32, #tpu.memory_space<vmem>> -> memref<128x128xf32, #tpu.memory_space<vmem>>
        %dma_wait3A_156 = arith.constant 0 : i32
        %dma_wait3A_157 = tpu.memref_slice %arg7[%scan3A_123, %dma_wait3A_156] : memref<80x128xi32, #tpu.memory_space<vmem>> -> memref<1x128xi32, #tpu.memory_space<vmem>>
        %dma_wait3A_158 = tpu.memref_squeeze %dma_wait3A_157 : memref<1x128xi32, #tpu.memory_space<vmem>> -> memref<128xi32, #tpu.memory_space<vmem>>
        %dma_wait3A_159 = arith.constant 0 : i32
        %dma_wait3A_160 = arith.constant 0 : i32
        %dma_wait3A_161 = tpu.memref_slice %arg9[%dma_wait3A_159, %dma_wait3A_160] : memref<10240x128xf32, #tpu.memory_space<vmem_shared>> -> memref<10240x128xf32, #tpu.memory_space<vmem_shared>>
        tpu.wait_indirect_dma semaphore(%run_scoped3A : memref<!tpu.dma_semaphore, #tpu.memory_space<semaphore_mem>>) src(%dma_wait3A_155 : memref<128x128xf32, #tpu.memory_space<vmem>>) dst(%dma_wait3A_161 : memref<10240x128xf32, #tpu.memory_space<vmem_shared>>)
        tpu.yield
      }) : () -> ()
      %scan3A_143 = arith.constant 0 : i32
      scf.yield %scan3A_143 : i32
    }
    %scan3A_33 = arith.constant 80 : i32
    %barrier3A_34 = arith.constant 0 : index
    tpu.barrier barrier_id(%barrier3A_34)
    %mul3A_35 = arith.constant 640 : i32
    %mul3A_36 = arith.muli %arg1, %mul3A_35 : i32
    %add3A_37 = arith.constant 0 : i32
    %add3A_38 = arith.addi %mul3A_36, %add3A_37 : i32
    %dma_start3A = arith.constant 0 : i32
    %dma_start3A_39 = tpu.memref_slice %arg5[%arg0, %add3A_38, %dma_start3A] : memref<2x10240x128xf32, #tpu.memory_space<hbm>> -> memref<1x128x128xf32, #tpu.memory_space<hbm>>
    %dma_start3A_40 = tpu.memref_squeeze %dma_start3A_39 : memref<1x128x128xf32, #tpu.memory_space<hbm>> -> memref<128x128xf32, #tpu.memory_space<hbm>>
    %dma_start3A_41 = arith.constant 0 : i32
    %dma_start3A_42 = tpu.memref_slice %arg9[%add3A_38, %dma_start3A_41] : memref<10240x128xf32, #tpu.memory_space<vmem_shared>> -> memref<128x128xf32, #tpu.memory_space<vmem_shared>>
    tpu.enqueue_dma source(%dma_start3A_42 : memref<128x128xf32, #tpu.memory_space<vmem_shared>>) target(%dma_start3A_40 : memref<128x128xf32, #tpu.memory_space<hbm>>) target_semaphore(%arg10 : memref<!tpu.dma_semaphore, #tpu.memory_space<semaphore_mem>>)
    %mul3A_43 = arith.constant 640 : i32
    %mul3A_44 = arith.muli %arg1, %mul3A_43 : i32
    %add3A_45 = arith.constant 128 : i32
    %add3A_46 = arith.addi %mul3A_44, %add3A_45 : i32
    %dma_start3A_47 = arith.constant 0 : i32
    %dma_start3A_48 = tpu.memref_slice %arg5[%arg0, %add3A_46, %dma_start3A_47] : memref<2x10240x128xf32, #tpu.memory_space<hbm>> -> memref<1x128x128xf32, #tpu.memory_space<hbm>>
    %dma_start3A_49 = tpu.memref_squeeze %dma_start3A_48 : memref<1x128x128xf32, #tpu.memory_space<hbm>> -> memref<128x128xf32, #tpu.memory_space<hbm>>
    %dma_start3A_50 = arith.constant 0 : i32
    %dma_start3A_51 = tpu.memref_slice %arg9[%add3A_46, %dma_start3A_50] : memref<10240x128xf32, #tpu.memory_space<vmem_shared>> -> memref<128x128xf32, #tpu.memory_space<vmem_shared>>
    tpu.enqueue_dma source(%dma_start3A_51 : memref<128x128xf32, #tpu.memory_space<vmem_shared>>) target(%dma_start3A_49 : memref<128x128xf32, #tpu.memory_space<hbm>>) target_semaphore(%arg10 : memref<!tpu.dma_semaphore, #tpu.memory_space<semaphore_mem>>)
    %mul3A_52 = arith.constant 640 : i32
    %mul3A_53 = arith.muli %arg1, %mul3A_52 : i32
    %add3A_54 = arith.constant 256 : i32
    %add3A_55 = arith.addi %mul3A_53, %add3A_54 : i32
    %dma_start3A_56 = arith.constant 0 : i32
    %dma_start3A_57 = tpu.memref_slice %arg5[%arg0, %add3A_55, %dma_start3A_56] : memref<2x10240x128xf32, #tpu.memory_space<hbm>> -> memref<1x128x128xf32, #tpu.memory_space<hbm>>
    %dma_start3A_58 = tpu.memref_squeeze %dma_start3A_57 : memref<1x128x128xf32, #tpu.memory_space<hbm>> -> memref<128x128xf32, #tpu.memory_space<hbm>>
    %dma_start3A_59 = arith.constant 0 : i32
    %dma_start3A_60 = tpu.memref_slice %arg9[%add3A_55, %dma_start3A_59] : memref<10240x128xf32, #tpu.memory_space<vmem_shared>> -> memref<128x128xf32, #tpu.memory_space<vmem_shared>>
    tpu.enqueue_dma source(%dma_start3A_60 : memref<128x128xf32, #tpu.memory_space<vmem_shared>>) target(%dma_start3A_58 : memref<128x128xf32, #tpu.memory_space<hbm>>) target_semaphore(%arg10 : memref<!tpu.dma_semaphore, #tpu.memory_space<semaphore_mem>>)
    %mul3A_61 = arith.constant 640 : i32
    %mul3A_62 = arith.muli %arg1, %mul3A_61 : i32
    %add3A_63 = arith.constant 384 : i32
    %add3A_64 = arith.addi %mul3A_62, %add3A_63 : i32
    %dma_start3A_65 = arith.constant 0 : i32
    %dma_start3A_66 = tpu.memref_slice %arg5[%arg0, %add3A_64, %dma_start3A_65] : memref<2x10240x128xf32, #tpu.memory_space<hbm>> -> memref<1x128x128xf32, #tpu.memory_space<hbm>>
    %dma_start3A_67 = tpu.memref_squeeze %dma_start3A_66 : memref<1x128x128xf32, #tpu.memory_space<hbm>> -> memref<128x128xf32, #tpu.memory_space<hbm>>
    %dma_start3A_68 = arith.constant 0 : i32
    %dma_start3A_69 = tpu.memref_slice %arg9[%add3A_64, %dma_start3A_68] : memref<10240x128xf32, #tpu.memory_space<vmem_shared>> -> memref<128x128xf32, #tpu.memory_space<vmem_shared>>
    tpu.enqueue_dma source(%dma_start3A_69 : memref<128x128xf32, #tpu.memory_space<vmem_shared>>) target(%dma_start3A_67 : memref<128x128xf32, #tpu.memory_space<hbm>>) target_semaphore(%arg10 : memref<!tpu.dma_semaphore, #tpu.memory_space<semaphore_mem>>)
    %mul3A_70 = arith.constant 640 : i32
    %mul3A_71 = arith.muli %arg1, %mul3A_70 : i32
    %add3A_72 = arith.constant 512 : i32
    %add3A_73 = arith.addi %mul3A_71, %add3A_72 : i32
    %dma_start3A_74 = arith.constant 0 : i32
    %dma_start3A_75 = tpu.memref_slice %arg5[%arg0, %add3A_73, %dma_start3A_74] : memref<2x10240x128xf32, #tpu.memory_space<hbm>> -> memref<1x128x128xf32, #tpu.memory_space<hbm>>
    %dma_start3A_76 = tpu.memref_squeeze %dma_start3A_75 : memref<1x128x128xf32, #tpu.memory_space<hbm>> -> memref<128x128xf32, #tpu.memory_space<hbm>>
    %dma_start3A_77 = arith.constant 0 : i32
    %dma_start3A_78 = tpu.memref_slice %arg9[%add3A_73, %dma_start3A_77] : memref<10240x128xf32, #tpu.memory_space<vmem_shared>> -> memref<128x128xf32, #tpu.memory_space<vmem_shared>>
    tpu.enqueue_dma source(%dma_start3A_78 : memref<128x128xf32, #tpu.memory_space<vmem_shared>>) target(%dma_start3A_76 : memref<128x128xf32, #tpu.memory_space<hbm>>) target_semaphore(%arg10 : memref<!tpu.dma_semaphore, #tpu.memory_space<semaphore_mem>>)
    %mul3A_79 = arith.constant 640 : i32
    %mul3A_80 = arith.muli %arg1, %mul3A_79 : i32
    %add3A_81 = arith.constant 0 : i32
    %add3A_82 = arith.addi %mul3A_80, %add3A_81 : i32
    %dma_wait3A = arith.constant 0 : i32
    %dma_wait3A_83 = tpu.memref_slice %arg5[%arg0, %add3A_82, %dma_wait3A] : memref<2x10240x128xf32, #tpu.memory_space<hbm>> -> memref<1x128x128xf32, #tpu.memory_space<hbm>>
    %dma_wait3A_84 = tpu.memref_squeeze %dma_wait3A_83 : memref<1x128x128xf32, #tpu.memory_space<hbm>> -> memref<128x128xf32, #tpu.memory_space<hbm>>
    %dma_wait3A_85 = arith.constant 0 : i32
    %dma_wait3A_86 = tpu.memref_slice %arg9[%add3A_82, %dma_wait3A_85] : memref<10240x128xf32, #tpu.memory_space<vmem_shared>> -> memref<128x128xf32, #tpu.memory_space<vmem_shared>>
    tpu.wait_dma2 semaphore(%arg10 : memref<!tpu.dma_semaphore, #tpu.memory_space<semaphore_mem>>) src(%dma_wait3A_86 : memref<128x128xf32, #tpu.memory_space<vmem_shared>>) dst(%dma_wait3A_84 : memref<128x128xf32, #tpu.memory_space<hbm>>)
    %mul3A_87 = arith.constant 640 : i32
    %mul3A_88 = arith.muli %arg1, %mul3A_87 : i32
    %add3A_89 = arith.constant 128 : i32
    %add3A_90 = arith.addi %mul3A_88, %add3A_89 : i32
    %dma_wait3A_91 = arith.constant 0 : i32
    %dma_wait3A_92 = tpu.memref_slice %arg5[%arg0, %add3A_90, %dma_wait3A_91] : memref<2x10240x128xf32, #tpu.memory_space<hbm>> -> memref<1x128x128xf32, #tpu.memory_space<hbm>>
    %dma_wait3A_93 = tpu.memref_squeeze %dma_wait3A_92 : memref<1x128x128xf32, #tpu.memory_space<hbm>> -> memref<128x128xf32, #tpu.memory_space<hbm>>
    %dma_wait3A_94 = arith.constant 0 : i32
    %dma_wait3A_95 = tpu.memref_slice %arg9[%add3A_90, %dma_wait3A_94] : memref<10240x128xf32, #tpu.memory_space<vmem_shared>> -> memref<128x128xf32, #tpu.memory_space<vmem_shared>>
    tpu.wait_dma2 semaphore(%arg10 : memref<!tpu.dma_semaphore, #tpu.memory_space<semaphore_mem>>) src(%dma_wait3A_95 : memref<128x128xf32, #tpu.memory_space<vmem_shared>>) dst(%dma_wait3A_93 : memref<128x128xf32, #tpu.memory_space<hbm>>)
    %mul3A_96 = arith.constant 640 : i32
    %mul3A_97 = arith.muli %arg1, %mul3A_96 : i32
    %add3A_98 = arith.constant 256 : i32
    %add3A_99 = arith.addi %mul3A_97, %add3A_98 : i32
    %dma_wait3A_100 = arith.constant 0 : i32
    %dma_wait3A_101 = tpu.memref_slice %arg5[%arg0, %add3A_99, %dma_wait3A_100] : memref<2x10240x128xf32, #tpu.memory_space<hbm>> -> memref<1x128x128xf32, #tpu.memory_space<hbm>>
    %dma_wait3A_102 = tpu.memref_squeeze %dma_wait3A_101 : memref<1x128x128xf32, #tpu.memory_space<hbm>> -> memref<128x128xf32, #tpu.memory_space<hbm>>
    %dma_wait3A_103 = arith.constant 0 : i32
    %dma_wait3A_104 = tpu.memref_slice %arg9[%add3A_99, %dma_wait3A_103] : memref<10240x128xf32, #tpu.memory_space<vmem_shared>> -> memref<128x128xf32, #tpu.memory_space<vmem_shared>>
    tpu.wait_dma2 semaphore(%arg10 : memref<!tpu.dma_semaphore, #tpu.memory_space<semaphore_mem>>) src(%dma_wait3A_104 : memref<128x128xf32, #tpu.memory_space<vmem_shared>>) dst(%dma_wait3A_102 : memref<128x128xf32, #tpu.memory_space<hbm>>)
    %mul3A_105 = arith.constant 640 : i32
    %mul3A_106 = arith.muli %arg1, %mul3A_105 : i32
    %add3A_107 = arith.constant 384 : i32
    %add3A_108 = arith.addi %mul3A_106, %add3A_107 : i32
    %dma_wait3A_109 = arith.constant 0 : i32
    %dma_wait3A_110 = tpu.memref_slice %arg5[%arg0, %add3A_108, %dma_wait3A_109] : memref<2x10240x128xf32, #tpu.memory_space<hbm>> -> memref<1x128x128xf32, #tpu.memory_space<hbm>>
    %dma_wait3A_111 = tpu.memref_squeeze %dma_wait3A_110 : memref<1x128x128xf32, #tpu.memory_space<hbm>> -> memref<128x128xf32, #tpu.memory_space<hbm>>
    %dma_wait3A_112 = arith.constant 0 : i32
    %dma_wait3A_113 = tpu.memref_slice %arg9[%add3A_108, %dma_wait3A_112] : memref<10240x128xf32, #tpu.memory_space<vmem_shared>> -> memref<128x128xf32, #tpu.memory_space<vmem_shared>>
    tpu.wait_dma2 semaphore(%arg10 : memref<!tpu.dma_semaphore, #tpu.memory_space<semaphore_mem>>) src(%dma_wait3A_113 : memref<128x128xf32, #tpu.memory_space<vmem_shared>>) dst(%dma_wait3A_111 : memref<128x128xf32, #tpu.memory_space<hbm>>)
    %mul3A_114 = arith.constant 640 : i32
    %mul3A_115 = arith.muli %arg1, %mul3A_114 : i32
    %add3A_116 = arith.constant 512 : i32
    %add3A_117 = arith.addi %mul3A_115, %add3A_116 : i32
    %dma_wait3A_118 = arith.constant 0 : i32
    %dma_wait3A_119 = tpu.memref_slice %arg5[%arg0, %add3A_117, %dma_wait3A_118] : memref<2x10240x128xf32, #tpu.memory_space<hbm>> -> memref<1x128x128xf32, #tpu.memory_space<hbm>>
    %dma_wait3A_120 = tpu.memref_squeeze %dma_wait3A_119 : memref<1x128x128xf32, #tpu.memory_space<hbm>> -> memref<128x128xf32, #tpu.memory_space<hbm>>
    %dma_wait3A_121 = arith.constant 0 : i32
    %dma_wait3A_122 = tpu.memref_slice %arg9[%add3A_117, %dma_wait3A_121] : memref<10240x128xf32, #tpu.memory_space<vmem_shared>> -> memref<128x128xf32, #tpu.memory_space<vmem_shared>>
    tpu.wait_dma2 semaphore(%arg10 : memref<!tpu.dma_semaphore, #tpu.memory_space<semaphore_mem>>) src(%dma_wait3A_122 : memref<128x128xf32, #tpu.memory_space<vmem_shared>>) dst(%dma_wait3A_120 : memref<128x128xf32, #tpu.memory_space<hbm>>)
    return
  }
}

#map = affine_map<(d0, d1) -> (0, 0)>
#map1 = affine_map<(d0, d1) -> (0, 0, 0)>
module attributes {stable_mosaic.version = 14 : i64} {
  func.func @_sc_agg_body(%arg0: i32, %arg1: i32, %arg2: memref<10000x128xf32, #tpu.memory_space<hbm>>, %arg3: memref<32x80x128xi32, #tpu.memory_space<hbm>>, %arg4: memref<32x80x128xi32, #tpu.memory_space<hbm>>, %arg5: memref<2x10240x128xf32, #tpu.memory_space<hbm>>, %arg6: memref<80x128xi32, #tpu.memory_space<vmem>>, %arg7: memref<80x128xi32, #tpu.memory_space<vmem>>, %arg8: memref<128x128xf32, #tpu.memory_space<vmem>>, %arg9: memref<10240x128xf32, #tpu.memory_space<vmem_shared>>, %arg10: memref<!tpu.dma_semaphore, #tpu.memory_space<semaphore_mem>>) attributes {dimension_semantics = [#tpu.dimension_semantics<core_parallel>, #tpu.dimension_semantics<subcore_parallel>], iteration_bounds = array<i64: 2, 16>, scalar_prefetch = 0 : i64, scratch_operands = 5 : i64, tpu.core_type = #tpu.core_type<sc_vector_subcore>, window_params = [{transform_indices = #map}, {transform_indices = #map1}, {transform_indices = #map1}, {transform_indices = #map1}]} {
    %mul3A = arith.constant 2 : i32
    %mul3A_0 = arith.muli %arg1, %mul3A : i32
    %add3A = arith.addi %mul3A_0, %arg0 : i32
    %scan3A = arith.constant 0 : i32
    %scan3A_1 = arith.constant 0 : i32
    %scan3A_2 = arith.constant 128 : i32
    %scan3A_3 = arith.addi %scan3A_1, %scan3A_2 : i32
    %scan3A_4 = arith.constant 1 : i32
    %scan3A_5 = scf.for %scan3A_123 = %scan3A_1 to %scan3A_3 step %scan3A_4 iter_args(%scan3A_124 = %scan3A) -> (i32)  : i32 {
      %broadcast_in_dim3A = arith.constant 0.000000e+00 : f32
      %broadcast_in_dim3A_125 = vector.broadcast %broadcast_in_dim3A : f32 to vector<16xf32>
      %swap3A = arith.constant 0 : i32
      %swap3A_126 = arith.constant 0 : i32
      %swap3A_127 = tpu.memref_slice %arg8[%swap3A, %swap3A_126] : memref<128x128xf32, #tpu.memory_space<vmem>> -> memref<128x128xf32, #tpu.memory_space<vmem>>
      %swap3A_128 = arith.index_cast %scan3A_123 : i32 to index
      %swap3A_129 = arith.constant 0 : index
      %swap3A_130 = tpu.vector_load %swap3A_127[%swap3A_128, %swap3A_129] {strides = array<i32>} : memref<128x128xf32, #tpu.memory_space<vmem>>, vector<1x16xf32>,
      %swap3A_131 = vector.shape_cast %swap3A_130 : vector<1x16xf32> to vector<16xf32>
      %swap3A_132 = vector.shape_cast %broadcast_in_dim3A_125 : vector<16xf32> to vector<1x16xf32>
      tpu.vector_store %swap3A_127[%swap3A_128, %swap3A_129], %swap3A_132 {strides = array<i32>} : memref<128x128xf32, #tpu.memory_space<vmem>>, vector<1x16xf32>,
      %broadcast_in_dim3A_133 = arith.constant 0.000000e+00 : f32
      %broadcast_in_dim3A_134 = vector.broadcast %broadcast_in_dim3A_133 : f32 to vector<16xf32>
      %swap3A_135 = arith.constant 0 : i32
      %swap3A_136 = arith.constant 0 : i32
      %swap3A_137 = tpu.memref_slice %arg8[%swap3A_135, %swap3A_136] : memref<128x128xf32, #tpu.memory_space<vmem>> -> memref<128x128xf32, #tpu.memory_space<vmem>>
      %swap3A_138 = arith.index_cast %scan3A_123 : i32 to index
      %swap3A_139 = arith.constant 16 : index
      %swap3A_140 = tpu.vector_load %swap3A_137[%swap3A_138, %swap3A_139] {strides = array<i32>} : memref<128x128xf32, #tpu.memory_space<vmem>>, vector<1x16xf32>,
      %swap3A_141 = vector.shape_cast %swap3A_140 : vector<1x16xf32> to vector<16xf32>
      %swap3A_142 = vector.shape_cast %broadcast_in_dim3A_134 : vector<16xf32> to vector<1x16xf32>
      tpu.vector_store %swap3A_137[%swap3A_138, %swap3A_139], %swap3A_142 {strides = array<i32>} : memref<128x128xf32, #tpu.memory_space<vmem>>, vector<1x16xf32>,
      %broadcast_in_dim3A_143 = arith.constant 0.000000e+00 : f32
      %broadcast_in_dim3A_144 = vector.broadcast %broadcast_in_dim3A_143 : f32 to vector<16xf32>
      %swap3A_145 = arith.constant 0 : i32
      %swap3A_146 = arith.constant 0 : i32
      %swap3A_147 = tpu.memref_slice %arg8[%swap3A_145, %swap3A_146] : memref<128x128xf32, #tpu.memory_space<vmem>> -> memref<128x128xf32, #tpu.memory_space<vmem>>
      %swap3A_148 = arith.index_cast %scan3A_123 : i32 to index
      %swap3A_149 = arith.constant 32 : index
      %swap3A_150 = tpu.vector_load %swap3A_147[%swap3A_148, %swap3A_149] {strides = array<i32>} : memref<128x128xf32, #tpu.memory_space<vmem>>, vector<1x16xf32>,
      %swap3A_151 = vector.shape_cast %swap3A_150 : vector<1x16xf32> to vector<16xf32>
      %swap3A_152 = vector.shape_cast %broadcast_in_dim3A_144 : vector<16xf32> to vector<1x16xf32>
      tpu.vector_store %swap3A_147[%swap3A_148, %swap3A_149], %swap3A_152 {strides = array<i32>} : memref<128x128xf32, #tpu.memory_space<vmem>>, vector<1x16xf32>,
      %broadcast_in_dim3A_153 = arith.constant 0.000000e+00 : f32
      %broadcast_in_dim3A_154 = vector.broadcast %broadcast_in_dim3A_153 : f32 to vector<16xf32>
      %swap3A_155 = arith.constant 0 : i32
      %swap3A_156 = arith.constant 0 : i32
      %swap3A_157 = tpu.memref_slice %arg8[%swap3A_155, %swap3A_156] : memref<128x128xf32, #tpu.memory_space<vmem>> -> memref<128x128xf32, #tpu.memory_space<vmem>>
      %swap3A_158 = arith.index_cast %scan3A_123 : i32 to index
      %swap3A_159 = arith.constant 48 : index
      %swap3A_160 = tpu.vector_load %swap3A_157[%swap3A_158, %swap3A_159] {strides = array<i32>} : memref<128x128xf32, #tpu.memory_space<vmem>>, vector<1x16xf32>,
      %swap3A_161 = vector.shape_cast %swap3A_160 : vector<1x16xf32> to vector<16xf32>
      %swap3A_162 = vector.shape_cast %broadcast_in_dim3A_154 : vector<16xf32> to vector<1x16xf32>
      tpu.vector_store %swap3A_157[%swap3A_158, %swap3A_159], %swap3A_162 {strides = array<i32>} : memref<128x128xf32, #tpu.memory_space<vmem>>, vector<1x16xf32>,
      %broadcast_in_dim3A_163 = arith.constant 0.000000e+00 : f32
      %broadcast_in_dim3A_164 = vector.broadcast %broadcast_in_dim3A_163 : f32 to vector<16xf32>
      %swap3A_165 = arith.constant 0 : i32
      %swap3A_166 = arith.constant 0 : i32
      %swap3A_167 = tpu.memref_slice %arg8[%swap3A_165, %swap3A_166] : memref<128x128xf32, #tpu.memory_space<vmem>> -> memref<128x128xf32, #tpu.memory_space<vmem>>
      %swap3A_168 = arith.index_cast %scan3A_123 : i32 to index
      %swap3A_169 = arith.constant 64 : index
      %swap3A_170 = tpu.vector_load %swap3A_167[%swap3A_168, %swap3A_169] {strides = array<i32>} : memref<128x128xf32, #tpu.memory_space<vmem>>, vector<1x16xf32>,
      %swap3A_171 = vector.shape_cast %swap3A_170 : vector<1x16xf32> to vector<16xf32>
      %swap3A_172 = vector.shape_cast %broadcast_in_dim3A_164 : vector<16xf32> to vector<1x16xf32>
      tpu.vector_store %swap3A_167[%swap3A_168, %swap3A_169], %swap3A_172 {strides = array<i32>} : memref<128x128xf32, #tpu.memory_space<vmem>>, vector<1x16xf32>,
      %broadcast_in_dim3A_173 = arith.constant 0.000000e+00 : f32
      %broadcast_in_dim3A_174 = vector.broadcast %broadcast_in_dim3A_173 : f32 to vector<16xf32>
      %swap3A_175 = arith.constant 0 : i32
      %swap3A_176 = arith.constant 0 : i32
      %swap3A_177 = tpu.memref_slice %arg8[%swap3A_175, %swap3A_176] : memref<128x128xf32, #tpu.memory_space<vmem>> -> memref<128x128xf32, #tpu.memory_space<vmem>>
      %swap3A_178 = arith.index_cast %scan3A_123 : i32 to index
      %swap3A_179 = arith.constant 80 : index
      %swap3A_180 = tpu.vector_load %swap3A_177[%swap3A_178, %swap3A_179] {strides = array<i32>} : memref<128x128xf32, #tpu.memory_space<vmem>>, vector<1x16xf32>,
      %swap3A_181 = vector.shape_cast %swap3A_180 : vector<1x16xf32> to vector<16xf32>
      %swap3A_182 = vector.shape_cast %broadcast_in_dim3A_174 : vector<16xf32> to vector<1x16xf32>
      tpu.vector_store %swap3A_177[%swap3A_178, %swap3A_179], %swap3A_182 {strides = array<i32>} : memref<128x128xf32, #tpu.memory_space<vmem>>, vector<1x16xf32>,
      %broadcast_in_dim3A_183 = arith.constant 0.000000e+00 : f32
      %broadcast_in_dim3A_184 = vector.broadcast %broadcast_in_dim3A_183 : f32 to vector<16xf32>
      %swap3A_185 = arith.constant 0 : i32
      %swap3A_186 = arith.constant 0 : i32
      %swap3A_187 = tpu.memref_slice %arg8[%swap3A_185, %swap3A_186] : memref<128x128xf32, #tpu.memory_space<vmem>> -> memref<128x128xf32, #tpu.memory_space<vmem>>
      %swap3A_188 = arith.index_cast %scan3A_123 : i32 to index
      %swap3A_189 = arith.constant 96 : index
      %swap3A_190 = tpu.vector_load %swap3A_187[%swap3A_188, %swap3A_189] {strides = array<i32>} : memref<128x128xf32, #tpu.memory_space<vmem>>, vector<1x16xf32>,
      %swap3A_191 = vector.shape_cast %swap3A_190 : vector<1x16xf32> to vector<16xf32>
      %swap3A_192 = vector.shape_cast %broadcast_in_dim3A_184 : vector<16xf32> to vector<1x16xf32>
      tpu.vector_store %swap3A_187[%swap3A_188, %swap3A_189], %swap3A_192 {strides = array<i32>} : memref<128x128xf32, #tpu.memory_space<vmem>>, vector<1x16xf32>,
      %broadcast_in_dim3A_193 = arith.constant 0.000000e+00 : f32
      %broadcast_in_dim3A_194 = vector.broadcast %broadcast_in_dim3A_193 : f32 to vector<16xf32>
      %swap3A_195 = arith.constant 0 : i32
      %swap3A_196 = arith.constant 0 : i32
      %swap3A_197 = tpu.memref_slice %arg8[%swap3A_195, %swap3A_196] : memref<128x128xf32, #tpu.memory_space<vmem>> -> memref<128x128xf32, #tpu.memory_space<vmem>>
      %swap3A_198 = arith.index_cast %scan3A_123 : i32 to index
      %swap3A_199 = arith.constant 112 : index
      %swap3A_200 = tpu.vector_load %swap3A_197[%swap3A_198, %swap3A_199] {strides = array<i32>} : memref<128x128xf32, #tpu.memory_space<vmem>>, vector<1x16xf32>,
      %swap3A_201 = vector.shape_cast %swap3A_200 : vector<1x16xf32> to vector<16xf32>
      %swap3A_202 = vector.shape_cast %broadcast_in_dim3A_194 : vector<16xf32> to vector<1x16xf32>
      tpu.vector_store %swap3A_197[%swap3A_198, %swap3A_199], %swap3A_202 {strides = array<i32>} : memref<128x128xf32, #tpu.memory_space<vmem>>, vector<1x16xf32>,
      %scan3A_203 = arith.constant 0 : i32
      scf.yield %scan3A_203 : i32
    }
    %scan3A_6 = arith.constant 128 : i32
    %mul3A_7 = arith.constant 640 : i32
    %mul3A_8 = arith.muli %arg1, %mul3A_7 : i32
    %add3A_9 = arith.constant 0 : i32
    %add3A_10 = arith.addi %mul3A_8, %add3A_9 : i32
    "tpu.region"() ({
      %run_scoped3A = tpu.sem_alloc : memref<!tpu.dma_semaphore, #tpu.memory_space<semaphore_mem>>
      %dma_start3A_123 = arith.constant 0 : i32
      %dma_start3A_124 = arith.constant 0 : i32
      %dma_start3A_125 = tpu.memref_slice %arg8[%dma_start3A_123, %dma_start3A_124] : memref<128x128xf32, #tpu.memory_space<vmem>> -> memref<128x128xf32, #tpu.memory_space<vmem>>
      %dma_start3A_126 = arith.constant 0 : i32
      %dma_start3A_127 = tpu.memref_slice %arg9[%add3A_10, %dma_start3A_126] : memref<10240x128xf32, #tpu.memory_space<vmem_shared>> -> memref<128x128xf32, #tpu.memory_space<vmem_shared>>
      %dma_start3A_128 = arith.constant 0 : i32
      %dma_start3A_129 = tpu.memref_slice %arg9[%add3A_10, %dma_start3A_128] : memref<10240x128xf32, #tpu.memory_space<vmem_shared>> -> memref<128x128xf32, #tpu.memory_space<vmem_shared>>
      %dma_start3A_130 = arith.constant 0 : i32
      %dma_start3A_131 = arith.constant 0 : i32
      %dma_start3A_132 = tpu.memref_slice %arg8[%dma_start3A_130, %dma_start3A_131] : memref<128x128xf32, #tpu.memory_space<vmem>> -> memref<128x128xf32, #tpu.memory_space<vmem>>
      tpu.enqueue_dma source(%dma_start3A_132 : memref<128x128xf32, #tpu.memory_space<vmem>>) target(%dma_start3A_129 : memref<128x128xf32, #tpu.memory_space<vmem_shared>>) target_semaphore(%run_scoped3A : memref<!tpu.dma_semaphore, #tpu.memory_space<semaphore_mem>>)
      %dma_wait3A_133 = arith.constant 0 : i32
      %dma_wait3A_134 = arith.constant 0 : i32
      %dma_wait3A_135 = tpu.memref_slice %arg8[%dma_wait3A_133, %dma_wait3A_134] : memref<128x128xf32, #tpu.memory_space<vmem>> -> memref<128x128xf32, #tpu.memory_space<vmem>>
      %dma_wait3A_136 = arith.constant 0 : i32
      %dma_wait3A_137 = tpu.memref_slice %arg9[%add3A_10, %dma_wait3A_136] : memref<10240x128xf32, #tpu.memory_space<vmem_shared>> -> memref<128x128xf32, #tpu.memory_space<vmem_shared>>
      %dma_wait3A_138 = arith.constant 0 : i32
      %dma_wait3A_139 = tpu.memref_slice %arg9[%add3A_10, %dma_wait3A_138] : memref<10240x128xf32, #tpu.memory_space<vmem_shared>> -> memref<128x128xf32, #tpu.memory_space<vmem_shared>>
      %dma_wait3A_140 = arith.constant 0 : i32
      %dma_wait3A_141 = arith.constant 0 : i32
      %dma_wait3A_142 = tpu.memref_slice %arg8[%dma_wait3A_140, %dma_wait3A_141] : memref<128x128xf32, #tpu.memory_space<vmem>> -> memref<128x128xf32, #tpu.memory_space<vmem>>
      tpu.wait_dma2 semaphore(%run_scoped3A : memref<!tpu.dma_semaphore, #tpu.memory_space<semaphore_mem>>) src(%dma_wait3A_142 : memref<128x128xf32, #tpu.memory_space<vmem>>) dst(%dma_wait3A_139 : memref<128x128xf32, #tpu.memory_space<vmem_shared>>)
      tpu.yield
    }) : () -> ()
    %mul3A_11 = arith.constant 640 : i32
    %mul3A_12 = arith.muli %arg1, %mul3A_11 : i32
    %add3A_13 = arith.constant 128 : i32
    %add3A_14 = arith.addi %mul3A_12, %add3A_13 : i32
    "tpu.region"() ({
      %run_scoped3A = tpu.sem_alloc : memref<!tpu.dma_semaphore, #tpu.memory_space<semaphore_mem>>
      %dma_start3A_123 = arith.constant 0 : i32
      %dma_start3A_124 = arith.constant 0 : i32
      %dma_start3A_125 = tpu.memref_slice %arg8[%dma_start3A_123, %dma_start3A_124] : memref<128x128xf32, #tpu.memory_space<vmem>> -> memref<128x128xf32, #tpu.memory_space<vmem>>
      %dma_start3A_126 = arith.constant 0 : i32
      %dma_start3A_127 = tpu.memref_slice %arg9[%add3A_14, %dma_start3A_126] : memref<10240x128xf32, #tpu.memory_space<vmem_shared>> -> memref<128x128xf32, #tpu.memory_space<vmem_shared>>
      %dma_start3A_128 = arith.constant 0 : i32
      %dma_start3A_129 = tpu.memref_slice %arg9[%add3A_14, %dma_start3A_128] : memref<10240x128xf32, #tpu.memory_space<vmem_shared>> -> memref<128x128xf32, #tpu.memory_space<vmem_shared>>
      %dma_start3A_130 = arith.constant 0 : i32
      %dma_start3A_131 = arith.constant 0 : i32
      %dma_start3A_132 = tpu.memref_slice %arg8[%dma_start3A_130, %dma_start3A_131] : memref<128x128xf32, #tpu.memory_space<vmem>> -> memref<128x128xf32, #tpu.memory_space<vmem>>
      tpu.enqueue_dma source(%dma_start3A_132 : memref<128x128xf32, #tpu.memory_space<vmem>>) target(%dma_start3A_129 : memref<128x128xf32, #tpu.memory_space<vmem_shared>>) target_semaphore(%run_scoped3A : memref<!tpu.dma_semaphore, #tpu.memory_space<semaphore_mem>>)
      %dma_wait3A_133 = arith.constant 0 : i32
      %dma_wait3A_134 = arith.constant 0 : i32
      %dma_wait3A_135 = tpu.memref_slice %arg8[%dma_wait3A_133, %dma_wait3A_134] : memref<128x128xf32, #tpu.memory_space<vmem>> -> memref<128x128xf32, #tpu.memory_space<vmem>>
      %dma_wait3A_136 = arith.constant 0 : i32
      %dma_wait3A_137 = tpu.memref_slice %arg9[%add3A_14, %dma_wait3A_136] : memref<10240x128xf32, #tpu.memory_space<vmem_shared>> -> memref<128x128xf32, #tpu.memory_space<vmem_shared>>
      %dma_wait3A_138 = arith.constant 0 : i32
      %dma_wait3A_139 = tpu.memref_slice %arg9[%add3A_14, %dma_wait3A_138] : memref<10240x128xf32, #tpu.memory_space<vmem_shared>> -> memref<128x128xf32, #tpu.memory_space<vmem_shared>>
      %dma_wait3A_140 = arith.constant 0 : i32
      %dma_wait3A_141 = arith.constant 0 : i32
      %dma_wait3A_142 = tpu.memref_slice %arg8[%dma_wait3A_140, %dma_wait3A_141] : memref<128x128xf32, #tpu.memory_space<vmem>> -> memref<128x128xf32, #tpu.memory_space<vmem>>
      tpu.wait_dma2 semaphore(%run_scoped3A : memref<!tpu.dma_semaphore, #tpu.memory_space<semaphore_mem>>) src(%dma_wait3A_142 : memref<128x128xf32, #tpu.memory_space<vmem>>) dst(%dma_wait3A_139 : memref<128x128xf32, #tpu.memory_space<vmem_shared>>)
      tpu.yield
    }) : () -> ()
    %mul3A_15 = arith.constant 640 : i32
    %mul3A_16 = arith.muli %arg1, %mul3A_15 : i32
    %add3A_17 = arith.constant 256 : i32
    %add3A_18 = arith.addi %mul3A_16, %add3A_17 : i32
    "tpu.region"() ({
      %run_scoped3A = tpu.sem_alloc : memref<!tpu.dma_semaphore, #tpu.memory_space<semaphore_mem>>
      %dma_start3A_123 = arith.constant 0 : i32
      %dma_start3A_124 = arith.constant 0 : i32
      %dma_start3A_125 = tpu.memref_slice %arg8[%dma_start3A_123, %dma_start3A_124] : memref<128x128xf32, #tpu.memory_space<vmem>> -> memref<128x128xf32, #tpu.memory_space<vmem>>
      %dma_start3A_126 = arith.constant 0 : i32
      %dma_start3A_127 = tpu.memref_slice %arg9[%add3A_18, %dma_start3A_126] : memref<10240x128xf32, #tpu.memory_space<vmem_shared>> -> memref<128x128xf32, #tpu.memory_space<vmem_shared>>
      %dma_start3A_128 = arith.constant 0 : i32
      %dma_start3A_129 = tpu.memref_slice %arg9[%add3A_18, %dma_start3A_128] : memref<10240x128xf32, #tpu.memory_space<vmem_shared>> -> memref<128x128xf32, #tpu.memory_space<vmem_shared>>
      %dma_start3A_130 = arith.constant 0 : i32
      %dma_start3A_131 = arith.constant 0 : i32
      %dma_start3A_132 = tpu.memref_slice %arg8[%dma_start3A_130, %dma_start3A_131] : memref<128x128xf32, #tpu.memory_space<vmem>> -> memref<128x128xf32, #tpu.memory_space<vmem>>
      tpu.enqueue_dma source(%dma_start3A_132 : memref<128x128xf32, #tpu.memory_space<vmem>>) target(%dma_start3A_129 : memref<128x128xf32, #tpu.memory_space<vmem_shared>>) target_semaphore(%run_scoped3A : memref<!tpu.dma_semaphore, #tpu.memory_space<semaphore_mem>>)
      %dma_wait3A_133 = arith.constant 0 : i32
      %dma_wait3A_134 = arith.constant 0 : i32
      %dma_wait3A_135 = tpu.memref_slice %arg8[%dma_wait3A_133, %dma_wait3A_134] : memref<128x128xf32, #tpu.memory_space<vmem>> -> memref<128x128xf32, #tpu.memory_space<vmem>>
      %dma_wait3A_136 = arith.constant 0 : i32
      %dma_wait3A_137 = tpu.memref_slice %arg9[%add3A_18, %dma_wait3A_136] : memref<10240x128xf32, #tpu.memory_space<vmem_shared>> -> memref<128x128xf32, #tpu.memory_space<vmem_shared>>
      %dma_wait3A_138 = arith.constant 0 : i32
      %dma_wait3A_139 = tpu.memref_slice %arg9[%add3A_18, %dma_wait3A_138] : memref<10240x128xf32, #tpu.memory_space<vmem_shared>> -> memref<128x128xf32, #tpu.memory_space<vmem_shared>>
      %dma_wait3A_140 = arith.constant 0 : i32
      %dma_wait3A_141 = arith.constant 0 : i32
      %dma_wait3A_142 = tpu.memref_slice %arg8[%dma_wait3A_140, %dma_wait3A_141] : memref<128x128xf32, #tpu.memory_space<vmem>> -> memref<128x128xf32, #tpu.memory_space<vmem>>
      tpu.wait_dma2 semaphore(%run_scoped3A : memref<!tpu.dma_semaphore, #tpu.memory_space<semaphore_mem>>) src(%dma_wait3A_142 : memref<128x128xf32, #tpu.memory_space<vmem>>) dst(%dma_wait3A_139 : memref<128x128xf32, #tpu.memory_space<vmem_shared>>)
      tpu.yield
    }) : () -> ()
    %mul3A_19 = arith.constant 640 : i32
    %mul3A_20 = arith.muli %arg1, %mul3A_19 : i32
    %add3A_21 = arith.constant 384 : i32
    %add3A_22 = arith.addi %mul3A_20, %add3A_21 : i32
    "tpu.region"() ({
      %run_scoped3A = tpu.sem_alloc : memref<!tpu.dma_semaphore, #tpu.memory_space<semaphore_mem>>
      %dma_start3A_123 = arith.constant 0 : i32
      %dma_start3A_124 = arith.constant 0 : i32
      %dma_start3A_125 = tpu.memref_slice %arg8[%dma_start3A_123, %dma_start3A_124] : memref<128x128xf32, #tpu.memory_space<vmem>> -> memref<128x128xf32, #tpu.memory_space<vmem>>
      %dma_start3A_126 = arith.constant 0 : i32
      %dma_start3A_127 = tpu.memref_slice %arg9[%add3A_22, %dma_start3A_126] : memref<10240x128xf32, #tpu.memory_space<vmem_shared>> -> memref<128x128xf32, #tpu.memory_space<vmem_shared>>
      %dma_start3A_128 = arith.constant 0 : i32
      %dma_start3A_129 = tpu.memref_slice %arg9[%add3A_22, %dma_start3A_128] : memref<10240x128xf32, #tpu.memory_space<vmem_shared>> -> memref<128x128xf32, #tpu.memory_space<vmem_shared>>
      %dma_start3A_130 = arith.constant 0 : i32
      %dma_start3A_131 = arith.constant 0 : i32
      %dma_start3A_132 = tpu.memref_slice %arg8[%dma_start3A_130, %dma_start3A_131] : memref<128x128xf32, #tpu.memory_space<vmem>> -> memref<128x128xf32, #tpu.memory_space<vmem>>
      tpu.enqueue_dma source(%dma_start3A_132 : memref<128x128xf32, #tpu.memory_space<vmem>>) target(%dma_start3A_129 : memref<128x128xf32, #tpu.memory_space<vmem_shared>>) target_semaphore(%run_scoped3A : memref<!tpu.dma_semaphore, #tpu.memory_space<semaphore_mem>>)
      %dma_wait3A_133 = arith.constant 0 : i32
      %dma_wait3A_134 = arith.constant 0 : i32
      %dma_wait3A_135 = tpu.memref_slice %arg8[%dma_wait3A_133, %dma_wait3A_134] : memref<128x128xf32, #tpu.memory_space<vmem>> -> memref<128x128xf32, #tpu.memory_space<vmem>>
      %dma_wait3A_136 = arith.constant 0 : i32
      %dma_wait3A_137 = tpu.memref_slice %arg9[%add3A_22, %dma_wait3A_136] : memref<10240x128xf32, #tpu.memory_space<vmem_shared>> -> memref<128x128xf32, #tpu.memory_space<vmem_shared>>
      %dma_wait3A_138 = arith.constant 0 : i32
      %dma_wait3A_139 = tpu.memref_slice %arg9[%add3A_22, %dma_wait3A_138] : memref<10240x128xf32, #tpu.memory_space<vmem_shared>> -> memref<128x128xf32, #tpu.memory_space<vmem_shared>>
      %dma_wait3A_140 = arith.constant 0 : i32
      %dma_wait3A_141 = arith.constant 0 : i32
      %dma_wait3A_142 = tpu.memref_slice %arg8[%dma_wait3A_140, %dma_wait3A_141] : memref<128x128xf32, #tpu.memory_space<vmem>> -> memref<128x128xf32, #tpu.memory_space<vmem>>
      tpu.wait_dma2 semaphore(%run_scoped3A : memref<!tpu.dma_semaphore, #tpu.memory_space<semaphore_mem>>) src(%dma_wait3A_142 : memref<128x128xf32, #tpu.memory_space<vmem>>) dst(%dma_wait3A_139 : memref<128x128xf32, #tpu.memory_space<vmem_shared>>)
      tpu.yield
    }) : () -> ()
    %mul3A_23 = arith.constant 640 : i32
    %mul3A_24 = arith.muli %arg1, %mul3A_23 : i32
    %add3A_25 = arith.constant 512 : i32
    %add3A_26 = arith.addi %mul3A_24, %add3A_25 : i32
    "tpu.region"() ({
      %run_scoped3A = tpu.sem_alloc : memref<!tpu.dma_semaphore, #tpu.memory_space<semaphore_mem>>
      %dma_start3A_123 = arith.constant 0 : i32
      %dma_start3A_124 = arith.constant 0 : i32
      %dma_start3A_125 = tpu.memref_slice %arg8[%dma_start3A_123, %dma_start3A_124] : memref<128x128xf32, #tpu.memory_space<vmem>> -> memref<128x128xf32, #tpu.memory_space<vmem>>
      %dma_start3A_126 = arith.constant 0 : i32
      %dma_start3A_127 = tpu.memref_slice %arg9[%add3A_26, %dma_start3A_126] : memref<10240x128xf32, #tpu.memory_space<vmem_shared>> -> memref<128x128xf32, #tpu.memory_space<vmem_shared>>
      %dma_start3A_128 = arith.constant 0 : i32
      %dma_start3A_129 = tpu.memref_slice %arg9[%add3A_26, %dma_start3A_128] : memref<10240x128xf32, #tpu.memory_space<vmem_shared>> -> memref<128x128xf32, #tpu.memory_space<vmem_shared>>
      %dma_start3A_130 = arith.constant 0 : i32
      %dma_start3A_131 = arith.constant 0 : i32
      %dma_start3A_132 = tpu.memref_slice %arg8[%dma_start3A_130, %dma_start3A_131] : memref<128x128xf32, #tpu.memory_space<vmem>> -> memref<128x128xf32, #tpu.memory_space<vmem>>
      tpu.enqueue_dma source(%dma_start3A_132 : memref<128x128xf32, #tpu.memory_space<vmem>>) target(%dma_start3A_129 : memref<128x128xf32, #tpu.memory_space<vmem_shared>>) target_semaphore(%run_scoped3A : memref<!tpu.dma_semaphore, #tpu.memory_space<semaphore_mem>>)
      %dma_wait3A_133 = arith.constant 0 : i32
      %dma_wait3A_134 = arith.constant 0 : i32
      %dma_wait3A_135 = tpu.memref_slice %arg8[%dma_wait3A_133, %dma_wait3A_134] : memref<128x128xf32, #tpu.memory_space<vmem>> -> memref<128x128xf32, #tpu.memory_space<vmem>>
      %dma_wait3A_136 = arith.constant 0 : i32
      %dma_wait3A_137 = tpu.memref_slice %arg9[%add3A_26, %dma_wait3A_136] : memref<10240x128xf32, #tpu.memory_space<vmem_shared>> -> memref<128x128xf32, #tpu.memory_space<vmem_shared>>
      %dma_wait3A_138 = arith.constant 0 : i32
      %dma_wait3A_139 = tpu.memref_slice %arg9[%add3A_26, %dma_wait3A_138] : memref<10240x128xf32, #tpu.memory_space<vmem_shared>> -> memref<128x128xf32, #tpu.memory_space<vmem_shared>>
      %dma_wait3A_140 = arith.constant 0 : i32
      %dma_wait3A_141 = arith.constant 0 : i32
      %dma_wait3A_142 = tpu.memref_slice %arg8[%dma_wait3A_140, %dma_wait3A_141] : memref<128x128xf32, #tpu.memory_space<vmem>> -> memref<128x128xf32, #tpu.memory_space<vmem>>
      tpu.wait_dma2 semaphore(%run_scoped3A : memref<!tpu.dma_semaphore, #tpu.memory_space<semaphore_mem>>) src(%dma_wait3A_142 : memref<128x128xf32, #tpu.memory_space<vmem>>) dst(%dma_wait3A_139 : memref<128x128xf32, #tpu.memory_space<vmem_shared>>)
      tpu.yield
    }) : () -> ()
    "tpu.region"() ({
      %run_scoped3A = tpu.sem_alloc : memref<!tpu.dma_semaphore, #tpu.memory_space<semaphore_mem>>
      %dma_start3A_123 = arith.constant 0 : i32
      %dma_start3A_124 = arith.constant 0 : i32
      %dma_start3A_125 = tpu.memref_slice %arg3[%add3A, %dma_start3A_123, %dma_start3A_124] : memref<32x80x128xi32, #tpu.memory_space<hbm>> -> memref<1x80x128xi32, #tpu.memory_space<hbm>>
      %dma_start3A_126 = tpu.memref_squeeze %dma_start3A_125 : memref<1x80x128xi32, #tpu.memory_space<hbm>> -> memref<80x128xi32, #tpu.memory_space<hbm>>
      %dma_start3A_127 = arith.constant 0 : i32
      %dma_start3A_128 = arith.constant 0 : i32
      %dma_start3A_129 = tpu.memref_slice %arg3[%add3A, %dma_start3A_127, %dma_start3A_128] : memref<32x80x128xi32, #tpu.memory_space<hbm>> -> memref<1x80x128xi32, #tpu.memory_space<hbm>>
      %dma_start3A_130 = tpu.memref_squeeze %dma_start3A_129 : memref<1x80x128xi32, #tpu.memory_space<hbm>> -> memref<80x128xi32, #tpu.memory_space<hbm>>
      tpu.enqueue_dma source(%dma_start3A_130 : memref<80x128xi32, #tpu.memory_space<hbm>>) target(%arg6 : memref<80x128xi32, #tpu.memory_space<vmem>>) target_semaphore(%run_scoped3A : memref<!tpu.dma_semaphore, #tpu.memory_space<semaphore_mem>>)
      %dma_wait3A_131 = arith.constant 0 : i32
      %dma_wait3A_132 = arith.constant 0 : i32
      %dma_wait3A_133 = tpu.memref_slice %arg3[%add3A, %dma_wait3A_131, %dma_wait3A_132] : memref<32x80x128xi32, #tpu.memory_space<hbm>> -> memref<1x80x128xi32, #tpu.memory_space<hbm>>
      %dma_wait3A_134 = tpu.memref_squeeze %dma_wait3A_133 : memref<1x80x128xi32, #tpu.memory_space<hbm>> -> memref<80x128xi32, #tpu.memory_space<hbm>>
      %dma_wait3A_135 = arith.constant 0 : i32
      %dma_wait3A_136 = arith.constant 0 : i32
      %dma_wait3A_137 = tpu.memref_slice %arg3[%add3A, %dma_wait3A_135, %dma_wait3A_136] : memref<32x80x128xi32, #tpu.memory_space<hbm>> -> memref<1x80x128xi32, #tpu.memory_space<hbm>>
      %dma_wait3A_138 = tpu.memref_squeeze %dma_wait3A_137 : memref<1x80x128xi32, #tpu.memory_space<hbm>> -> memref<80x128xi32, #tpu.memory_space<hbm>>
      tpu.wait_dma2 semaphore(%run_scoped3A : memref<!tpu.dma_semaphore, #tpu.memory_space<semaphore_mem>>) src(%dma_wait3A_138 : memref<80x128xi32, #tpu.memory_space<hbm>>) dst(%arg6 : memref<80x128xi32, #tpu.memory_space<vmem>>)
      tpu.yield
    }) : () -> ()
    "tpu.region"() ({
      %run_scoped3A = tpu.sem_alloc : memref<!tpu.dma_semaphore, #tpu.memory_space<semaphore_mem>>
      %dma_start3A_123 = arith.constant 0 : i32
      %dma_start3A_124 = arith.constant 0 : i32
      %dma_start3A_125 = tpu.memref_slice %arg4[%add3A, %dma_start3A_123, %dma_start3A_124] : memref<32x80x128xi32, #tpu.memory_space<hbm>> -> memref<1x80x128xi32, #tpu.memory_space<hbm>>
      %dma_start3A_126 = tpu.memref_squeeze %dma_start3A_125 : memref<1x80x128xi32, #tpu.memory_space<hbm>> -> memref<80x128xi32, #tpu.memory_space<hbm>>
      %dma_start3A_127 = arith.constant 0 : i32
      %dma_start3A_128 = arith.constant 0 : i32
      %dma_start3A_129 = tpu.memref_slice %arg4[%add3A, %dma_start3A_127, %dma_start3A_128] : memref<32x80x128xi32, #tpu.memory_space<hbm>> -> memref<1x80x128xi32, #tpu.memory_space<hbm>>
      %dma_start3A_130 = tpu.memref_squeeze %dma_start3A_129 : memref<1x80x128xi32, #tpu.memory_space<hbm>> -> memref<80x128xi32, #tpu.memory_space<hbm>>
      tpu.enqueue_dma source(%dma_start3A_130 : memref<80x128xi32, #tpu.memory_space<hbm>>) target(%arg7 : memref<80x128xi32, #tpu.memory_space<vmem>>) target_semaphore(%run_scoped3A : memref<!tpu.dma_semaphore, #tpu.memory_space<semaphore_mem>>)
      %dma_wait3A_131 = arith.constant 0 : i32
      %dma_wait3A_132 = arith.constant 0 : i32
      %dma_wait3A_133 = tpu.memref_slice %arg4[%add3A, %dma_wait3A_131, %dma_wait3A_132] : memref<32x80x128xi32, #tpu.memory_space<hbm>> -> memref<1x80x128xi32, #tpu.memory_space<hbm>>
      %dma_wait3A_134 = tpu.memref_squeeze %dma_wait3A_133 : memref<1x80x128xi32, #tpu.memory_space<hbm>> -> memref<80x128xi32, #tpu.memory_space<hbm>>
      %dma_wait3A_135 = arith.constant 0 : i32
      %dma_wait3A_136 = arith.constant 0 : i32
      %dma_wait3A_137 = tpu.memref_slice %arg4[%add3A, %dma_wait3A_135, %dma_wait3A_136] : memref<32x80x128xi32, #tpu.memory_space<hbm>> -> memref<1x80x128xi32, #tpu.memory_space<hbm>>
      %dma_wait3A_138 = tpu.memref_squeeze %dma_wait3A_137 : memref<1x80x128xi32, #tpu.memory_space<hbm>> -> memref<80x128xi32, #tpu.memory_space<hbm>>
      tpu.wait_dma2 semaphore(%run_scoped3A : memref<!tpu.dma_semaphore, #tpu.memory_space<semaphore_mem>>) src(%dma_wait3A_138 : memref<80x128xi32, #tpu.memory_space<hbm>>) dst(%arg7 : memref<80x128xi32, #tpu.memory_space<vmem>>)
      tpu.yield
    }) : () -> ()
    %barrier3A = arith.constant 0 : index
    tpu.barrier barrier_id(%barrier3A)
    %scan3A_27 = arith.constant 0 : i32
    %scan3A_28 = arith.constant 0 : i32
    %scan3A_29 = arith.constant 80 : i32
    %scan3A_30 = arith.addi %scan3A_28, %scan3A_29 : i32
    %scan3A_31 = arith.constant 1 : i32
    %scan3A_32 = scf.for %scan3A_123 = %scan3A_28 to %scan3A_30 step %scan3A_31 iter_args(%scan3A_124 = %scan3A_27) -> (i32)  : i32 {
      %dma_start3A_125 = arith.constant 0 : i32
      %dma_start3A_126 = arith.constant 0 : i32
      %dma_start3A_127 = tpu.memref_slice %arg8[%dma_start3A_125, %dma_start3A_126] : memref<128x128xf32, #tpu.memory_space<vmem>> -> memref<128x128xf32, #tpu.memory_space<vmem>>
      %dma_start3A_128 = arith.constant 0 : i32
      %dma_start3A_129 = tpu.memref_slice %arg6[%scan3A_123, %dma_start3A_128] : memref<80x128xi32, #tpu.memory_space<vmem>> -> memref<1x128xi32, #tpu.memory_space<vmem>>
      %dma_start3A_130 = tpu.memref_squeeze %dma_start3A_129 : memref<1x128xi32, #tpu.memory_space<vmem>> -> memref<128xi32, #tpu.memory_space<vmem>>
      %dma_start3A_131 = arith.constant 0 : i32
      %dma_start3A_132 = arith.constant 0 : i32
      %dma_start3A_133 = tpu.memref_slice %arg2[%dma_start3A_131, %dma_start3A_132] : memref<10000x128xf32, #tpu.memory_space<hbm>> -> memref<10000x128xf32, #tpu.memory_space<hbm>>
      tpu.enqueue_indirect_dma source(%dma_start3A_133 : memref<10000x128xf32, #tpu.memory_space<hbm>>) target(%dma_start3A_127 : memref<128x128xf32, #tpu.memory_space<vmem>>) offsets(%dma_start3A_130 : memref<128xi32, #tpu.memory_space<vmem>>) semaphore(%arg10 : memref<!tpu.dma_semaphore, #tpu.memory_space<semaphore_mem>>)
      %dma_wait3A_134 = arith.constant 0 : i32
      %dma_wait3A_135 = arith.constant 0 : i32
      %dma_wait3A_136 = tpu.memref_slice %arg8[%dma_wait3A_134, %dma_wait3A_135] : memref<128x128xf32, #tpu.memory_space<vmem>> -> memref<128x128xf32, #tpu.memory_space<vmem>>
      %dma_wait3A_137 = arith.constant 0 : i32
      %dma_wait3A_138 = tpu.memref_slice %arg6[%scan3A_123, %dma_wait3A_137] : memref<80x128xi32, #tpu.memory_space<vmem>> -> memref<1x128xi32, #tpu.memory_space<vmem>>
      %dma_wait3A_139 = tpu.memref_squeeze %dma_wait3A_138 : memref<1x128xi32, #tpu.memory_space<vmem>> -> memref<128xi32, #tpu.memory_space<vmem>>
      %dma_wait3A_140 = arith.constant 0 : i32
      %dma_wait3A_141 = arith.constant 0 : i32
      %dma_wait3A_142 = tpu.memref_slice %arg2[%dma_wait3A_140, %dma_wait3A_141] : memref<10000x128xf32, #tpu.memory_space<hbm>> -> memref<10000x128xf32, #tpu.memory_space<hbm>>
      tpu.wait_indirect_dma semaphore(%arg10 : memref<!tpu.dma_semaphore, #tpu.memory_space<semaphore_mem>>) src(%dma_wait3A_142 : memref<10000x128xf32, #tpu.memory_space<hbm>>) dst(%dma_wait3A_136 : memref<128x128xf32, #tpu.memory_space<vmem>>)
      "tpu.region"() ({
        %run_scoped3A = tpu.sem_alloc : memref<!tpu.dma_semaphore, #tpu.memory_space<semaphore_mem>>
        %dma_start3A_144 = arith.constant 0 : i32
        %dma_start3A_145 = arith.constant 0 : i32
        %dma_start3A_146 = tpu.memref_slice %arg8[%dma_start3A_144, %dma_start3A_145] : memref<128x128xf32, #tpu.memory_space<vmem>> -> memref<128x128xf32, #tpu.memory_space<vmem>>
        %dma_start3A_147 = arith.constant 0 : i32
        %dma_start3A_148 = tpu.memref_slice %arg7[%scan3A_123, %dma_start3A_147] : memref<80x128xi32, #tpu.memory_space<vmem>> -> memref<1x128xi32, #tpu.memory_space<vmem>>
        %dma_start3A_149 = tpu.memref_squeeze %dma_start3A_148 : memref<1x128xi32, #tpu.memory_space<vmem>> -> memref<128xi32, #tpu.memory_space<vmem>>
        %dma_start3A_150 = arith.constant 0 : i32
        %dma_start3A_151 = arith.constant 0 : i32
        %dma_start3A_152 = tpu.memref_slice %arg9[%dma_start3A_150, %dma_start3A_151] : memref<10240x128xf32, #tpu.memory_space<vmem_shared>> -> memref<10240x128xf32, #tpu.memory_space<vmem_shared>>
        tpu.enqueue_indirect_dma source(%dma_start3A_146 : memref<128x128xf32, #tpu.memory_space<vmem>>) target(%dma_start3A_152 : memref<10240x128xf32, #tpu.memory_space<vmem_shared>>) offsets(%dma_start3A_149 : memref<128xi32, #tpu.memory_space<vmem>>) semaphore(%run_scoped3A : memref<!tpu.dma_semaphore, #tpu.memory_space<semaphore_mem>>) {add = true}
        %dma_wait3A_153 = arith.constant 0 : i32
        %dma_wait3A_154 = arith.constant 0 : i32
        %dma_wait3A_155 = tpu.memref_slice %arg8[%dma_wait3A_153, %dma_wait3A_154] : memref<128x128xf32, #tpu.memory_space<vmem>> -> memref<128x128xf32, #tpu.memory_space<vmem>>
        %dma_wait3A_156 = arith.constant 0 : i32
        %dma_wait3A_157 = tpu.memref_slice %arg7[%scan3A_123, %dma_wait3A_156] : memref<80x128xi32, #tpu.memory_space<vmem>> -> memref<1x128xi32, #tpu.memory_space<vmem>>
        %dma_wait3A_158 = tpu.memref_squeeze %dma_wait3A_157 : memref<1x128xi32, #tpu.memory_space<vmem>> -> memref<128xi32, #tpu.memory_space<vmem>>
        %dma_wait3A_159 = arith.constant 0 : i32
        %dma_wait3A_160 = arith.constant 0 : i32
        %dma_wait3A_161 = tpu.memref_slice %arg9[%dma_wait3A_159, %dma_wait3A_160] : memref<10240x128xf32, #tpu.memory_space<vmem_shared>> -> memref<10240x128xf32, #tpu.memory_space<vmem_shared>>
        tpu.wait_indirect_dma semaphore(%run_scoped3A : memref<!tpu.dma_semaphore, #tpu.memory_space<semaphore_mem>>) src(%dma_wait3A_155 : memref<128x128xf32, #tpu.memory_space<vmem>>) dst(%dma_wait3A_161 : memref<10240x128xf32, #tpu.memory_space<vmem_shared>>)
        tpu.yield
      }) : () -> ()
      %scan3A_143 = arith.constant 0 : i32
      scf.yield %scan3A_143 : i32
    }
    %scan3A_33 = arith.constant 80 : i32
    %barrier3A_34 = arith.constant 0 : index
    tpu.barrier barrier_id(%barrier3A_34)
    %mul3A_35 = arith.constant 640 : i32
    %mul3A_36 = arith.muli %arg1, %mul3A_35 : i32
    %add3A_37 = arith.constant 0 : i32
    %add3A_38 = arith.addi %mul3A_36, %add3A_37 : i32
    %dma_start3A = arith.constant 0 : i32
    %dma_start3A_39 = tpu.memref_slice %arg5[%arg0, %add3A_38, %dma_start3A] : memref<2x10240x128xf32, #tpu.memory_space<hbm>> -> memref<1x128x128xf32, #tpu.memory_space<hbm>>
    %dma_start3A_40 = tpu.memref_squeeze %dma_start3A_39 : memref<1x128x128xf32, #tpu.memory_space<hbm>> -> memref<128x128xf32, #tpu.memory_space<hbm>>
    %dma_start3A_41 = arith.constant 0 : i32
    %dma_start3A_42 = tpu.memref_slice %arg9[%add3A_38, %dma_start3A_41] : memref<10240x128xf32, #tpu.memory_space<vmem_shared>> -> memref<128x128xf32, #tpu.memory_space<vmem_shared>>
    tpu.enqueue_dma source(%dma_start3A_42 : memref<128x128xf32, #tpu.memory_space<vmem_shared>>) target(%dma_start3A_40 : memref<128x128xf32, #tpu.memory_space<hbm>>) target_semaphore(%arg10 : memref<!tpu.dma_semaphore, #tpu.memory_space<semaphore_mem>>)
    %mul3A_43 = arith.constant 640 : i32
    %mul3A_44 = arith.muli %arg1, %mul3A_43 : i32
    %add3A_45 = arith.constant 128 : i32
    %add3A_46 = arith.addi %mul3A_44, %add3A_45 : i32
    %dma_start3A_47 = arith.constant 0 : i32
    %dma_start3A_48 = tpu.memref_slice %arg5[%arg0, %add3A_46, %dma_start3A_47] : memref<2x10240x128xf32, #tpu.memory_space<hbm>> -> memref<1x128x128xf32, #tpu.memory_space<hbm>>
    %dma_start3A_49 = tpu.memref_squeeze %dma_start3A_48 : memref<1x128x128xf32, #tpu.memory_space<hbm>> -> memref<128x128xf32, #tpu.memory_space<hbm>>
    %dma_start3A_50 = arith.constant 0 : i32
    %dma_start3A_51 = tpu.memref_slice %arg9[%add3A_46, %dma_start3A_50] : memref<10240x128xf32, #tpu.memory_space<vmem_shared>> -> memref<128x128xf32, #tpu.memory_space<vmem_shared>>
    tpu.enqueue_dma source(%dma_start3A_51 : memref<128x128xf32, #tpu.memory_space<vmem_shared>>) target(%dma_start3A_49 : memref<128x128xf32, #tpu.memory_space<hbm>>) target_semaphore(%arg10 : memref<!tpu.dma_semaphore, #tpu.memory_space<semaphore_mem>>)
    %mul3A_52 = arith.constant 640 : i32
    %mul3A_53 = arith.muli %arg1, %mul3A_52 : i32
    %add3A_54 = arith.constant 256 : i32
    %add3A_55 = arith.addi %mul3A_53, %add3A_54 : i32
    %dma_start3A_56 = arith.constant 0 : i32
    %dma_start3A_57 = tpu.memref_slice %arg5[%arg0, %add3A_55, %dma_start3A_56] : memref<2x10240x128xf32, #tpu.memory_space<hbm>> -> memref<1x128x128xf32, #tpu.memory_space<hbm>>
    %dma_start3A_58 = tpu.memref_squeeze %dma_start3A_57 : memref<1x128x128xf32, #tpu.memory_space<hbm>> -> memref<128x128xf32, #tpu.memory_space<hbm>>
    %dma_start3A_59 = arith.constant 0 : i32
    %dma_start3A_60 = tpu.memref_slice %arg9[%add3A_55, %dma_start3A_59] : memref<10240x128xf32, #tpu.memory_space<vmem_shared>> -> memref<128x128xf32, #tpu.memory_space<vmem_shared>>
    tpu.enqueue_dma source(%dma_start3A_60 : memref<128x128xf32, #tpu.memory_space<vmem_shared>>) target(%dma_start3A_58 : memref<128x128xf32, #tpu.memory_space<hbm>>) target_semaphore(%arg10 : memref<!tpu.dma_semaphore, #tpu.memory_space<semaphore_mem>>)
    %mul3A_61 = arith.constant 640 : i32
    %mul3A_62 = arith.muli %arg1, %mul3A_61 : i32
    %add3A_63 = arith.constant 384 : i32
    %add3A_64 = arith.addi %mul3A_62, %add3A_63 : i32
    %dma_start3A_65 = arith.constant 0 : i32
    %dma_start3A_66 = tpu.memref_slice %arg5[%arg0, %add3A_64, %dma_start3A_65] : memref<2x10240x128xf32, #tpu.memory_space<hbm>> -> memref<1x128x128xf32, #tpu.memory_space<hbm>>
    %dma_start3A_67 = tpu.memref_squeeze %dma_start3A_66 : memref<1x128x128xf32, #tpu.memory_space<hbm>> -> memref<128x128xf32, #tpu.memory_space<hbm>>
    %dma_start3A_68 = arith.constant 0 : i32
    %dma_start3A_69 = tpu.memref_slice %arg9[%add3A_64, %dma_start3A_68] : memref<10240x128xf32, #tpu.memory_space<vmem_shared>> -> memref<128x128xf32, #tpu.memory_space<vmem_shared>>
    tpu.enqueue_dma source(%dma_start3A_69 : memref<128x128xf32, #tpu.memory_space<vmem_shared>>) target(%dma_start3A_67 : memref<128x128xf32, #tpu.memory_space<hbm>>) target_semaphore(%arg10 : memref<!tpu.dma_semaphore, #tpu.memory_space<semaphore_mem>>)
    %mul3A_70 = arith.constant 640 : i32
    %mul3A_71 = arith.muli %arg1, %mul3A_70 : i32
    %add3A_72 = arith.constant 512 : i32
    %add3A_73 = arith.addi %mul3A_71, %add3A_72 : i32
    %dma_start3A_74 = arith.constant 0 : i32
    %dma_start3A_75 = tpu.memref_slice %arg5[%arg0, %add3A_73, %dma_start3A_74] : memref<2x10240x128xf32, #tpu.memory_space<hbm>> -> memref<1x128x128xf32, #tpu.memory_space<hbm>>
    %dma_start3A_76 = tpu.memref_squeeze %dma_start3A_75 : memref<1x128x128xf32, #tpu.memory_space<hbm>> -> memref<128x128xf32, #tpu.memory_space<hbm>>
    %dma_start3A_77 = arith.constant 0 : i32
    %dma_start3A_78 = tpu.memref_slice %arg9[%add3A_73, %dma_start3A_77] : memref<10240x128xf32, #tpu.memory_space<vmem_shared>> -> memref<128x128xf32, #tpu.memory_space<vmem_shared>>
    tpu.enqueue_dma source(%dma_start3A_78 : memref<128x128xf32, #tpu.memory_space<vmem_shared>>) target(%dma_start3A_76 : memref<128x128xf32, #tpu.memory_space<hbm>>) target_semaphore(%arg10 : memref<!tpu.dma_semaphore, #tpu.memory_space<semaphore_mem>>)
    %mul3A_79 = arith.constant 640 : i32
    %mul3A_80 = arith.muli %arg1, %mul3A_79 : i32
    %add3A_81 = arith.constant 0 : i32
    %add3A_82 = arith.addi %mul3A_80, %add3A_81 : i32
    %dma_wait3A = arith.constant 0 : i32
    %dma_wait3A_83 = tpu.memref_slice %arg5[%arg0, %add3A_82, %dma_wait3A] : memref<2x10240x128xf32, #tpu.memory_space<hbm>> -> memref<1x128x128xf32, #tpu.memory_space<hbm>>
    %dma_wait3A_84 = tpu.memref_squeeze %dma_wait3A_83 : memref<1x128x128xf32, #tpu.memory_space<hbm>> -> memref<128x128xf32, #tpu.memory_space<hbm>>
    %dma_wait3A_85 = arith.constant 0 : i32
    %dma_wait3A_86 = tpu.memref_slice %arg9[%add3A_82, %dma_wait3A_85] : memref<10240x128xf32, #tpu.memory_space<vmem_shared>> -> memref<128x128xf32, #tpu.memory_space<vmem_shared>>
    tpu.wait_dma2 semaphore(%arg10 : memref<!tpu.dma_semaphore, #tpu.memory_space<semaphore_mem>>) src(%dma_wait3A_86 : memref<128x128xf32, #tpu.memory_space<vmem_shared>>) dst(%dma_wait3A_84 : memref<128x128xf32, #tpu.memory_space<hbm>>)
    %mul3A_87 = arith.constant 640 : i32
    %mul3A_88 = arith.muli %arg1, %mul3A_87 : i32
    %add3A_89 = arith.constant 128 : i32
    %add3A_90 = arith.addi %mul3A_88, %add3A_89 : i32
    %dma_wait3A_91 = arith.constant 0 : i32
    %dma_wait3A_92 = tpu.memref_slice %arg5[%arg0, %add3A_90, %dma_wait3A_91] : memref<2x10240x128xf32, #tpu.memory_space<hbm>> -> memref<1x128x128xf32, #tpu.memory_space<hbm>>
    %dma_wait3A_93 = tpu.memref_squeeze %dma_wait3A_92 : memref<1x128x128xf32, #tpu.memory_space<hbm>> -> memref<128x128xf32, #tpu.memory_space<hbm>>
    %dma_wait3A_94 = arith.constant 0 : i32
    %dma_wait3A_95 = tpu.memref_slice %arg9[%add3A_90, %dma_wait3A_94] : memref<10240x128xf32, #tpu.memory_space<vmem_shared>> -> memref<128x128xf32, #tpu.memory_space<vmem_shared>>
    tpu.wait_dma2 semaphore(%arg10 : memref<!tpu.dma_semaphore, #tpu.memory_space<semaphore_mem>>) src(%dma_wait3A_95 : memref<128x128xf32, #tpu.memory_space<vmem_shared>>) dst(%dma_wait3A_93 : memref<128x128xf32, #tpu.memory_space<hbm>>)
    %mul3A_96 = arith.constant 640 : i32
    %mul3A_97 = arith.muli %arg1, %mul3A_96 : i32
    %add3A_98 = arith.constant 256 : i32
    %add3A_99 = arith.addi %mul3A_97, %add3A_98 : i32
    %dma_wait3A_100 = arith.constant 0 : i32
    %dma_wait3A_101 = tpu.memref_slice %arg5[%arg0, %add3A_99, %dma_wait3A_100] : memref<2x10240x128xf32, #tpu.memory_space<hbm>> -> memref<1x128x128xf32, #tpu.memory_space<hbm>>
    %dma_wait3A_102 = tpu.memref_squeeze %dma_wait3A_101 : memref<1x128x128xf32, #tpu.memory_space<hbm>> -> memref<128x128xf32, #tpu.memory_space<hbm>>
    %dma_wait3A_103 = arith.constant 0 : i32
    %dma_wait3A_104 = tpu.memref_slice %arg9[%add3A_99, %dma_wait3A_103] : memref<10240x128xf32, #tpu.memory_space<vmem_shared>> -> memref<128x128xf32, #tpu.memory_space<vmem_shared>>
    tpu.wait_dma2 semaphore(%arg10 : memref<!tpu.dma_semaphore, #tpu.memory_space<semaphore_mem>>) src(%dma_wait3A_104 : memref<128x128xf32, #tpu.memory_space<vmem_shared>>) dst(%dma_wait3A_102 : memref<128x128xf32, #tpu.memory_space<hbm>>)
    %mul3A_105 = arith.constant 640 : i32
    %mul3A_106 = arith.muli %arg1, %mul3A_105 : i32
    %add3A_107 = arith.constant 384 : i32
    %add3A_108 = arith.addi %mul3A_106, %add3A_107 : i32
    %dma_wait3A_109 = arith.constant 0 : i32
    %dma_wait3A_110 = tpu.memref_slice %arg5[%arg0, %add3A_108, %dma_wait3A_109] : memref<2x10240x128xf32, #tpu.memory_space<hbm>> -> memref<1x128x128xf32, #tpu.memory_space<hbm>>
    %dma_wait3A_111 = tpu.memref_squeeze %dma_wait3A_110 : memref<1x128x128xf32, #tpu.memory_space<hbm>> -> memref<128x128xf32, #tpu.memory_space<hbm>>
    %dma_wait3A_112 = arith.constant 0 : i32
    %dma_wait3A_113 = tpu.memref_slice %arg9[%add3A_108, %dma_wait3A_112] : memref<10240x128xf32, #tpu.memory_space<vmem_shared>> -> memref<128x128xf32, #tpu.memory_space<vmem_shared>>
    tpu.wait_dma2 semaphore(%arg10 : memref<!tpu.dma_semaphore, #tpu.memory_space<semaphore_mem>>) src(%dma_wait3A_113 : memref<128x128xf32, #tpu.memory_space<vmem_shared>>) dst(%dma_wait3A_111 : memref<128x128xf32, #tpu.memory_space<hbm>>)
    %mul3A_114 = arith.constant 640 : i32
    %mul3A_115 = arith.muli %arg1, %mul3A_114 : i32
    %add3A_116 = arith.constant 512 : i32
    %add3A_117 = arith.addi %mul3A_115, %add3A_116 : i32
    %dma_wait3A_118 = arith.constant 0 : i32
    %dma_wait3A_119 = tpu.memref_slice %arg5[%arg0, %add3A_117, %dma_wait3A_118] : memref<2x10240x128xf32, #tpu.memory_space<hbm>> -> memref<1x128x128xf32, #tpu.memory_space<hbm>>
    %dma_wait3A_120 = tpu.memref_squeeze %dma_wait3A_119 : memref<1x128x128xf32, #tpu.memory_space<hbm>> -> memref<128x128xf32, #tpu.memory_space<hbm>>
    %dma_wait3A_121 = arith.constant 0 : i32
    %dma_wait3A_122 = tpu.memref_slice %arg9[%add3A_117, %dma_wait3A_121] : memref<10240x128xf32, #tpu.memory_space<vmem_shared>> -> memref<128x128xf32, #tpu.memory_space<vmem_shared>>
    tpu.wait_dma2 semaphore(%arg10 : memref<!tpu.dma_semaphore, #tpu.memory_space<semaphore_mem>>) src(%dma_wait3A_122 : memref<128x128xf32, #tpu.memory_space<vmem_shared>>) dst(%dma_wait3A_120 : memref<128x128xf32, #tpu.memory_space<hbm>>)
    return
  }
}

module attributes {stable_mosaic.version = 14 : i64} {
  func.func @_tc_lin_body(%arg0: i32, %arg1: memref<1000x128xf32, #tpu.memory_space<vmem>>, %arg2: memref<128x128xf32, #tpu.memory_space<vmem>>, %arg3: memref<1000x128xf32, #tpu.memory_space<vmem>>, %arg4: memref<1000x128xf32, #tpu.memory_space<vmem>>, %arg5: memref<1000x128xf32, #tpu.memory_space<vmem>>, %arg6: memref<1000x128xf32, #tpu.memory_space<vmem>>) attributes {dimension_semantics = [#tpu.dimension_semantics<arbitrary>], iteration_bounds = array<i64: 10>, scalar_prefetch = 0 : i64, scratch_operands = 0 : i64, tpu.core_type = #tpu.core_type<tc>, window_params = [{transform_indices = @transform_0, window_bounds = array<i64: 1000, 128>}, {pipeline_mode = #tpu.pipeline_mode<synchronous>, transform_indices = @transform_1, window_bounds = array<i64: 128, 128>}, {transform_indices = @transform_2, window_bounds = array<i64: 1000, 128>}, {transform_indices = @transform_3, window_bounds = array<i64: 1000, 128>}, {transform_indices = @transform_4, window_bounds = array<i64: 1000, 128>}, {transform_indices = @transform_5, window_bounds = array<i64: 1000, 128>}]} {
    %get3A = arith.constant 0 : index
    %get3A_0 = arith.constant 0 : index
    %get3A_1 = vector.load %arg3[%get3A, %get3A_0] : memref<1000x128xf32, #tpu.memory_space<vmem>>, vector<1000x128xf32>
    %get3A_2 = arith.constant 0 : index
    %get3A_3 = arith.constant 0 : index
    %get3A_4 = vector.load %arg4[%get3A_2, %get3A_3] : memref<1000x128xf32, #tpu.memory_space<vmem>>, vector<1000x128xf32>
    %add3A = arith.addf %get3A_1, %get3A_4 : vector<1000x128xf32>
    %reduce_max3A = arith.constant dense<0xFF800000> : vector<1000xf32>
    %reduce_max3A_5 = vector.multi_reduction <maximumf>, %add3A, %reduce_max3A [1] : vector<1000x128xf32> to vector<1000xf32>
    %broadcast_in_dim3A = vector.shape_cast %reduce_max3A_5 : vector<1000xf32> to vector<1000x1xf32>
    %add3A_6 = arith.constant 1.000000e+00 : f32
    %add3A_7 = vector.broadcast %add3A_6 : f32 to vector<1000x1xf32>
    %add3A_8 = arith.addf %add3A_7, %broadcast_in_dim3A : vector<1000x1xf32>
    %rsqrt3A = math.rsqrt %add3A_8 : vector<1000x1xf32>
    %broadcast_in_dim3A_9 = vector.shape_cast %rsqrt3A : vector<1000x1xf32> to vector<1000x1xf32>
    %broadcast_in_dim3A_10 = vector.broadcast %broadcast_in_dim3A_9 : vector<1000x1xf32> to vector<1000x128xf32>
    %swap3A = arith.constant 0 : index
    %swap3A_11 = arith.constant 0 : index
    %swap3A_12 = vector.load %arg6[%swap3A, %swap3A_11] : memref<1000x128xf32, #tpu.memory_space<vmem>>, vector<1000x128xf32>
    tpu.vector_store %arg6[%swap3A, %swap3A_11], %broadcast_in_dim3A_10 {strides = array<i32>} : memref<1000x128xf32, #tpu.memory_space<vmem>>, vector<1000x128xf32>,
    %get3A_13 = arith.constant 0 : index
    %get3A_14 = arith.constant 0 : index
    %get3A_15 = vector.load %arg1[%get3A_13, %get3A_14] : memref<1000x128xf32, #tpu.memory_space<vmem>>, vector<1000x128xf32>
    %get3A_16 = arith.constant 0 : index
    %get3A_17 = arith.constant 0 : index
    %get3A_18 = vector.load %arg2[%get3A_16, %get3A_17] : memref<128x128xf32, #tpu.memory_space<vmem>>, vector<128x128xf32>
    %dot_general3A = arith.constant dense<0.000000e+00> : vector<1000x128xf32>
    %dot_general3A_19 = tpu.matmul %get3A_15, %get3A_18, %dot_general3A {dimension_numbers = #tpu.dot_dimension_numbers<[1], [0], [0], [1], [0, 0, 1, 1], [], []>, transpose_lhs_hint = false} : vector<1000x128xf32>, vector<128x128xf32>, vector<1000x128xf32> -> vector<1000x128xf32>
    %mul3A = arith.mulf %dot_general3A_19, %broadcast_in_dim3A_10 : vector<1000x128xf32>
    %swap3A_20 = arith.constant 0 : index
    %swap3A_21 = arith.constant 0 : index
    %swap3A_22 = vector.load %arg5[%swap3A_20, %swap3A_21] : memref<1000x128xf32, #tpu.memory_space<vmem>>, vector<1000x128xf32>
    tpu.vector_store %arg5[%swap3A_20, %swap3A_21], %mul3A {strides = array<i32>} : memref<1000x128xf32, #tpu.memory_space<vmem>>, vector<1000x128xf32>,
    return
  }
  func.func @transform_0(%arg0: i32) -> (i32, i32) {
    %c0_i32 = arith.constant 0 : i32
    %c0_i32_0 = arith.constant 0 : i32
    return %arg0, %c0_i32 : i32, i32
  }
  func.func @transform_1(%arg0: i32) -> (i32, i32) {
    %c0_i32 = arith.constant 0 : i32
    %c0_i32_0 = arith.constant 0 : i32
    %c0_i32_1 = arith.constant 0 : i32
    return %c0_i32, %c0_i32_0 : i32, i32
  }
  func.func @transform_2(%arg0: i32) -> (i32, i32) {
    %c0_i32 = arith.constant 0 : i32
    %c0_i32_0 = arith.constant 0 : i32
    return %arg0, %c0_i32 : i32, i32
  }
  func.func @transform_3(%arg0: i32) -> (i32, i32) {
    %c0_i32 = arith.constant 0 : i32
    %c0_i32_0 = arith.constant 0 : i32
    return %arg0, %c0_i32 : i32, i32
  }
  func.func @transform_4(%arg0: i32) -> (i32, i32) {
    %c0_i32 = arith.constant 0 : i32
    %c0_i32_0 = arith.constant 0 : i32
    return %arg0, %c0_i32 : i32, i32
  }
  func.func @transform_5(%arg0: i32) -> (i32, i32) {
    %c0_i32 = arith.constant 0 : i32
    %c0_i32_0 = arith.constant 0 : i32
    return %arg0, %c0_i32 : i32, i32
  }
}

module attributes {stable_mosaic.version = 14 : i64} {
  func.func @_tc_mid_body(%arg0: i32, %arg1: memref<1000x128xf32, #tpu.memory_space<vmem>>, %arg2: memref<1000x128xf32, #tpu.memory_space<vmem>>, %arg3: memref<1000x128xf32, #tpu.memory_space<vmem>>, %arg4: memref<1000x128xf32, #tpu.memory_space<vmem>>, %arg5: memref<1x128xf32, #tpu.memory_space<vmem>>, %arg6: memref<1x128xf32, #tpu.memory_space<vmem>>, %arg7: memref<1x128xf32, #tpu.memory_space<vmem>>, %arg8: memref<128x128xf32, #tpu.memory_space<vmem>>, %arg9: memref<1000x128xf32, #tpu.memory_space<vmem>>) attributes {dimension_semantics = [#tpu.dimension_semantics<arbitrary>], iteration_bounds = array<i64: 10>, scalar_prefetch = 0 : i64, scratch_operands = 0 : i64, tpu.core_type = #tpu.core_type<tc>, window_params = [{transform_indices = @transform_0, window_bounds = array<i64: 1000, 128>}, {transform_indices = @transform_1, window_bounds = array<i64: 1000, 128>}, {transform_indices = @transform_2, window_bounds = array<i64: 1000, 128>}, {transform_indices = @transform_3, window_bounds = array<i64: 1000, 128>}, {pipeline_mode = #tpu.pipeline_mode<synchronous>, transform_indices = @transform_4, window_bounds = array<i64: 1, 128>}, {pipeline_mode = #tpu.pipeline_mode<synchronous>, transform_indices = @transform_5, window_bounds = array<i64: 1, 128>}, {pipeline_mode = #tpu.pipeline_mode<synchronous>, transform_indices = @transform_6, window_bounds = array<i64: 1, 128>}, {pipeline_mode = #tpu.pipeline_mode<synchronous>, transform_indices = @transform_7, window_bounds = array<i64: 128, 128>}, {transform_indices = @transform_8, window_bounds = array<i64: 1000, 128>}]} {
    %get3A = arith.constant 0 : index
    %get3A_0 = arith.constant 0 : index
    %get3A_1 = vector.load %arg1[%get3A, %get3A_0] : memref<1000x128xf32, #tpu.memory_space<vmem>>, vector<1000x128xf32>
    %get3A_2 = arith.constant 0 : index
    %get3A_3 = arith.constant 0 : index
    %get3A_4 = vector.load %arg2[%get3A_2, %get3A_3] : memref<1000x128xf32, #tpu.memory_space<vmem>>, vector<1000x128xf32>
    %get3A_5 = arith.constant 0 : index
    %get3A_6 = arith.constant 0 : index
    %get3A_7 = vector.load %arg3[%get3A_5, %get3A_6] : memref<1000x128xf32, #tpu.memory_space<vmem>>, vector<1000x128xf32>
    %get3A_8 = arith.constant 0 : index
    %get3A_9 = arith.constant 0 : index
    %get3A_10 = vector.load %arg4[%get3A_8, %get3A_9] : memref<1000x128xf32, #tpu.memory_space<vmem>>, vector<1000x128xf32>
    %get3A_11 = arith.constant 0 : index
    %get3A_12 = arith.constant 0 : index
    %get3A_13 = vector.load %arg5[%get3A_11, %get3A_12] : memref<1x128xf32, #tpu.memory_space<vmem>>, vector<1x128xf32>
    %get3A_14 = arith.constant 0 : index
    %get3A_15 = arith.constant 0 : index
    %get3A_16 = vector.load %arg6[%get3A_14, %get3A_15] : memref<1x128xf32, #tpu.memory_space<vmem>>, vector<1x128xf32>
    %get3A_17 = arith.constant 0 : index
    %get3A_18 = arith.constant 0 : index
    %get3A_19 = vector.load %arg7[%get3A_17, %get3A_18] : memref<1x128xf32, #tpu.memory_space<vmem>>, vector<1x128xf32>
    %add3A = arith.addf %get3A_1, %get3A_4 : vector<1000x128xf32>
    %add3A_20 = arith.addf %add3A, %get3A_7 : vector<1000x128xf32>
    %mul3A = arith.mulf %get3A_10, %add3A_20 : vector<1000x128xf32>
    %add3A_21 = vector.broadcast %get3A_13 : vector<1x128xf32> to vector<1000x128xf32>
    %add3A_22 = arith.addf %mul3A, %add3A_21 : vector<1000x128xf32>
    %reduce_sum3A = arith.constant dense<0.000000e+00> : vector<1000xf32>
    %reduce_sum3A_23 = vector.multi_reduction <add>, %add3A_22, %reduce_sum3A [1] : vector<1000x128xf32> to vector<1000xf32>
    %broadcast_in_dim3A = vector.shape_cast %reduce_sum3A_23 : vector<1000xf32> to vector<1000x1xf32>
    %div3A = arith.constant 1.280000e+02 : f32
    %div3A_24 = vector.broadcast %div3A : f32 to vector<1000x1xf32>
    %div3A_25 = arith.divf %broadcast_in_dim3A, %div3A_24 : vector<1000x1xf32>
    %sub3A = vector.broadcast %div3A_25 : vector<1000x1xf32> to vector<1000x128xf32>
    %sub3A_26 = arith.subf %add3A_22, %sub3A : vector<1000x128xf32>
    %integer_pow3A = arith.mulf %sub3A_26, %sub3A_26 : vector<1000x128xf32>
    %reduce_sum3A_27 = arith.constant dense<0.000000e+00> : vector<1000xf32>
    %reduce_sum3A_28 = vector.multi_reduction <add>, %integer_pow3A, %reduce_sum3A_27 [1] : vector<1000x128xf32> to vector<1000xf32>
    %broadcast_in_dim3A_29 = vector.shape_cast %reduce_sum3A_28 : vector<1000xf32> to vector<1000x1xf32>
    %div3A_30 = arith.constant 1.280000e+02 : f32
    %div3A_31 = vector.broadcast %div3A_30 : f32 to vector<1000x1xf32>
    %div3A_32 = arith.divf %broadcast_in_dim3A_29, %div3A_31 : vector<1000x1xf32>
    %sub3A_33 = vector.broadcast %div3A_25 : vector<1000x1xf32> to vector<1000x128xf32>
    %sub3A_34 = arith.subf %add3A_22, %sub3A_33 : vector<1000x128xf32>
    %add3A_35 = arith.constant 9.99999974E-6 : f32
    %add3A_36 = vector.broadcast %add3A_35 : f32 to vector<1000x1xf32>
    %add3A_37 = arith.addf %div3A_32, %add3A_36 : vector<1000x1xf32>
    %rsqrt3A = math.rsqrt %add3A_37 : vector<1000x1xf32>
    %mul3A_38 = vector.broadcast %rsqrt3A : vector<1000x1xf32> to vector<1000x128xf32>
    %mul3A_39 = arith.mulf %sub3A_34, %mul3A_38 : vector<1000x128xf32>
    %mul3A_40 = vector.broadcast %get3A_16 : vector<1x128xf32> to vector<1000x128xf32>
    %mul3A_41 = arith.mulf %mul3A_39, %mul3A_40 : vector<1000x128xf32>
    %add3A_42 = vector.broadcast %get3A_19 : vector<1x128xf32> to vector<1000x128xf32>
    %add3A_43 = arith.addf %mul3A_41, %add3A_42 : vector<1000x128xf32>
    %max3A = arith.constant 0.000000e+00 : f32
    %max3A_44 = vector.broadcast %max3A : f32 to vector<1000x128xf32>
    %max3A_45 = arith.maximumf %add3A_43, %max3A_44 : vector<1000x128xf32>
    %get3A_46 = arith.constant 0 : index
    %get3A_47 = arith.constant 0 : index
    %get3A_48 = vector.load %arg8[%get3A_46, %get3A_47] : memref<128x128xf32, #tpu.memory_space<vmem>>, vector<128x128xf32>
    %dot_general3A = arith.constant dense<0.000000e+00> : vector<1000x128xf32>
    %dot_general3A_49 = tpu.matmul %max3A_45, %get3A_48, %dot_general3A {dimension_numbers = #tpu.dot_dimension_numbers<[1], [0], [0], [1], [0, 0, 1, 1], [], []>, transpose_lhs_hint = false} : vector<1000x128xf32>, vector<128x128xf32>, vector<1000x128xf32> -> vector<1000x128xf32>
    %get3A_50 = arith.constant 0 : index
    %get3A_51 = arith.constant 0 : index
    %get3A_52 = vector.load %arg4[%get3A_50, %get3A_51] : memref<1000x128xf32, #tpu.memory_space<vmem>>, vector<1000x128xf32>
    %mul3A_53 = arith.mulf %dot_general3A_49, %get3A_52 : vector<1000x128xf32>
    %swap3A = arith.constant 0 : index
    %swap3A_54 = arith.constant 0 : index
    %swap3A_55 = vector.load %arg9[%swap3A, %swap3A_54] : memref<1000x128xf32, #tpu.memory_space<vmem>>, vector<1000x128xf32>
    tpu.vector_store %arg9[%swap3A, %swap3A_54], %mul3A_53 {strides = array<i32>} : memref<1000x128xf32, #tpu.memory_space<vmem>>, vector<1000x128xf32>,
    return
  }
  func.func @transform_0(%arg0: i32) -> (i32, i32) {
    %c0_i32 = arith.constant 0 : i32
    %c0_i32_0 = arith.constant 0 : i32
    return %arg0, %c0_i32 : i32, i32
  }
  func.func @transform_1(%arg0: i32) -> (i32, i32) {
    %c0_i32 = arith.constant 0 : i32
    %c0_i32_0 = arith.constant 0 : i32
    return %arg0, %c0_i32 : i32, i32
  }
  func.func @transform_2(%arg0: i32) -> (i32, i32) {
    %c0_i32 = arith.constant 0 : i32
    %c0_i32_0 = arith.constant 0 : i32
    return %arg0, %c0_i32 : i32, i32
  }
  func.func @transform_3(%arg0: i32) -> (i32, i32) {
    %c0_i32 = arith.constant 0 : i32
    %c0_i32_0 = arith.constant 0 : i32
    return %arg0, %c0_i32 : i32, i32
  }
  func.func @transform_4(%arg0: i32) -> (i32, i32) {
    %c0_i32 = arith.constant 0 : i32
    %c0_i32_0 = arith.constant 0 : i32
    %c0_i32_1 = arith.constant 0 : i32
    return %c0_i32, %c0_i32_0 : i32, i32
  }
  func.func @transform_5(%arg0: i32) -> (i32, i32) {
    %c0_i32 = arith.constant 0 : i32
    %c0_i32_0 = arith.constant 0 : i32
    %c0_i32_1 = arith.constant 0 : i32
    return %c0_i32, %c0_i32_0 : i32, i32
  }
  func.func @transform_6(%arg0: i32) -> (i32, i32) {
    %c0_i32 = arith.constant 0 : i32
    %c0_i32_0 = arith.constant 0 : i32
    %c0_i32_1 = arith.constant 0 : i32
    return %c0_i32, %c0_i32_0 : i32, i32
  }
  func.func @transform_7(%arg0: i32) -> (i32, i32) {
    %c0_i32 = arith.constant 0 : i32
    %c0_i32_0 = arith.constant 0 : i32
    %c0_i32_1 = arith.constant 0 : i32
    return %c0_i32, %c0_i32_0 : i32, i32
  }
  func.func @transform_8(%arg0: i32) -> (i32, i32) {
    %c0_i32 = arith.constant 0 : i32
    %c0_i32_0 = arith.constant 0 : i32
    return %arg0, %c0_i32 : i32, i32
  }
}

module attributes {stable_mosaic.version = 14 : i64} {
  func.func @_tc_final_body(%arg0: i32, %arg1: memref<1000x128xf32, #tpu.memory_space<vmem>>, %arg2: memref<1000x128xf32, #tpu.memory_space<vmem>>, %arg3: memref<1000x128xf32, #tpu.memory_space<vmem>>, %arg4: memref<1000x128xf32, #tpu.memory_space<vmem>>, %arg5: memref<1x128xf32, #tpu.memory_space<vmem>>, %arg6: memref<1x128xf32, #tpu.memory_space<vmem>>, %arg7: memref<1x128xf32, #tpu.memory_space<vmem>>, %arg8: memref<1x1x1000xi32, #tpu.memory_space<vmem>>, %arg9: memref<16x128xf32, #tpu.memory_space<vmem>>, %arg10: memref<16x128xf32, #tpu.memory_space<vmem>>, %arg11: memref<16x128xf32, #tpu.memory_space<vmem>>) attributes {dimension_semantics = [#tpu.dimension_semantics<arbitrary>], iteration_bounds = array<i64: 10>, scalar_prefetch = 0 : i64, scratch_operands = 2 : i64, tpu.core_type = #tpu.core_type<tc>, window_params = [{transform_indices = @transform_0, window_bounds = array<i64: 1000, 128>}, {transform_indices = @transform_1, window_bounds = array<i64: 1000, 128>}, {transform_indices = @transform_2, window_bounds = array<i64: 1000, 128>}, {transform_indices = @transform_3, window_bounds = array<i64: 1000, 128>}, {pipeline_mode = #tpu.pipeline_mode<synchronous>, transform_indices = @transform_4, window_bounds = array<i64: 1, 128>}, {pipeline_mode = #tpu.pipeline_mode<synchronous>, transform_indices = @transform_5, window_bounds = array<i64: 1, 128>}, {pipeline_mode = #tpu.pipeline_mode<synchronous>, transform_indices = @transform_6, window_bounds = array<i64: 1, 128>}, {transform_indices = @transform_7, window_bounds = array<i64: 1, 1, 1000>}, {pipeline_mode = #tpu.pipeline_mode<synchronous>, transform_indices = @transform_8, window_bounds = array<i64: 16, 128>}]} {
    %get3A = arith.constant 0 : index
    %get3A_0 = arith.constant 0 : index
    %get3A_1 = vector.load %arg1[%get3A, %get3A_0] : memref<1000x128xf32, #tpu.memory_space<vmem>>, vector<1000x128xf32>
    %get3A_2 = arith.constant 0 : index
    %get3A_3 = arith.constant 0 : index
    %get3A_4 = vector.load %arg2[%get3A_2, %get3A_3] : memref<1000x128xf32, #tpu.memory_space<vmem>>, vector<1000x128xf32>
    %get3A_5 = arith.constant 0 : index
    %get3A_6 = arith.constant 0 : index
    %get3A_7 = vector.load %arg3[%get3A_5, %get3A_6] : memref<1000x128xf32, #tpu.memory_space<vmem>>, vector<1000x128xf32>
    %get3A_8 = arith.constant 0 : index
    %get3A_9 = arith.constant 0 : index
    %get3A_10 = vector.load %arg4[%get3A_8, %get3A_9] : memref<1000x128xf32, #tpu.memory_space<vmem>>, vector<1000x128xf32>
    %get3A_11 = arith.constant 0 : index
    %get3A_12 = arith.constant 0 : index
    %get3A_13 = vector.load %arg5[%get3A_11, %get3A_12] : memref<1x128xf32, #tpu.memory_space<vmem>>, vector<1x128xf32>
    %get3A_14 = arith.constant 0 : index
    %get3A_15 = arith.constant 0 : index
    %get3A_16 = vector.load %arg6[%get3A_14, %get3A_15] : memref<1x128xf32, #tpu.memory_space<vmem>>, vector<1x128xf32>
    %get3A_17 = arith.constant 0 : index
    %get3A_18 = arith.constant 0 : index
    %get3A_19 = vector.load %arg7[%get3A_17, %get3A_18] : memref<1x128xf32, #tpu.memory_space<vmem>>, vector<1x128xf32>
    %add3A = arith.addf %get3A_1, %get3A_4 : vector<1000x128xf32>
    %add3A_20 = arith.addf %add3A, %get3A_7 : vector<1000x128xf32>
    %mul3A = arith.mulf %get3A_10, %add3A_20 : vector<1000x128xf32>
    %add3A_21 = vector.broadcast %get3A_13 : vector<1x128xf32> to vector<1000x128xf32>
    %add3A_22 = arith.addf %mul3A, %add3A_21 : vector<1000x128xf32>
    %reduce_sum3A = arith.constant dense<0.000000e+00> : vector<1000xf32>
    %reduce_sum3A_23 = vector.multi_reduction <add>, %add3A_22, %reduce_sum3A [1] : vector<1000x128xf32> to vector<1000xf32>
    %broadcast_in_dim3A = vector.shape_cast %reduce_sum3A_23 : vector<1000xf32> to vector<1000x1xf32>
    %div3A = arith.constant 1.280000e+02 : f32
    %div3A_24 = vector.broadcast %div3A : f32 to vector<1000x1xf32>
    %div3A_25 = arith.divf %broadcast_in_dim3A, %div3A_24 : vector<1000x1xf32>
    %sub3A = vector.broadcast %div3A_25 : vector<1000x1xf32> to vector<1000x128xf32>
    %sub3A_26 = arith.subf %add3A_22, %sub3A : vector<1000x128xf32>
    %integer_pow3A = arith.mulf %sub3A_26, %sub3A_26 : vector<1000x128xf32>
    %reduce_sum3A_27 = arith.constant dense<0.000000e+00> : vector<1000xf32>
    %reduce_sum3A_28 = vector.multi_reduction <add>, %integer_pow3A, %reduce_sum3A_27 [1] : vector<1000x128xf32> to vector<1000xf32>
    %broadcast_in_dim3A_29 = vector.shape_cast %reduce_sum3A_28 : vector<1000xf32> to vector<1000x1xf32>
    %div3A_30 = arith.constant 1.280000e+02 : f32
    %div3A_31 = vector.broadcast %div3A_30 : f32 to vector<1000x1xf32>
    %div3A_32 = arith.divf %broadcast_in_dim3A_29, %div3A_31 : vector<1000x1xf32>
    %sub3A_33 = vector.broadcast %div3A_25 : vector<1000x1xf32> to vector<1000x128xf32>
    %sub3A_34 = arith.subf %add3A_22, %sub3A_33 : vector<1000x128xf32>
    %add3A_35 = arith.constant 9.99999974E-6 : f32
    %add3A_36 = vector.broadcast %add3A_35 : f32 to vector<1000x1xf32>
    %add3A_37 = arith.addf %div3A_32, %add3A_36 : vector<1000x1xf32>
    %rsqrt3A = math.rsqrt %add3A_37 : vector<1000x1xf32>
    %mul3A_38 = vector.broadcast %rsqrt3A : vector<1000x1xf32> to vector<1000x128xf32>
    %mul3A_39 = arith.mulf %sub3A_34, %mul3A_38 : vector<1000x128xf32>
    %mul3A_40 = vector.broadcast %get3A_16 : vector<1x128xf32> to vector<1000x128xf32>
    %mul3A_41 = arith.mulf %mul3A_39, %mul3A_40 : vector<1000x128xf32>
    %add3A_42 = vector.broadcast %get3A_19 : vector<1x128xf32> to vector<1000x128xf32>
    %add3A_43 = arith.addf %mul3A_41, %add3A_42 : vector<1000x128xf32>
    %max3A = arith.constant 0.000000e+00 : f32
    %max3A_44 = vector.broadcast %max3A : f32 to vector<1000x128xf32>
    %max3A_45 = arith.maximumf %add3A_43, %max3A_44 : vector<1000x128xf32>
    %get3A_46 = arith.constant 0 : index
    %get3A_47 = arith.constant 0 : index
    %get3A_48 = arith.constant 0 : index
    %get3A_49 = vector.load %arg8[%get3A_46, %get3A_47, %get3A_48] : memref<1x1x1000xi32, #tpu.memory_space<vmem>>, vector<1x1x1000xi32>
    %get3A_50 = vector.shape_cast %get3A_49 : vector<1x1x1000xi32> to vector<1000xi32>
    %iota3A = tpu.iota {dimensions = array<i32: 0>} : vector<16x1000xi32>
    %broadcast_in_dim3A_51 = vector.shape_cast %get3A_50 : vector<1000xi32> to vector<1x1000xi32>
    %eq3A = vector.broadcast %broadcast_in_dim3A_51 : vector<1x1000xi32> to vector<16x1000xi32>
    %eq3A_52 = arith.cmpi eq, %iota3A, %eq3A : vector<16x1000xi32>
    %convert_element_type3A = arith.extui %eq3A_52 : vector<16x1000xi1> to vector<16x1000xi32>
    %convert_element_type3A_53 = arith.sitofp %convert_element_type3A : vector<16x1000xi32> to vector<16x1000xf32>
    %dot_general3A = arith.constant dense<0.000000e+00> : vector<16x128xf32>
    %dot_general3A_54 = tpu.matmul %convert_element_type3A_53, %max3A_45, %dot_general3A {dimension_numbers = #tpu.dot_dimension_numbers<[1], [0], [0], [1], [0, 0, 1, 1], [], []>, transpose_lhs_hint = false} : vector<16x1000xf32>, vector<1000x128xf32>, vector<16x128xf32> -> vector<16x128xf32>
    %reduce_sum3A_55 = arith.constant dense<0.000000e+00> : vector<16xf32>
    %reduce_sum3A_56 = vector.multi_reduction <add>, %convert_element_type3A_53, %reduce_sum3A_55 [1] : vector<16x1000xf32> to vector<16xf32>
    %broadcast_in_dim3A_57 = vector.shape_cast %reduce_sum3A_56 : vector<16xf32> to vector<16x1xf32>
    %broadcast_in_dim3A_58 = vector.shape_cast %broadcast_in_dim3A_57 : vector<16x1xf32> to vector<16x1xf32>
    %broadcast_in_dim3A_59 = vector.broadcast %broadcast_in_dim3A_58 : vector<16x1xf32> to vector<16x128xf32>
    %eq3A_60 = arith.constant 0 : i32
    %eq3A_61 = arith.cmpi eq, %arg0, %eq3A_60 : i32
    %convert_element_type3A_62 = arith.extui %eq3A_61 : i1 to i32
    %cond3A = arith.constant 0 : i32
    %cond3A_63 = arith.cmpi ne, %convert_element_type3A_62, %cond3A : i32
    scf.if %cond3A_63 {
      %broadcast_in_dim3A_82 = arith.constant 0.000000e+00 : f32
      %broadcast_in_dim3A_83 = vector.broadcast %broadcast_in_dim3A_82 : f32 to vector<16x128xf32>
      %swap3A_84 = arith.constant 0 : index
      %swap3A_85 = arith.constant 0 : index
      %swap3A_86 = vector.load %arg10[%swap3A_84, %swap3A_85] : memref<16x128xf32, #tpu.memory_space<vmem>>, vector<16x128xf32>
      tpu.vector_store %arg10[%swap3A_84, %swap3A_85], %broadcast_in_dim3A_83 {strides = array<i32>} : memref<16x128xf32, #tpu.memory_space<vmem>>, vector<16x128xf32>,
      %broadcast_in_dim3A_87 = arith.constant 0.000000e+00 : f32
      %broadcast_in_dim3A_88 = vector.broadcast %broadcast_in_dim3A_87 : f32 to vector<16x128xf32>
      %swap3A_89 = arith.constant 0 : index
      %swap3A_90 = arith.constant 0 : index
      %swap3A_91 = vector.load %arg11[%swap3A_89, %swap3A_90] : memref<16x128xf32, #tpu.memory_space<vmem>>, vector<16x128xf32>
      tpu.vector_store %arg11[%swap3A_89, %swap3A_90], %broadcast_in_dim3A_88 {strides = array<i32>} : memref<16x128xf32, #tpu.memory_space<vmem>>, vector<16x128xf32>,
    } else {
    }
    %get3A_64 = arith.constant 0 : index
    %get3A_65 = arith.constant 0 : index
    %get3A_66 = vector.load %arg10[%get3A_64, %get3A_65] : memref<16x128xf32, #tpu.memory_space<vmem>>, vector<16x128xf32>
    %add3A_67 = arith.addf %get3A_66, %dot_general3A_54 : vector<16x128xf32>
    %swap3A = arith.constant 0 : index
    %swap3A_68 = arith.constant 0 : index
    %swap3A_69 = vector.load %arg10[%swap3A, %swap3A_68] : memref<16x128xf32, #tpu.memory_space<vmem>>, vector<16x128xf32>
    tpu.vector_store %arg10[%swap3A, %swap3A_68], %add3A_67 {strides = array<i32>} : memref<16x128xf32, #tpu.memory_space<vmem>>, vector<16x128xf32>,
    %get3A_70 = arith.constant 0 : index
    %get3A_71 = arith.constant 0 : index
    %get3A_72 = vector.load %arg11[%get3A_70, %get3A_71] : memref<16x128xf32, #tpu.memory_space<vmem>>, vector<16x128xf32>
    %add3A_73 = arith.addf %get3A_72, %broadcast_in_dim3A_59 : vector<16x128xf32>
    %swap3A_74 = arith.constant 0 : index
    %swap3A_75 = arith.constant 0 : index
    %swap3A_76 = vector.load %arg11[%swap3A_74, %swap3A_75] : memref<16x128xf32, #tpu.memory_space<vmem>>, vector<16x128xf32>
    tpu.vector_store %arg11[%swap3A_74, %swap3A_75], %add3A_73 {strides = array<i32>} : memref<16x128xf32, #tpu.memory_space<vmem>>, vector<16x128xf32>,
    %eq3A_77 = arith.constant 9 : i32
    %eq3A_78 = arith.cmpi eq, %arg0, %eq3A_77 : i32
    %convert_element_type3A_79 = arith.extui %eq3A_78 : i1 to i32
    %cond3A_80 = arith.constant 0 : i32
    %cond3A_81 = arith.cmpi ne, %convert_element_type3A_79, %cond3A_80 : i32
    scf.if %cond3A_81 {
      %get3A_82 = arith.constant 0 : index
      %get3A_83 = arith.constant 0 : index
      %get3A_84 = vector.load %arg10[%get3A_82, %get3A_83] : memref<16x128xf32, #tpu.memory_space<vmem>>, vector<16x128xf32>
      %get3A_85 = arith.constant 0 : index
      %get3A_86 = arith.constant 0 : index
      %get3A_87 = vector.load %arg11[%get3A_85, %get3A_86] : memref<16x128xf32, #tpu.memory_space<vmem>>, vector<16x128xf32>
      %max3A_88 = arith.constant 1.000000e+00 : f32
      %max3A_89 = vector.broadcast %max3A_88 : f32 to vector<16x128xf32>
      %max3A_90 = arith.maximumf %get3A_87, %max3A_89 : vector<16x128xf32>
      %div3A_91 = arith.divf %get3A_84, %max3A_90 : vector<16x128xf32>
      %swap3A_92 = arith.constant 0 : index
      %swap3A_93 = arith.constant 0 : index
      %swap3A_94 = vector.load %arg9[%swap3A_92, %swap3A_93] : memref<16x128xf32, #tpu.memory_space<vmem>>, vector<16x128xf32>
      tpu.vector_store %arg9[%swap3A_92, %swap3A_93], %div3A_91 {strides = array<i32>} : memref<16x128xf32, #tpu.memory_space<vmem>>, vector<16x128xf32>,
    } else {
    }
    return
  }
  func.func @transform_0(%arg0: i32) -> (i32, i32) {
    %c0_i32 = arith.constant 0 : i32
    %c0_i32_0 = arith.constant 0 : i32
    return %arg0, %c0_i32 : i32, i32
  }
  func.func @transform_1(%arg0: i32) -> (i32, i32) {
    %c0_i32 = arith.constant 0 : i32
    %c0_i32_0 = arith.constant 0 : i32
    return %arg0, %c0_i32 : i32, i32
  }
  func.func @transform_2(%arg0: i32) -> (i32, i32) {
    %c0_i32 = arith.constant 0 : i32
    %c0_i32_0 = arith.constant 0 : i32
    return %arg0, %c0_i32 : i32, i32
  }
  func.func @transform_3(%arg0: i32) -> (i32, i32) {
    %c0_i32 = arith.constant 0 : i32
    %c0_i32_0 = arith.constant 0 : i32
    return %arg0, %c0_i32 : i32, i32
  }
  func.func @transform_4(%arg0: i32) -> (i32, i32) {
    %c0_i32 = arith.constant 0 : i32
    %c0_i32_0 = arith.constant 0 : i32
    %c0_i32_1 = arith.constant 0 : i32
    return %c0_i32, %c0_i32_0 : i32, i32
  }
  func.func @transform_5(%arg0: i32) -> (i32, i32) {
    %c0_i32 = arith.constant 0 : i32
    %c0_i32_0 = arith.constant 0 : i32
    %c0_i32_1 = arith.constant 0 : i32
    return %c0_i32, %c0_i32_0 : i32, i32
  }
  func.func @transform_6(%arg0: i32) -> (i32, i32) {
    %c0_i32 = arith.constant 0 : i32
    %c0_i32_0 = arith.constant 0 : i32
    %c0_i32_1 = arith.constant 0 : i32
    return %c0_i32, %c0_i32_0 : i32, i32
  }
  func.func @transform_7(%arg0: i32) -> (i32, i32, i32) {
    %c0_i32 = arith.constant 0 : i32
    %c0_i32_0 = arith.constant 0 : i32
    %c0_i32_1 = arith.constant 0 : i32
    return %arg0, %c0_i32, %c0_i32_0 : i32, i32, i32
  }
  func.func @transform_8(%arg0: i32) -> (i32, i32) {
    %c0_i32 = arith.constant 0 : i32
    %c0_i32_0 = arith.constant 0 : i32
    %c0_i32_1 = arith.constant 0 : i32
    return %c0_i32, %c0_i32_0 : i32, i32
  }
}

</mosaic_0001>

<sc_bundles>
// kernel: kernel.10.cloned.1.call-start
scs
__scs_entry_jumppad:
0x0: {  	(pc) =	sbr.rel $0x88, $3  }
0x1: {  	(tag) =	ssettag $0x0;
	lr =	simm.s32 $0x1  }
0x2: {  	[smem:$0x3F92] =	sst lr;
	_ =	strace $0xD0000000  }
0x3: {  	_ = 	snop  }
0x4: {  	_ = 	snop  }
0x5: {  	_ = 	snop  }
0x6: {  	_ = 	snop  }
0x7: {  	_ = 	snop  }
__scs_overlays_trampoline_lowered:
0x8: {  	[smem:$0x3FA1] =	sst s0  }
0x9: {  	[smem:$0x3FA2] =	sst s1  }
0xa: {  	[smem:$0x3FA3] =	sst s2  }
0xb: {  	[smem:$0x3FA4] =	sst s3  }
0xc: {  	[smem:$0x3FA5] =	sst s4  }
0xd: {  	[smem:$0x3FA6] =	sst s5  }
0xe: {  	[smem:$0x3FA7] =	sst s6  }
0xf: {  	[smem:$0x3FA8] =	sst s7  }
0x10: {  	[smem:$0x3FA9] =	sst s8  }
0x11: {  	[smem:$0x3FAA] =	sst s9;
	s0 =	simm.s32 @!p0 $0x0  }
0x12: {  	s1 =	sld [smem:$0x3F90];
	s0 =	simm.s32 @p0 $0x1  }
0x13: {  	[smem:$0x3FAB] =	sst s0;
	s0 =	simm.s32 @!p1 $0x0  }
0x14: {  	s2 =	sld [smem:$0x3F8F];
	s0 =	simm.s32 @p1 $0x1  }
0x15: {  	[smem:$0x3FAC] =	sst s0;
	s0 =	simm.s32 @!p2 $0x0  }
0x16: {  	s3 =	sld [smem:$0x3FDB];
	s0 =	simm.s32 @p2 $0x1  }
0x17: {  	s4 =	simm.s32 $0x1BF5;
	[smem:$0x3FAE] =	sst s0  }
0x18: {  	s0 =	sld [smem:$0x3F91];
	_ =	swait.ge [sflag:s4], $0x0  }
0x19: {  	s7 =	sld [smem:$0x3F92]  }
0x1a: {  	s8 =	sadd.s32 $0xFFFFE003, lr  }
0x1b: {  	s9 =	sadd.s32 $0xFFFFFEF7, lr;
	s5 =	simm.s32 $0xFFFFFFFF;
	p2 =	slt.u32 s8, $0xFFFFF086  }
0x1c: {  	p1 =	slt.u32 s9, $0xF7A;
	s5 =	simm.s32 @!p2 $0x0  }
0x1d: {  	s5 =	simm.s32 @p1 $0x1;
	p0 =	seq.s32 s7, s2  }
0x1e: {  	s7 =	smul.u32 @!p0 $0xF7A, s2;
	p2 =	seq.s32 @!p0 s5, $0x0  }
0x1f: {  	s9 =	smul.u32 $0xF7A, s1;
	s8 =	simm.s32 @!p0 $0x1BF5;
	p2 =	por !p2, p0  }
0x20: {  	[sflag:s8] =	ssyncset.s32 @!p0 $0xFFFFF086;
	s6 =	sadd.s32 @!p0 s3, s7;
	s7 =	simm.s32 @!p0 $0x108  }
0x21: {  	s3 =	sadd.s32 s3, s9;
	s6 =	sadd.s32 @!p0 $0x88, s6;
	s7 =	simm.s32 @p2 $0x1082  }
0x22: {  	[simem:s7], [sflag:s8] =	dma.local @!p0 [hbm:s6], $0xF7A  }
0x23: {  	s9 =	sor.u32 $0xD0000000, s2;
	s6 =	simm.s32 $0x108;
	_ =	swait.ge @!p0 [sflag:s8], $0x0  }
0x24: {  	s3 =	sadd.s32 $0x88, s3;
	s6 =	simm.s32 @!p1 $0x1082;
	[sflag:s4] =	ssyncset.s32 $0xFFFFF086  }
0x25: {  	[simem:s6], [sflag:s4] =	dma.local [hbm:s3], $0xF7A  }
0x26: {  	[smem:$0x3F92] =	sst s1;
	(tag) =	ssettag s2;
	_ =	strace s9  }
0x27: {  	s1 =	sld [smem:$0x3FA2]  }
0x28: {  	s2 =	sld [smem:$0x3FA3]  }
0x29: {  	s4 =	sld [smem:$0x3FA5]  }
0x2a: {  	p0 =	seq.s32 s5, $0x0;
	s5 =	sld [smem:$0x3FA6]  }
0x2b: {  	s6 =	sld [smem:$0x3FA7]  }
0x2c: {  	s7 =	sld [smem:$0x3FA8]  }
0x2d: {  	s3 =	simm.s32 $0x108;
	s8 =	sld [smem:$0x3FA9]  }
0x2e: {  	s3 =	simm.s32 @!p0 $0x1082;
	s9 =	sld [smem:$0x3FAA]  }
0x2f: {  	lr =	sadd.s32 s0, s3;
	s0 =	sld [smem:$0x3FA1]  }
0x30: {  	s3 =	sld [smem:$0x3FA4]  }
0x31: {  	[smem:$0x3FAD] =	sst s10  }
0x32: {  	s10 =	sld [smem:$0x3FAB];
	_ =	sdelay $0x3  }
0x33: {  	p0 =	seq.s32 s10, $0x1;
	s10 =	sld [smem:$0x3FAD];
	_ =	sdelay $0x3  }
0x34: {  	[smem:$0x3FAD] =	sst s10  }
0x35: {  	s10 =	sld [smem:$0x3FAC];
	_ =	sdelay $0x3  }
0x36: {  	p1 =	seq.s32 s10, $0x1;
	s10 =	sld [smem:$0x3FAD];
	_ =	sdelay $0x3  }
0x37: {  	[smem:$0x3FAD] =	sst s10  }
0x38: {  	s10 =	sld [smem:$0x3FAE]  }
0x39: {  	_ = 	snop;
	(pc) =	sbr.ind lr, $3  }
0x3a: {  	_ = 	snop  }
0x3b: {  	_ = 	snop  }
0x3c: {  	p2 =	seq.s32 s10, $0x1;
	s10 =	sld [smem:$0x3FAD]  }
0x3d: {  	_ =	shalt  }
0x3e: {  	_ =	shalt  }
0x3f: {  	_ =	shalt  }
0x40: {  	_ =	shalt  }
0x41: {  	_ =	shalt  }
0x42: {  	_ =	shalt  }
0x43: {  	_ =	shalt  }
0x44: {  	_ =	shalt  }
0x45: {  	_ =	shalt  }
0x46: {  	_ =	shalt  }
0x47: {  	_ =	shalt  }
0x48: {  	_ =	shalt  }
0x49: {  	_ =	shalt  }
0x4a: {  	_ =	shalt  }
0x4b: {  	_ =	shalt  }
0x4c: {  	_ =	shalt  }
0x4d: {  	_ =	shalt  }
0x4e: {  	_ =	shalt  }
0x4f: {  	_ =	shalt  }
0x50: {  	_ =	shalt  }
0x51: {  	_ =	shalt  }
0x52: {  	_ =	shalt  }
0x53: {  	_ =	shalt  }
0x54: {  	_ =	shalt  }
0x55: {  	_ =	shalt  }
0x56: {  	_ =	shalt  }
0x57: {  	_ =	shalt  }
0x58: {  	_ =	shalt  }
0x59: {  	_ =	shalt  }
0x5a: {  	_ =	shalt  }
0x5b: {  	_ =	shalt  }
0x5c: {  	_ =	shalt  }
0x5d: {  	_ =	shalt  }
0x5e: {  	_ =	shalt  }
0x5f: {  	_ =	shalt  }
0x60: {  	_ =	shalt  }
0x61: {  	_ =	shalt  }
0x62: {  	_ =	shalt  }
0x63: {  	_ =	shalt  }
0x64: {  	_ =	shalt  }
0x65: {  	_ =	shalt  }
0x66: {  	_ =	shalt  }
0x67: {  	_ =	shalt  }
0x68: {  	_ =	shalt  }
0x69: {  	_ =	shalt  }
0x6a: {  	_ =	shalt  }
0x6b: {  	_ =	shalt  }
0x6c: {  	_ =	shalt  }
0x6d: {  	_ =	shalt  }
0x6e: {  	_ =	shalt  }
0x6f: {  	_ =	shalt  }
0x70: {  	_ =	shalt  }
0x71: {  	_ =	shalt  }
0x72: {  	_ =	shalt  }
0x73: {  	_ =	shalt  }
0x74: {  	_ =	shalt  }
0x75: {  	_ =	shalt  }
0x76: {  	_ =	shalt  }
0x77: {  	_ =	shalt  }
0x78: {  	_ =	shalt  }
0x79: {  	_ =	shalt  }
0x7a: {  	_ =	shalt  }
0x7b: {  	_ =	shalt  }
0x7c: {  	_ =	shalt  }
0x7d: {  	_ =	shalt  }
0x7e: {  	_ =	shalt  }
0x7f: {  	_ =	shalt  }
0x80: {  	_ =	shalt  }
0x81: {  	_ =	shalt  }
0x82: {  	_ =	shalt  }
0x83: {  	_ =	shalt  }
0x84: {  	_ =	shalt  }
0x85: {  	_ =	shalt  }
0x86: {  	_ =	shalt  }
0x87: {  	_ =	shalt  }
.Lfunc_end0:
.L_simem_size_0:
called_computation_lowered:
.L_overlay_start_0:
0x88: {  	s2 =	sld [smem:$0x3FD9]  }
0x89: {  	s3 =	sld [smem:$0x3FFE];
	_ =	sdelay $0x1  }
0x8a: {  	s1 =	srdreg.scid  }
0x8b: {  	s0 =	sand.u32 $0x1, s1  }
0x8c: {  	s16 =	sshll.u32 s0, $0xA;
	s2 =	sadd.s32 s3, s2  }
0x8d: {  	s2 =	sadd.s32 s2, s16  }
0x8e: {  	[smem:$0x3FB9] =	sst s2  }
0x8f: {  	_ = 	snop  }
0x90: {  	(tm) =	ssettm $0x1  }
0x91: {  	s17 =	sld [smem:$0x3FFB];
	_ =	sdelay $0x3  }
0x92: {  	_ =	strace s17  }
0x93: {  	s2 =	sld [smem:$0x3FFC];
	_ =	sdelay $0x3  }
0x94: {  	_ =	strace s2  }
0x95: {  	s2 =	sld [smem:$0x3FFD];
	_ =	sdelay $0x3  }
0x96: {  	_ =	strace s2  }
0x97: {  	_ =	strace $0x8FFFFFFF  }
0x98: {  	s18 =	sld [smem:$0x3FDB];
	_ =	sdelay $0x1  }
0x99: {  	s19 =	simm.s32 $_scs_section_size  }
0x9a: {  	s4 =	simm.s32 $_size__tile_overlayer_lowered;
	s5 =	simm.s32 $_tile_overlayer_lowered  }
0x9b: {  	s22 =	simm.s32 $0x1BFF;
	s21 =	sshll.u32 s5, $0x1;
	s2 =	sadd.s32 s19, s18  }
0x9c: {  	s6 =	simm.s32 $0x0;
	s20 =	sshll.u32 s4, $0x1;
	s4 =	sadd.s32 s21, s2  }
0x9d: {  	[timem:s6], [sflag:s22] =	dma.local [hbm:s4], s20  }
0x9e: {  	_ =	swait.ge [sflag:s22], s20  }
0x9f: {  	s3 =	ssub.s32 $0x0, s20;
	[sflag:s22] =	ssyncset.done $0x0  }
0xa0: {  	[sflag:s22] =	ssyncadd.s32 s3;
	_ =	sdelay $0x1  }
0xa1: {  	s23 =	simm.s32 $0x1B8B  }
0xa2: {  	_ =	swait.ge [sflag:s23], $0x1  }
0xa3: {  	[sflag:s23] =	ssyncset.done $0x0  }
0xa4: {  	s25 =	simm.s32 $0x1B8E;
	s24 =	sld [smem:$0x3FFE];
	[sflag:s23] =	ssyncadd.s32 $0xFFFFFFFF  }
0xa5: {  	s26 =	simm.s32 $execute0_lowered;
	[smem:$0x3FD2] =	sst s25  }
0xa6: {  	s4 =	sshll.u32 s26, $0x1;
	_ =	strace $0x80000046;
	[dreg:$0x1] =	wrdreg $0xFFFFFFFF  }
0xa7: {  	s28 =	simm.s32 $_size_execute0_lowered;
	s2 =	sadd.s32 s2, s4;
	[dreg:$0x0] =	wrdreg $0x0  }
0xa8: {  	s4 =	sshll.u32 s28, $0x1;
	[dreg:$0x2] =	wrdreg s2  }
0xa9: {  	[dreg:$0x3] =	wrdreg s4  }
0xaa: {  	[dreg:$0x4] =	wrdreg $0xC0  }
0xab: {  	_ =	task [dreg:s6], $0x5FFFF  }
0xac: {  	[dreg:$0x1] =	wrdreg $0xFFFFFFFF  }
0xad: {  	[dreg:$0x0] =	wrdreg $0x60  }
0xae: {  	[dreg:$0x2] =	wrdreg s24  }
0xaf: {  	[dreg:$0x3] =	wrdreg $0x68000  }
0xb0: {  	[dreg:$0x4] =	wrdreg $0x9  }
0xb1: {  	_ =	task.clear_ibuf [dreg:s6], $0x5FFFF;
	_ =	strace $0x90000046  }
0xb2: {  	s29 =	simm.s32 $0x9;
	_ =	strace $0x80000048  }
0xb3: {  	_ =	swait.ge [sflag:s29], $0x1  }
0xb4: {  	[sflag:s29] =	ssyncadd.s32 $0xFFFFFFFF  }
0xb5: {  	_ =	strace $0x90000048  }
0xb6: {  	_ =	sfence  }
0xb7: {  	s30 =	sld [smem:$0x0];
	_ =	sdelay $0x2  }
0xb8: {  	s31 =	sshll.u32 s1, $0xD;
	s1 =	sshrl.u32 s1, $0x2  }
0xb9: {  	s3 =	sand.u32 $0x4000, s31;
	s1 =	sadd.s32 s1, s30  }
0xba: {  	s0 =	sor.u32 s3, s0;
	s1 =	sshll.u32 s1, $0x11  }
0xbb: {  	s0 =	sor.u32 s1, s0  }
0xbc: {  	s0 =	sadd.s32 $0x8F2B, s0  }
0xbd: {  	[sflag:s0] =	ssyncadd.remote.s32 $0x1  }
0xbe: {  	_ =	sfence.sel $0xFFFF  }
0xbf: {  	[dreg:$0x0] =	wrdreg $0xFFFFFFFF;
	(pc) =	sbr.abs _section_cstart, $3  }
0xc0: {  	[dreg:$0x1] =	wrdreg $0xFFFFFFFF  }
0xc1: {  	_ =	task.clear_ibuf [dreg:s6], $0x2FFFF;
	_ =	strace $0x9FFFFFFF  }
0xc2: {  	(tm) =	ssettm $0x7FFFFFFF  }
0xc3: {  	_ =	shalt  }
tec
execute0_lowered:
.L_overlay_start_1:
0x0: {  	(tag) =	ssettag $0x1  }
0x1: {  	s1 =	srdreg.scid  }
0x2: {  	s0 =	stileid.u32;
	s4 =	rddreg [dreg:$0x0]  }
0x3: {  	s2 =	rddreg [dreg:$0x1];
	s3 =	simm.s32 $0x0;
	s18 =	simm.s32 $0x80  }
0x4: {  	s19 =	simm.s32 $0x1;
	s5 =	sand.u32 $0x1, s1;
	s1 =	rddreg [dreg:$0x2]  }
0x5: {  	s29 =	sshll.u32 s0, $0x1;
	[smem:$0x7FF] =	sst s3;
	s7 =	smul.u32 $0x50000, s0  }
0x6: {  	s10 =	smul.u32 $0x14000, s0;
	s14 =	sadd.s32 $0x19E00, s4;
	s6 =	sor.u32 s5, s29  }
0x7: {  	_ =	strace $0x80000047;
	s30 =	ssub.s32 $0x2, s5;
	s13 =	smul.u32 $0x140000, s5  }
0x8: {  	s6 =	smul.u32 $0x500, s6;
	s8 =	sshrl.u32 s30, $0x1;
	s7 =	sshrl.u32 s7, $0x2  }
0x9: {  	s11 =	sadd.s32 $0x4000, s10;
	s12 =	sadd.s32 $0x8000, s10;
	s16 =	sadd.s32 $0xC000, s10  }
0xa: {  	s17 =	sadd.s32 $0x10000, s10;
	s15 =	ssub.s32 s30, s8;
	s5 =	sadd.s32 s11, s2  }
0xb: {  	s10 =	sadd.s32 s10, s13;
	s8 =	sadd.s32 s17, s2;
	s11 =	sadd.s32 s13, s11  }
0xc: {  	s17 =	sadd.s32 s13, s17;
	s9 =	sadd.s32 s6, s4;
	s4 =	sadd.s32 s7, s2  }
0xd: {  	s6 =	sadd.s32 s12, s2;
	s7 =	sadd.s32 s16, s2;
	s10 =	sshrl.u32 s10, $0x3  }
0xe: {  	s11 =	sshrl.u32 s11, $0x3;
	s12 =	sadd.s32 s13, s12;
	s16 =	sadd.s32 s13, s16  }
0xf: {  	s31 =	sshrl.u32 s17, $0x3;
	s15 =	smax.u32 s15, $0x1;
	s17 =	simm.s32 $0x2  }
0x10: {  	s9 =	sadd.s32 $0x5E00, s9;
	s10 =	sadd.s32 s14, s10;
	s12 =	sshrl.u32 s12, $0x3  }
0x11: {  	s11 =	sadd.s32 s14, s11;
	s16 =	sshrl.u32 s16, $0x3;
	s12 =	sadd.s32 s14, s12  }
0x12: {  	v0 =	vimm.f32 $0.0e+00;
	v1 =	vimm.f32 $1.000000000e+00;
	s13 =	sadd.s32 s14, s16;
	s14 =	sadd.s32 s14, s31;
	s16 =	simm.s32 $0x2800  }
.LBB2_1:
0x13: {  	s20 =	simm.s32 $0x0;
	s21 =	simm.s32 $0x200  }
.LBB2_2:
0x14: {  	p0 =	sne.s32 s21, $0xFE00;
	[tilespmem:s20+$0x2870] =	vst v0  }
0x15: {  	[tilespmem:s20+$0x2800] =	vst v0  }
0x16: {  	[tilespmem:s20+$0x2810] =	vst v0  }
.Ltmp0:
0x17: {  	[tilespmem:s20+$0x2820] =	vst v0;
	(pc) =	sbr.rel @p0 .LBB2_2-.Ltmp0, $4  }
0x18: {  	[tilespmem:s20+$0x2830] =	vst v0  }
0x19: {  	[tilespmem:s20+$0x2840] =	vst v0  }
0x1a: {  	[tilespmem:s20+$0x2850] =	vst v0  }
0x1b: {  	[tilespmem:s20+$0x2860] =	vst v0;
	s20 =	sshra.s32 s21, $0x2;
	s21 =	sadd.s32 $0x200, s21  }
0x1c: {  	[tilespmem:s20+$0x2870] =	vst v0  }
0x1d: {  	[tilespmem:s20+$0x2800] =	vst v0  }
0x1e: {  	[tilespmem:s20+$0x2810] =	vst v0  }
0x1f: {  	[tilespmem:s20+$0x2820] =	vst v0  }
0x20: {  	[tilespmem:s20+$0x2830] =	vst v0  }
0x21: {  	[tilespmem:s20+$0x2840] =	vst v0  }
0x22: {  	[tilespmem:s20+$0x2850] =	vst v0  }
0x23: {  	[tilespmem:s20+$0x2860] =	vst v0  }
0x24: {  	[spmem:s4] =	stream.linear.scatter [tilespmem:s16], [sflag:$0x2], $0x4000, $0x38;
	[tilespmem:$0x1A800] =	vst v63  }
0x25: {  	_ =	swait.ge [sflag:s17], $0x4000  }
0x26: {  	[sflag:s17] =	ssyncset.done $0x0  }
0x27: {  	[sflag:s17] =	ssyncadd.s32 $0xFFFFC000  }
0x28: {  	[spmem:s5] =	stream.linear.scatter [tilespmem:s16], [sflag:$0x2], $0x4000, $0x38;
	[tilespmem:$0x1A800] =	vst v63  }
0x29: {  	_ =	swait.ge [sflag:s17], $0x4000  }
0x2a: {  	[sflag:s17] =	ssyncset.done $0x0  }
0x2b: {  	[sflag:s17] =	ssyncadd.s32 $0xFFFFC000  }
0x2c: {  	[spmem:s6] =	stream.linear.scatter [tilespmem:s16], [sflag:$0x2], $0x4000, $0x38;
	[tilespmem:$0x1A800] =	vst v63  }
0x2d: {  	_ =	swait.ge [sflag:s17], $0x4000  }
0x2e: {  	[sflag:s17] =	ssyncset.done $0x0  }
0x2f: {  	[sflag:s17] =	ssyncadd.s32 $0xFFFFC000  }
0x30: {  	[spmem:s7] =	stream.linear.scatter [tilespmem:s16], [sflag:$0x2], $0x4000, $0x38;
	[tilespmem:$0x1A800] =	vst v63  }
0x31: {  	_ =	swait.ge [sflag:s17], $0x4000  }
0x32: {  	[sflag:s17] =	ssyncset.done $0x0  }
0x33: {  	[sflag:s17] =	ssyncadd.s32 $0xFFFFC000  }
0x34: {  	[spmem:s8] =	stream.linear.scatter [tilespmem:s16], [sflag:$0x2], $0x4000, $0x38;
	[tilespmem:$0x1A800] =	vst v63  }
0x35: {  	_ =	swait.ge [sflag:s17], $0x4000  }
0x36: {  	[sflag:s17] =	ssyncset.done $0x0  }
0x37: {  	s20 =	simm.s32 $0x0;
	s21 =	simm.s32 $0x200;
	[sflag:s17] =	ssyncadd.s32 $0xFFFFC000  }
.LBB2_4:
0x38: {  	p0 =	sne.s32 s21, $0xFE00;
	[tilespmem:s20+$0x2870] =	vst v1  }
0x39: {  	[tilespmem:s20+$0x2800] =	vst v1  }
0x3a: {  	[tilespmem:s20+$0x2810] =	vst v1  }
.Ltmp1:
0x3b: {  	[tilespmem:s20+$0x2820] =	vst v1;
	(pc) =	sbr.rel @p0 .LBB2_4-.Ltmp1, $4  }
0x3c: {  	[tilespmem:s20+$0x2830] =	vst v1  }
0x3d: {  	[tilespmem:s20+$0x2840] =	vst v1  }
0x3e: {  	[tilespmem:s20+$0x2850] =	vst v1  }
0x3f: {  	[tilespmem:s20+$0x2860] =	vst v1;
	s20 =	sshra.s32 s21, $0x2;
	s21 =	sadd.s32 $0x200, s21  }
0x40: {  	[tilespmem:s20+$0x2870] =	vst v1  }
0x41: {  	[tilespmem:s20+$0x2800] =	vst v1  }
0x42: {  	[tilespmem:s20+$0x2810] =	vst v1  }
0x43: {  	[tilespmem:s20+$0x2820] =	vst v1  }
0x44: {  	[tilespmem:s20+$0x2830] =	vst v1  }
0x45: {  	[tilespmem:s20+$0x2840] =	vst v1  }
0x46: {  	[tilespmem:s20+$0x2850] =	vst v1  }
0x47: {  	[tilespmem:s20+$0x2860] =	vst v1;
	s30 =	simm.s32 $0x0  }
0x48: {  	[tilespmem:s30], [sflag:$0x2] =	stream.linear.gather [hbm4b:s9+s30], $0x2800, $0x38;
	[tilespmem:$0x1A800] =	vst v63  }
0x49: {  	_ =	swait.ge [sflag:s17], $0x2800  }
0x4a: {  	[sflag:s17] =	ssyncset.done $0x0  }
0x4b: {  	[sflag:s17] =	ssyncadd.s32 $0xFFFFD800  }
0x4c: {  	s31 =	simm.s32 $0x0;
	[bflag:$0x0] =	sbarrier.arrive $0xFFFF  }
0x4d: {  	[spmem:s2] =	stream.indirect.scatter.add.f32 [tilespmem:s16], [sflag:$0x2], $0x80, s31, s18, $0xb8;
	[tilespmem:$0x1A800] =	vst v63  }
0x4e: {  	_ =	swait.ge [sflag:s17], $0x4000  }
0x4f: {  	s20 =	simm.s32 $0x200;
	[sflag:s17] =	ssyncset.done $0x0  }
.LBB2_6:
0x50: {  	s21 =	sshra.s32 s20, $0x2;
	[sflag:s17] =	ssyncadd.s32 $0xFFFFC000;
	p0 =	sne.s32 s20, $0x9E00  }
0x51: {  	[spmem:s2] =	stream.indirect.scatter.add.f32 [tilespmem:s16], [sflag:$0x2], $0x80, s21, s18, $0xb8;
	[tilespmem:$0x1A800] =	vst v63  }
.Ltmp2:
0x52: {  	_ = 	snop;
	(pc) =	sbr.rel @p0 .LBB2_6-.Ltmp2, $4  }
0x53: {  	_ = 	snop  }
0x54: {  	s20 =	sadd.s32 $0x200, s20  }
0x55: {  	_ =	swait.ge [sflag:s17], $0x4000  }
0x56: {  	[sflag:s17] =	ssyncset.done $0x0  }
0x57: {  	[sflag:s17] =	ssyncadd.s32 $0xFFFFC000;
	s20 =	sshll.u32 s0, $0x6;
	s21 =	sshrl.u32 s4, $0x3  }
0x58: {  	s28 =	sshrl.u32 s5, $0x3;
	s29 =	sshrl.u32 s6, $0x3;
	s30 =	sshrl.u32 s7, $0x3  }
0x59: {  	s31 =	sshrl.u32 s8, $0x3;
	[bflag:$0x0] =	sbarrier.arrive $0xFFFF;
	s20 =	sor.u32 $0x1C01, s20  }
0x5a: {  	[hbm:s10], [sflag:s20] =	dma.local [spmem:s21], $0x800  }
0x5b: {  	[hbm:s11], [sflag:s20] =	dma.local [spmem:s28], $0x800  }
0x5c: {  	[hbm:s12], [sflag:s20] =	dma.local [spmem:s29], $0x800  }
0x5d: {  	[hbm:s13], [sflag:s20] =	dma.local [spmem:s30], $0x800  }
0x5e: {  	[hbm:s14], [sflag:s20] =	dma.local [spmem:s31], $0x800  }
0x5f: {  	_ =	swait.ge [sflag:s19], $0x800  }
0x60: {  	[sflag:s19] =	ssyncset.done $0x0  }
0x61: {  	[sflag:s19] =	ssyncadd.s32 $0xFFFFF800  }
0x62: {  	_ =	swait.ge [sflag:s19], $0x800  }
0x63: {  	[sflag:s19] =	ssyncset.done $0x0  }
0x64: {  	[sflag:s19] =	ssyncadd.s32 $0xFFFFF800  }
0x65: {  	_ =	swait.ge [sflag:s19], $0x800  }
0x66: {  	[sflag:s19] =	ssyncset.done $0x0  }
0x67: {  	s3 =	sadd.s32 $0x1, s3;
	[sflag:s19] =	ssyncadd.s32 $0xFFFFF800  }
0x68: {  	p0 =	sne.s32 s3, s15;
	_ =	swait.ge [sflag:s19], $0x800  }
.Ltmp3:
0x69: {  	[sflag:s19] =	ssyncset.done $0x0;
	(pc) =	sbr.rel @p0 .LBB2_1-.Ltmp3, $4  }
0x6a: {  	[sflag:s19] =	ssyncadd.s32 $0xFFFFF800  }
0x6b: {  	_ =	swait.ge [sflag:s19], $0x800  }
0x6c: {  	[sflag:s19] =	ssyncset.done $0x0  }
0x6d: {  	[sflag:s19] =	ssyncadd.s32 $0xFFFFF800  }
0x6e: {  	_ =	sfence.sel $0x180000  }
0x6f: {  	[bflag:$0x0] =	sbarrier.arrive $0xFFFF  }
0x70: {  	p0 =	sne.s32 s0, $0x0;
	_ =	strace $0x90000047  }
0x71: {  	s0 =	sadd.s32 @!p0 $0x100000, s1;
	[bflag:$0x2] =	sbarrier.arrive $0xFFFF  }
0x72: {  	[sflag:s0] =	ssyncadd.tile.s32 @!p0 $0x1;
	_ =	shalt  }
.Lfunc_end2:
_tile_overlayer_lowered:
.L_overlay_start_2:
0x73: {  	(tag) =	ssettag $0x2  }
0x74: {  	s0 =	rddreg [dreg:$0x0];
	s2 =	stileid.u32  }
0x75: {  	s1 =	rddreg [dreg:$0x1];
	p0 =	sne.s32 s2, $0x0  }
0x76: {  	s3 =	rddreg [dreg:$0x2];
	[bflag:$0x3] =	sbarrier.arrive $0xFFFF;
	s2 =	simm.s32 @!p0 $0x1C02  }
0x77: {  	[timem:s3], [sflag:s2] =	dma.local @!p0 [hbm:s0], s1  }
0x78: {  	s0 =	simm.s32 @!p0 $0x2  }
0x79: {  	_ =	swait.ge @!p0 [sflag:s0], s1  }
0x7a: {  	s1 =	ssub.s32 @!p0 $0x0, s1;
	[sflag:s0] =	ssyncset.done @!p0 $0x0  }
0x7b: {  	[sflag:s0] =	ssyncadd.s32 @!p0 s1  }
0x7c: {  	[bflag:$0x3] =	sbarrier.arrive $0xFFFF  }
0x7d: {  	_ =	shalt  }

// kernel: kernel.13.cloned.1.call-start
scs
__scs_entry_jumppad:
0x0: {  	(pc) =	sbr.rel $0x88, $3  }
0x1: {  	(tag) =	ssettag $0x0;
	lr =	simm.s32 $0x1  }
0x2: {  	[smem:$0x3F92] =	sst lr;
	_ =	strace $0xD0000000  }
0x3: {  	_ = 	snop  }
0x4: {  	_ = 	snop  }
0x5: {  	_ = 	snop  }
0x6: {  	_ = 	snop  }
0x7: {  	_ = 	snop  }
__scs_overlays_trampoline_lowered:
0x8: {  	[smem:$0x3FA1] =	sst s0  }
0x9: {  	[smem:$0x3FA2] =	sst s1  }
0xa: {  	[smem:$0x3FA3] =	sst s2  }
0xb: {  	[smem:$0x3FA4] =	sst s3  }
0xc: {  	[smem:$0x3FA5] =	sst s4  }
0xd: {  	[smem:$0x3FA6] =	sst s5  }
0xe: {  	[smem:$0x3FA7] =	sst s6  }
0xf: {  	[smem:$0x3FA8] =	sst s7  }
0x10: {  	[smem:$0x3FA9] =	sst s8  }
0x11: {  	[smem:$0x3FAA] =	sst s9;
	s0 =	simm.s32 @!p0 $0x0  }
0x12: {  	s1 =	sld [smem:$0x3F90];
	s0 =	simm.s32 @p0 $0x1  }
0x13: {  	[smem:$0x3FAB] =	sst s0;
	s0 =	simm.s32 @!p1 $0x0  }
0x14: {  	s2 =	sld [smem:$0x3F8F];
	s0 =	simm.s32 @p1 $0x1  }
0x15: {  	[smem:$0x3FAC] =	sst s0;
	s0 =	simm.s32 @!p2 $0x0  }
0x16: {  	s3 =	sld [smem:$0x3FDB];
	s0 =	simm.s32 @p2 $0x1  }
0x17: {  	s4 =	simm.s32 $0x1BF5;
	[smem:$0x3FAE] =	sst s0  }
0x18: {  	s0 =	sld [smem:$0x3F91];
	_ =	swait.ge [sflag:s4], $0x0  }
0x19: {  	s7 =	sld [smem:$0x3F92]  }
0x1a: {  	s8 =	sadd.s32 $0xFFFFE003, lr  }
0x1b: {  	s9 =	sadd.s32 $0xFFFFFEF7, lr;
	s5 =	simm.s32 $0xFFFFFFFF;
	p2 =	slt.u32 s8, $0xFFFFF086  }
0x1c: {  	p1 =	slt.u32 s9, $0xF7A;
	s5 =	simm.s32 @!p2 $0x0  }
0x1d: {  	s5 =	simm.s32 @p1 $0x1;
	p0 =	seq.s32 s7, s2  }
0x1e: {  	s7 =	smul.u32 @!p0 $0xF7A, s2;
	p2 =	seq.s32 @!p0 s5, $0x0  }
0x1f: {  	s9 =	smul.u32 $0xF7A, s1;
	s8 =	simm.s32 @!p0 $0x1BF5;
	p2 =	por !p2, p0  }
0x20: {  	[sflag:s8] =	ssyncset.s32 @!p0 $0xFFFFF086;
	s6 =	sadd.s32 @!p0 s3, s7;
	s7 =	simm.s32 @!p0 $0x108  }
0x21: {  	s3 =	sadd.s32 s3, s9;
	s6 =	sadd.s32 @!p0 $0x88, s6;
	s7 =	simm.s32 @p2 $0x1082  }
0x22: {  	[simem:s7], [sflag:s8] =	dma.local @!p0 [hbm:s6], $0xF7A  }
0x23: {  	s9 =	sor.u32 $0xD0000000, s2;
	s6 =	simm.s32 $0x108;
	_ =	swait.ge @!p0 [sflag:s8], $0x0  }
0x24: {  	s3 =	sadd.s32 $0x88, s3;
	s6 =	simm.s32 @!p1 $0x1082;
	[sflag:s4] =	ssyncset.s32 $0xFFFFF086  }
0x25: {  	[simem:s6], [sflag:s4] =	dma.local [hbm:s3], $0xF7A  }
0x26: {  	[smem:$0x3F92] =	sst s1;
	(tag) =	ssettag s2;
	_ =	strace s9  }
0x27: {  	s1 =	sld [smem:$0x3FA2]  }
0x28: {  	s2 =	sld [smem:$0x3FA3]  }
0x29: {  	s4 =	sld [smem:$0x3FA5]  }
0x2a: {  	p0 =	seq.s32 s5, $0x0;
	s5 =	sld [smem:$0x3FA6]  }
0x2b: {  	s6 =	sld [smem:$0x3FA7]  }
0x2c: {  	s7 =	sld [smem:$0x3FA8]  }
0x2d: {  	s3 =	simm.s32 $0x108;
	s8 =	sld [smem:$0x3FA9]  }
0x2e: {  	s3 =	simm.s32 @!p0 $0x1082;
	s9 =	sld [smem:$0x3FAA]  }
0x2f: {  	lr =	sadd.s32 s0, s3;
	s0 =	sld [smem:$0x3FA1]  }
0x30: {  	s3 =	sld [smem:$0x3FA4]  }
0x31: {  	[smem:$0x3FAD] =	sst s10  }
0x32: {  	s10 =	sld [smem:$0x3FAB];
	_ =	sdelay $0x3  }
0x33: {  	p0 =	seq.s32 s10, $0x1;
	s10 =	sld [smem:$0x3FAD];
	_ =	sdelay $0x3  }
0x34: {  	[smem:$0x3FAD] =	sst s10  }
0x35: {  	s10 =	sld [smem:$0x3FAC];
	_ =	sdelay $0x3  }
0x36: {  	p1 =	seq.s32 s10, $0x1;
	s10 =	sld [smem:$0x3FAD];
	_ =	sdelay $0x3  }
0x37: {  	[smem:$0x3FAD] =	sst s10  }
0x38: {  	s10 =	sld [smem:$0x3FAE]  }
0x39: {  	_ = 	snop;
	(pc) =	sbr.ind lr, $3  }
0x3a: {  	_ = 	snop  }
0x3b: {  	_ = 	snop  }
0x3c: {  	p2 =	seq.s32 s10, $0x1;
	s10 =	sld [smem:$0x3FAD]  }
0x3d: {  	_ =	shalt  }
0x3e: {  	_ =	shalt  }
0x3f: {  	_ =	shalt  }
0x40: {  	_ =	shalt  }
0x41: {  	_ =	shalt  }
0x42: {  	_ =	shalt  }
0x43: {  	_ =	shalt  }
0x44: {  	_ =	shalt  }
0x45: {  	_ =	shalt  }
0x46: {  	_ =	shalt  }
0x47: {  	_ =	shalt  }
0x48: {  	_ =	shalt  }
0x49: {  	_ =	shalt  }
0x4a: {  	_ =	shalt  }
0x4b: {  	_ =	shalt  }
0x4c: {  	_ =	shalt  }
0x4d: {  	_ =	shalt  }
0x4e: {  	_ =	shalt  }
0x4f: {  	_ =	shalt  }
0x50: {  	_ =	shalt  }
0x51: {  	_ =	shalt  }
0x52: {  	_ =	shalt  }
0x53: {  	_ =	shalt  }
0x54: {  	_ =	shalt  }
0x55: {  	_ =	shalt  }
0x56: {  	_ =	shalt  }
0x57: {  	_ =	shalt  }
0x58: {  	_ =	shalt  }
0x59: {  	_ =	shalt  }
0x5a: {  	_ =	shalt  }
0x5b: {  	_ =	shalt  }
0x5c: {  	_ =	shalt  }
0x5d: {  	_ =	shalt  }
0x5e: {  	_ =	shalt  }
0x5f: {  	_ =	shalt  }
0x60: {  	_ =	shalt  }
0x61: {  	_ =	shalt  }
0x62: {  	_ =	shalt  }
0x63: {  	_ =	shalt  }
0x64: {  	_ =	shalt  }
0x65: {  	_ =	shalt  }
0x66: {  	_ =	shalt  }
0x67: {  	_ =	shalt  }
0x68: {  	_ =	shalt  }
0x69: {  	_ =	shalt  }
0x6a: {  	_ =	shalt  }
0x6b: {  	_ =	shalt  }
0x6c: {  	_ =	shalt  }
0x6d: {  	_ =	shalt  }
0x6e: {  	_ =	shalt  }
0x6f: {  	_ =	shalt  }
0x70: {  	_ =	shalt  }
0x71: {  	_ =	shalt  }
0x72: {  	_ =	shalt  }
0x73: {  	_ =	shalt  }
0x74: {  	_ =	shalt  }
0x75: {  	_ =	shalt  }
0x76: {  	_ =	shalt  }
0x77: {  	_ =	shalt  }
0x78: {  	_ =	shalt  }
0x79: {  	_ =	shalt  }
0x7a: {  	_ =	shalt  }
0x7b: {  	_ =	shalt  }
0x7c: {  	_ =	shalt  }
0x7d: {  	_ =	shalt  }
0x7e: {  	_ =	shalt  }
0x7f: {  	_ =	shalt  }
0x80: {  	_ =	shalt  }
0x81: {  	_ =	shalt  }
0x82: {  	_ =	shalt  }
0x83: {  	_ =	shalt  }
0x84: {  	_ =	shalt  }
0x85: {  	_ =	shalt  }
0x86: {  	_ =	shalt  }
0x87: {  	_ =	shalt  }
.Lfunc_end0:
.L_simem_size_0:
called_computation.1_lowered:
.L_overlay_start_0:
0x88: {  	s2 =	sld [smem:$0x3FD9]  }
0x89: {  	s3 =	sld [smem:$0x3FFE];
	_ =	sdelay $0x1  }
0x8a: {  	s1 =	srdreg.scid  }
0x8b: {  	s0 =	sand.u32 $0x1, s1  }
0x8c: {  	s16 =	sshll.u32 s0, $0xA;
	s2 =	sadd.s32 s3, s2  }
0x8d: {  	s2 =	sadd.s32 s2, s16  }
0x8e: {  	[smem:$0x3FB9] =	sst s2  }
0x8f: {  	_ = 	snop  }
0x90: {  	(tm) =	ssettm $0x1  }
0x91: {  	s17 =	sld [smem:$0x3FFB];
	_ =	sdelay $0x3  }
0x92: {  	_ =	strace s17  }
0x93: {  	s2 =	sld [smem:$0x3FFC];
	_ =	sdelay $0x3  }
0x94: {  	_ =	strace s2  }
0x95: {  	s2 =	sld [smem:$0x3FFD];
	_ =	sdelay $0x3  }
0x96: {  	_ =	strace s2  }
0x97: {  	_ =	strace $0x8FFFFFFF  }
0x98: {  	s18 =	sld [smem:$0x3FDB];
	_ =	sdelay $0x1  }
0x99: {  	s19 =	simm.s32 $_scs_section_size  }
0x9a: {  	s4 =	simm.s32 $_size__tile_overlayer_lowered;
	s5 =	simm.s32 $_tile_overlayer_lowered  }
0x9b: {  	s22 =	simm.s32 $0x1BFF;
	s21 =	sshll.u32 s5, $0x1;
	s2 =	sadd.s32 s19, s18  }
0x9c: {  	s6 =	simm.s32 $0x0;
	s20 =	sshll.u32 s4, $0x1;
	s4 =	sadd.s32 s21, s2  }
0x9d: {  	[timem:s6], [sflag:s22] =	dma.local [hbm:s4], s20  }
0x9e: {  	_ =	swait.ge [sflag:s22], s20  }
0x9f: {  	s3 =	ssub.s32 $0x0, s20;
	[sflag:s22] =	ssyncset.done $0x0  }
0xa0: {  	[sflag:s22] =	ssyncadd.s32 s3;
	_ =	sdelay $0x1  }
0xa1: {  	s23 =	simm.s32 $0x1B8B  }
0xa2: {  	_ =	swait.ge [sflag:s23], $0x1  }
0xa3: {  	[sflag:s23] =	ssyncset.done $0x0  }
0xa4: {  	s25 =	simm.s32 $0x1B8E;
	s24 =	sld [smem:$0x3FFE];
	[sflag:s23] =	ssyncadd.s32 $0xFFFFFFFF  }
0xa5: {  	s26 =	simm.s32 $execute0_lowered;
	[smem:$0x3FD2] =	sst s25  }
0xa6: {  	s4 =	sshll.u32 s26, $0x1;
	_ =	strace $0x80000049;
	[dreg:$0x1] =	wrdreg $0xFFFFFFFF  }
0xa7: {  	s28 =	simm.s32 $_size_execute0_lowered;
	s2 =	sadd.s32 s2, s4;
	[dreg:$0x0] =	wrdreg $0x0  }
0xa8: {  	s4 =	sshll.u32 s28, $0x1;
	[dreg:$0x2] =	wrdreg s2  }
0xa9: {  	[dreg:$0x3] =	wrdreg s4  }
0xaa: {  	[dreg:$0x4] =	wrdreg $0xC0  }
0xab: {  	_ =	task [dreg:s6], $0x5FFFF  }
0xac: {  	[dreg:$0x1] =	wrdreg $0xFFFFFFFF  }
0xad: {  	[dreg:$0x0] =	wrdreg $0x60  }
0xae: {  	[dreg:$0x2] =	wrdreg s24  }
0xaf: {  	[dreg:$0x3] =	wrdreg $0x90000  }
0xb0: {  	[dreg:$0x4] =	wrdreg $0x9  }
0xb1: {  	_ =	task.clear_ibuf [dreg:s6], $0x5FFFF;
	_ =	strace $0x90000049  }
0xb2: {  	s29 =	simm.s32 $0x9;
	_ =	strace $0x8000004B  }
0xb3: {  	_ =	swait.ge [sflag:s29], $0x1  }
0xb4: {  	[sflag:s29] =	ssyncadd.s32 $0xFFFFFFFF  }
0xb5: {  	_ =	strace $0x9000004B  }
0xb6: {  	_ =	sfence  }
0xb7: {  	s30 =	sld [smem:$0x0];
	_ =	sdelay $0x2  }
0xb8: {  	s31 =	sshll.u32 s1, $0xD;
	s1 =	sshrl.u32 s1, $0x2  }
0xb9: {  	s3 =	sand.u32 $0x4000, s31;
	s1 =	sadd.s32 s1, s30  }
0xba: {  	s0 =	sor.u32 s3, s0;
	s1 =	sshll.u32 s1, $0x11  }
0xbb: {  	s0 =	sor.u32 s1, s0  }
0xbc: {  	s0 =	sadd.s32 $0x8F2B, s0  }
0xbd: {  	[sflag:s0] =	ssyncadd.remote.s32 $0x1  }
0xbe: {  	_ =	sfence.sel $0xFFFF  }
0xbf: {  	[dreg:$0x0] =	wrdreg $0xFFFFFFFF;
	(pc) =	sbr.abs _section_cstart, $3  }
0xc0: {  	[dreg:$0x1] =	wrdreg $0xFFFFFFFF  }
0xc1: {  	_ =	task.clear_ibuf [dreg:s6], $0x2FFFF;
	_ =	strace $0x9FFFFFFF  }
0xc2: {  	(tm) =	ssettm $0x7FFFFFFF  }
0xc3: {  	_ =	shalt  }
tec
execute0_lowered:
.L_overlay_start_1:
0x0: {  	(tag) =	ssettag $0x1  }
0x1: {  	s1 =	srdreg.scid  }
0x2: {  	s0 =	stileid.u32;
	s5 =	rddreg [dreg:$0x0]  }
0x3: {  	s2 =	rddreg [dreg:$0x1];
	s3 =	simm.s32 $0x0;
	s21 =	simm.s32 $0x80  }
0x4: {  	s22 =	simm.s32 $0x1;
	s7 =	sand.u32 $0x1, s1;
	s1 =	rddreg [dreg:$0x2]  }
0x5: {  	s29 =	sshll.u32 s0, $0x1;
	[smem:$0x7FF] =	sst s3;
	s8 =	smul.u32 $0x50000, s0  }
0x6: {  	s10 =	smul.u32 $0x14000, s0;
	s16 =	sadd.s32 $0x68200, s5;
	s4 =	sor.u32 s7, s29  }
0x7: {  	_ =	strace $0x8000004A;
	s30 =	ssub.s32 $0x2, s7;
	s18 =	smul.u32 $0x140000, s7  }
0x8: {  	s6 =	smul.u32 $0x500, s4;
	s4 =	sadd.s32 $0x19E00, s5;
	s31 =	sshrl.u32 s30, $0x1  }
0x9: {  	s8 =	sshrl.u32 s8, $0x2;
	s12 =	sadd.s32 $0x4000, s10;
	s14 =	sadd.s32 $0x8000, s10  }
0xa: {  	s15 =	sadd.s32 $0xC000, s10;
	s19 =	sadd.s32 $0x10000, s10;
	s17 =	ssub.s32 s30, s31  }
0xb: {  	s7 =	sadd.s32 s14, s2;
	s9 =	sadd.s32 s19, s2;
	s13 =	sadd.s32 s10, s18  }
0xc: {  	s14 =	sadd.s32 s18, s14;
	s11 =	sadd.s32 s6, s5;
	s5 =	sadd.s32 s8, s2  }
0xd: {  	s6 =	sadd.s32 s12, s2;
	s8 =	sadd.s32 s15, s2;
	s12 =	sadd.s32 s18, s12  }
0xe: {  	s13 =	sshrl.u32 s13, $0x3;
	s15 =	sadd.s32 s18, s15;
	s18 =	sadd.s32 s18, s19  }
0xf: {  	s14 =	sshrl.u32 s14, $0x3;
	s17 =	smax.u32 s17, $0x1;
	s19 =	simm.s32 $0x2  }
0x10: {  	s10 =	sadd.s32 $0xFE00, s11;
	s20 =	sshrl.u32 s12, $0x3;
	s11 =	sadd.s32 $0x5E00, s11  }
0x11: {  	s12 =	sadd.s32 s16, s13;
	s15 =	sshrl.u32 s15, $0x3;
	s18 =	sshrl.u32 s18, $0x3  }
0x12: {  	s14 =	sadd.s32 s16, s14;
	s13 =	sadd.s32 s16, s20;
	s15 =	sadd.s32 s16, s15  }
0x13: {  	v0 =	vimm.f32 $0.0e+00;
	s16 =	sadd.s32 s16, s18;
	s18 =	simm.s32 $0x5000;
	s20 =	simm.s32 $0x2800  }
.LBB2_1:
0x14: {  	s23 =	simm.s32 $0x0;
	s24 =	simm.s32 $0x200  }
.LBB2_2:
0x15: {  	p0 =	sne.s32 s24, $0xFE00;
	[tilespmem:s23+$0x5070] =	vst v0  }
0x16: {  	[tilespmem:s23+$0x5000] =	vst v0  }
0x17: {  	[tilespmem:s23+$0x5010] =	vst v0  }
.Ltmp0:
0x18: {  	[tilespmem:s23+$0x5020] =	vst v0;
	(pc) =	sbr.rel @p0 .LBB2_2-.Ltmp0, $4  }
0x19: {  	[tilespmem:s23+$0x5030] =	vst v0  }
0x1a: {  	[tilespmem:s23+$0x5040] =	vst v0  }
0x1b: {  	[tilespmem:s23+$0x5050] =	vst v0  }
0x1c: {  	[tilespmem:s23+$0x5060] =	vst v0;
	s23 =	sshra.s32 s24, $0x2;
	s24 =	sadd.s32 $0x200, s24  }
0x1d: {  	[tilespmem:s23+$0x5070] =	vst v0  }
0x1e: {  	[tilespmem:s23+$0x5000] =	vst v0  }
0x1f: {  	[tilespmem:s23+$0x5010] =	vst v0  }
0x20: {  	[tilespmem:s23+$0x5020] =	vst v0  }
0x21: {  	[tilespmem:s23+$0x5030] =	vst v0  }
0x22: {  	[tilespmem:s23+$0x5040] =	vst v0  }
0x23: {  	[tilespmem:s23+$0x5050] =	vst v0  }
0x24: {  	[tilespmem:s23+$0x5060] =	vst v0  }
0x25: {  	[spmem:s5] =	stream.linear.scatter [tilespmem:s18], [sflag:$0x2], $0x4000, $0x38;
	[tilespmem:$0x1D000] =	vst v63  }
0x26: {  	_ =	swait.ge [sflag:s19], $0x4000  }
0x27: {  	[sflag:s19] =	ssyncset.done $0x0  }
0x28: {  	[sflag:s19] =	ssyncadd.s32 $0xFFFFC000  }
0x29: {  	[spmem:s6] =	stream.linear.scatter [tilespmem:s18], [sflag:$0x2], $0x4000, $0x38;
	[tilespmem:$0x1D000] =	vst v63  }
0x2a: {  	_ =	swait.ge [sflag:s19], $0x4000  }
0x2b: {  	[sflag:s19] =	ssyncset.done $0x0  }
0x2c: {  	[sflag:s19] =	ssyncadd.s32 $0xFFFFC000  }
0x2d: {  	[spmem:s7] =	stream.linear.scatter [tilespmem:s18], [sflag:$0x2], $0x4000, $0x38;
	[tilespmem:$0x1D000] =	vst v63  }
0x2e: {  	_ =	swait.ge [sflag:s19], $0x4000  }
0x2f: {  	[sflag:s19] =	ssyncset.done $0x0  }
0x30: {  	[sflag:s19] =	ssyncadd.s32 $0xFFFFC000  }
0x31: {  	[spmem:s8] =	stream.linear.scatter [tilespmem:s18], [sflag:$0x2], $0x4000, $0x38;
	[tilespmem:$0x1D000] =	vst v63  }
0x32: {  	_ =	swait.ge [sflag:s19], $0x4000  }
0x33: {  	[sflag:s19] =	ssyncset.done $0x0  }
0x34: {  	[sflag:s19] =	ssyncadd.s32 $0xFFFFC000  }
0x35: {  	[spmem:s9] =	stream.linear.scatter [tilespmem:s18], [sflag:$0x2], $0x4000, $0x38;
	[tilespmem:$0x1D000] =	vst v63  }
0x36: {  	_ =	swait.ge [sflag:s19], $0x4000  }
0x37: {  	[sflag:s19] =	ssyncset.done $0x0  }
0x38: {  	s29 =	simm.s32 $0x0;
	[sflag:s19] =	ssyncadd.s32 $0xFFFFC000  }
0x39: {  	[tilespmem:s29], [sflag:$0x2] =	stream.linear.gather [hbm4b:s10+s29], $0x2800, $0x38;
	[tilespmem:$0x1D000] =	vst v63  }
0x3a: {  	_ =	swait.ge [sflag:s19], $0x2800  }
0x3b: {  	[sflag:s19] =	ssyncset.done $0x0  }
0x3c: {  	[sflag:s19] =	ssyncadd.s32 $0xFFFFD800  }
0x3d: {  	[tilespmem:s20], [sflag:$0x2] =	stream.linear.gather [hbm4b:s11+s29], $0x2800, $0x38;
	[tilespmem:$0x1D000] =	vst v63  }
0x3e: {  	_ =	swait.ge [sflag:s19], $0x2800  }
0x3f: {  	[sflag:s19] =	ssyncset.done $0x0  }
0x40: {  	[sflag:s19] =	ssyncadd.s32 $0xFFFFD800  }
0x41: {  	s30 =	simm.s32 $0x0;
	[bflag:$0x0] =	sbarrier.arrive $0xFFFF  }
0x42: {  	[tilespmem:s18], [sflag:$0x1] =	stream.indirect.gather [hbm4b:s4+s21], $0x80, s30, s21, $0xb8;
	[tilespmem:$0x1D000] =	vst v63  }
0x43: {  	_ =	swait.ge [sflag:s22], $0x4000  }
0x44: {  	[sflag:s22] =	ssyncset.done $0x0  }
0x45: {  	s31 =	simm.s32 $0x2800;
	[sflag:s22] =	ssyncadd.s32 $0xFFFFC000  }
0x46: {  	[spmem:s2] =	stream.indirect.scatter.add.f32 [tilespmem:s18], [sflag:$0x2], $0x80, s31, s21, $0xb8;
	[tilespmem:$0x1D000] =	vst v63  }
0x47: {  	_ =	swait.ge [sflag:s19], $0x4000  }
0x48: {  	s23 =	simm.s32 $0x200;
	s24 =	simm.s32 $0x400;
	[sflag:s19] =	ssyncset.done $0x0  }
.LBB2_4:
0x49: {  	s25 =	sshra.s32 s23, $0x2  }
0x4a: {  	[sflag:s19] =	ssyncadd.s32 $0xFFFFC000;
	s23 =	smov.u32 s24;
	s26 =	sadd.s32 $0x200, s24  }
0x4b: {  	[tilespmem:s18], [sflag:$0x1] =	stream.indirect.gather [hbm4b:s4+s21], $0x80, s25, s21, $0xb8;
	[tilespmem:$0x1D000] =	vst v63  }
0x4c: {  	p0 =	sne.s32 s24, $0x9E00;
	_ =	swait.ge [sflag:s22], $0x4000  }
.Ltmp1:
0x4d: {  	[sflag:s22] =	ssyncset.done $0x0;
	(pc) =	sbr.rel @p0 .LBB2_4-.Ltmp1, $4  }
0x4e: {  	s24 =	sadd.s32 $0x2800, s25;
	[sflag:s22] =	ssyncadd.s32 $0xFFFFC000  }
0x4f: {  	[spmem:s2] =	stream.indirect.scatter.add.f32 [tilespmem:s18], [sflag:$0x2], $0x80, s24, s21, $0xb8;
	[tilespmem:$0x1D000] =	vst v63  }
0x50: {  	_ =	swait.ge [sflag:s19], $0x4000  }
0x51: {  	s24 =	smov.u32 s26;
	[sflag:s19] =	ssyncset.done $0x0  }
0x52: {  	s23 =	sshra.s32 s23, $0x2;
	[sflag:s19] =	ssyncadd.s32 $0xFFFFC000  }
0x53: {  	[tilespmem:s18], [sflag:$0x1] =	stream.indirect.gather [hbm4b:s4+s21], $0x80, s23, s21, $0xb8;
	[tilespmem:$0x1D000] =	vst v63  }
0x54: {  	_ =	swait.ge [sflag:s22], $0x4000  }
0x55: {  	[sflag:s22] =	ssyncset.done $0x0  }
0x56: {  	s23 =	sadd.s32 $0x2800, s23;
	[sflag:s22] =	ssyncadd.s32 $0xFFFFC000  }
0x57: {  	[spmem:s2] =	stream.indirect.scatter.add.f32 [tilespmem:s18], [sflag:$0x2], $0x80, s23, s21, $0xb8;
	[tilespmem:$0x1D000] =	vst v63  }
0x58: {  	s26 =	sshll.u32 s0, $0x6;
	_ =	swait.ge [sflag:s19], $0x4000  }
0x59: {  	s24 =	sshrl.u32 s5, $0x3;
	s28 =	sshrl.u32 s6, $0x3;
	[sflag:s19] =	ssyncset.done $0x0  }
0x5a: {  	s29 =	sshrl.u32 s7, $0x3;
	s30 =	sshrl.u32 s8, $0x3;
	[sflag:s19] =	ssyncadd.s32 $0xFFFFC000  }
0x5b: {  	s31 =	sshrl.u32 s9, $0x3;
	s23 =	sor.u32 $0x1C01, s26;
	[bflag:$0x0] =	sbarrier.arrive $0xFFFF  }
0x5c: {  	[hbm:s12], [sflag:s23] =	dma.local [spmem:s24], $0x800  }
0x5d: {  	[hbm:s13], [sflag:s23] =	dma.local [spmem:s28], $0x800  }
0x5e: {  	[hbm:s14], [sflag:s23] =	dma.local [spmem:s29], $0x800  }
0x5f: {  	[hbm:s15], [sflag:s23] =	dma.local [spmem:s30], $0x800  }
0x60: {  	[hbm:s16], [sflag:s23] =	dma.local [spmem:s31], $0x800  }
0x61: {  	_ =	swait.ge [sflag:s22], $0x800  }
0x62: {  	[sflag:s22] =	ssyncset.done $0x0  }
0x63: {  	[sflag:s22] =	ssyncadd.s32 $0xFFFFF800  }
0x64: {  	_ =	swait.ge [sflag:s22], $0x800  }
0x65: {  	[sflag:s22] =	ssyncset.done $0x0  }
0x66: {  	[sflag:s22] =	ssyncadd.s32 $0xFFFFF800  }
0x67: {  	_ =	swait.ge [sflag:s22], $0x800  }
0x68: {  	[sflag:s22] =	ssyncset.done $0x0  }
0x69: {  	s3 =	sadd.s32 $0x1, s3;
	[sflag:s22] =	ssyncadd.s32 $0xFFFFF800  }
0x6a: {  	p0 =	sne.s32 s3, s17;
	_ =	swait.ge [sflag:s22], $0x800  }
.Ltmp2:
0x6b: {  	[sflag:s22] =	ssyncset.done $0x0;
	(pc) =	sbr.rel @p0 .LBB2_1-.Ltmp2, $4  }
0x6c: {  	[sflag:s22] =	ssyncadd.s32 $0xFFFFF800  }
0x6d: {  	_ =	swait.ge [sflag:s22], $0x800  }
0x6e: {  	[sflag:s22] =	ssyncset.done $0x0  }
0x6f: {  	[sflag:s22] =	ssyncadd.s32 $0xFFFFF800  }
0x70: {  	_ =	sfence.sel $0x180000  }
0x71: {  	[bflag:$0x0] =	sbarrier.arrive $0xFFFF  }
0x72: {  	p0 =	sne.s32 s0, $0x0;
	_ =	strace $0x9000004A  }
0x73: {  	s0 =	sadd.s32 @!p0 $0x100000, s1;
	[bflag:$0x2] =	sbarrier.arrive $0xFFFF  }
0x74: {  	[sflag:s0] =	ssyncadd.tile.s32 @!p0 $0x1;
	_ =	shalt  }
.Lfunc_end2:
_tile_overlayer_lowered:
.L_overlay_start_2:
0x75: {  	(tag) =	ssettag $0x2  }
0x76: {  	s0 =	rddreg [dreg:$0x0];
	s2 =	stileid.u32  }
0x77: {  	s1 =	rddreg [dreg:$0x1];
	p0 =	sne.s32 s2, $0x0  }
0x78: {  	s3 =	rddreg [dreg:$0x2];
	[bflag:$0x3] =	sbarrier.arrive $0xFFFF;
	s2 =	simm.s32 @!p0 $0x1C02  }
0x79: {  	[timem:s3], [sflag:s2] =	dma.local @!p0 [hbm:s0], s1  }
0x7a: {  	s0 =	simm.s32 @!p0 $0x2  }
0x7b: {  	_ =	swait.ge @!p0 [sflag:s0], s1  }
0x7c: {  	s1 =	ssub.s32 @!p0 $0x0, s1;
	[sflag:s0] =	ssyncset.done @!p0 $0x0  }
0x7d: {  	[sflag:s0] =	ssyncadd.s32 @!p0 s1  }
0x7e: {  	[bflag:$0x3] =	sbarrier.arrive $0xFFFF  }
0x7f: {  	_ =	shalt  }

// kernel: kernel.16.cloned.1.call-start
scs
__scs_entry_jumppad:
0x0: {  	(pc) =	sbr.rel $0x88, $3  }
0x1: {  	(tag) =	ssettag $0x0;
	lr =	simm.s32 $0x1  }
0x2: {  	[smem:$0x3F92] =	sst lr;
	_ =	strace $0xD0000000  }
0x3: {  	_ = 	snop  }
0x4: {  	_ = 	snop  }
0x5: {  	_ = 	snop  }
0x6: {  	_ = 	snop  }
0x7: {  	_ = 	snop  }
__scs_overlays_trampoline_lowered:
0x8: {  	[smem:$0x3FA1] =	sst s0  }
0x9: {  	[smem:$0x3FA2] =	sst s1  }
0xa: {  	[smem:$0x3FA3] =	sst s2  }
0xb: {  	[smem:$0x3FA4] =	sst s3  }
0xc: {  	[smem:$0x3FA5] =	sst s4  }
0xd: {  	[smem:$0x3FA6] =	sst s5  }
0xe: {  	[smem:$0x3FA7] =	sst s6  }
0xf: {  	[smem:$0x3FA8] =	sst s7  }
0x10: {  	[smem:$0x3FA9] =	sst s8  }
0x11: {  	[smem:$0x3FAA] =	sst s9;
	s0 =	simm.s32 @!p0 $0x0  }
0x12: {  	s1 =	sld [smem:$0x3F90];
	s0 =	simm.s32 @p0 $0x1  }
0x13: {  	[smem:$0x3FAB] =	sst s0;
	s0 =	simm.s32 @!p1 $0x0  }
0x14: {  	s2 =	sld [smem:$0x3F8F];
	s0 =	simm.s32 @p1 $0x1  }
0x15: {  	[smem:$0x3FAC] =	sst s0;
	s0 =	simm.s32 @!p2 $0x0  }
0x16: {  	s3 =	sld [smem:$0x3FDB];
	s0 =	simm.s32 @p2 $0x1  }
0x17: {  	s4 =	simm.s32 $0x1BF5;
	[smem:$0x3FAE] =	sst s0  }
0x18: {  	s0 =	sld [smem:$0x3F91];
	_ =	swait.ge [sflag:s4], $0x0  }
0x19: {  	s7 =	sld [smem:$0x3F92]  }
0x1a: {  	s8 =	sadd.s32 $0xFFFFE003, lr  }
0x1b: {  	s9 =	sadd.s32 $0xFFFFFEF7, lr;
	s5 =	simm.s32 $0xFFFFFFFF;
	p2 =	slt.u32 s8, $0xFFFFF086  }
0x1c: {  	p1 =	slt.u32 s9, $0xF7A;
	s5 =	simm.s32 @!p2 $0x0  }
0x1d: {  	s5 =	simm.s32 @p1 $0x1;
	p0 =	seq.s32 s7, s2  }
0x1e: {  	s7 =	smul.u32 @!p0 $0xF7A, s2;
	p2 =	seq.s32 @!p0 s5, $0x0  }
0x1f: {  	s9 =	smul.u32 $0xF7A, s1;
	s8 =	simm.s32 @!p0 $0x1BF5;
	p2 =	por !p2, p0  }
0x20: {  	[sflag:s8] =	ssyncset.s32 @!p0 $0xFFFFF086;
	s6 =	sadd.s32 @!p0 s3, s7;
	s7 =	simm.s32 @!p0 $0x108  }
0x21: {  	s3 =	sadd.s32 s3, s9;
	s6 =	sadd.s32 @!p0 $0x88, s6;
	s7 =	simm.s32 @p2 $0x1082  }
0x22: {  	[simem:s7], [sflag:s8] =	dma.local @!p0 [hbm:s6], $0xF7A  }
0x23: {  	s9 =	sor.u32 $0xD0000000, s2;
	s6 =	simm.s32 $0x108;
	_ =	swait.ge @!p0 [sflag:s8], $0x0  }
0x24: {  	s3 =	sadd.s32 $0x88, s3;
	s6 =	simm.s32 @!p1 $0x1082;
	[sflag:s4] =	ssyncset.s32 $0xFFFFF086  }
0x25: {  	[simem:s6], [sflag:s4] =	dma.local [hbm:s3], $0xF7A  }
0x26: {  	[smem:$0x3F92] =	sst s1;
	(tag) =	ssettag s2;
	_ =	strace s9  }
0x27: {  	s1 =	sld [smem:$0x3FA2]  }
0x28: {  	s2 =	sld [smem:$0x3FA3]  }
0x29: {  	s4 =	sld [smem:$0x3FA5]  }
0x2a: {  	p0 =	seq.s32 s5, $0x0;
	s5 =	sld [smem:$0x3FA6]  }
0x2b: {  	s6 =	sld [smem:$0x3FA7]  }
0x2c: {  	s7 =	sld [smem:$0x3FA8]  }
0x2d: {  	s3 =	simm.s32 $0x108;
	s8 =	sld [smem:$0x3FA9]  }
0x2e: {  	s3 =	simm.s32 @!p0 $0x1082;
	s9 =	sld [smem:$0x3FAA]  }
0x2f: {  	lr =	sadd.s32 s0, s3;
	s0 =	sld [smem:$0x3FA1]  }
0x30: {  	s3 =	sld [smem:$0x3FA4]  }
0x31: {  	[smem:$0x3FAD] =	sst s10  }
0x32: {  	s10 =	sld [smem:$0x3FAB];
	_ =	sdelay $0x3  }
0x33: {  	p0 =	seq.s32 s10, $0x1;
	s10 =	sld [smem:$0x3FAD];
	_ =	sdelay $0x3  }
0x34: {  	[smem:$0x3FAD] =	sst s10  }
0x35: {  	s10 =	sld [smem:$0x3FAC];
	_ =	sdelay $0x3  }
0x36: {  	p1 =	seq.s32 s10, $0x1;
	s10 =	sld [smem:$0x3FAD];
	_ =	sdelay $0x3  }
0x37: {  	[smem:$0x3FAD] =	sst s10  }
0x38: {  	s10 =	sld [smem:$0x3FAE]  }
0x39: {  	_ = 	snop;
	(pc) =	sbr.ind lr, $3  }
0x3a: {  	_ = 	snop  }
0x3b: {  	_ = 	snop  }
0x3c: {  	p2 =	seq.s32 s10, $0x1;
	s10 =	sld [smem:$0x3FAD]  }
0x3d: {  	_ =	shalt  }
0x3e: {  	_ =	shalt  }
0x3f: {  	_ =	shalt  }
0x40: {  	_ =	shalt  }
0x41: {  	_ =	shalt  }
0x42: {  	_ =	shalt  }
0x43: {  	_ =	shalt  }
0x44: {  	_ =	shalt  }
0x45: {  	_ =	shalt  }
0x46: {  	_ =	shalt  }
0x47: {  	_ =	shalt  }
0x48: {  	_ =	shalt  }
0x49: {  	_ =	shalt  }
0x4a: {  	_ =	shalt  }
0x4b: {  	_ =	shalt  }
0x4c: {  	_ =	shalt  }
0x4d: {  	_ =	shalt  }
0x4e: {  	_ =	shalt  }
0x4f: {  	_ =	shalt  }
0x50: {  	_ =	shalt  }
0x51: {  	_ =	shalt  }
0x52: {  	_ =	shalt  }
0x53: {  	_ =	shalt  }
0x54: {  	_ =	shalt  }
0x55: {  	_ =	shalt  }
0x56: {  	_ =	shalt  }
0x57: {  	_ =	shalt  }
0x58: {  	_ =	shalt  }
0x59: {  	_ =	shalt  }
0x5a: {  	_ =	shalt  }
0x5b: {  	_ =	shalt  }
0x5c: {  	_ =	shalt  }
0x5d: {  	_ =	shalt  }
0x5e: {  	_ =	shalt  }
0x5f: {  	_ =	shalt  }
0x60: {  	_ =	shalt  }
0x61: {  	_ =	shalt  }
0x62: {  	_ =	shalt  }
0x63: {  	_ =	shalt  }
0x64: {  	_ =	shalt  }
0x65: {  	_ =	shalt  }
0x66: {  	_ =	shalt  }
0x67: {  	_ =	shalt  }
0x68: {  	_ =	shalt  }
0x69: {  	_ =	shalt  }
0x6a: {  	_ =	shalt  }
0x6b: {  	_ =	shalt  }
0x6c: {  	_ =	shalt  }
0x6d: {  	_ =	shalt  }
0x6e: {  	_ =	shalt  }
0x6f: {  	_ =	shalt  }
0x70: {  	_ =	shalt  }
0x71: {  	_ =	shalt  }
0x72: {  	_ =	shalt  }
0x73: {  	_ =	shalt  }
0x74: {  	_ =	shalt  }
0x75: {  	_ =	shalt  }
0x76: {  	_ =	shalt  }
0x77: {  	_ =	shalt  }
0x78: {  	_ =	shalt  }
0x79: {  	_ =	shalt  }
0x7a: {  	_ =	shalt  }
0x7b: {  	_ =	shalt  }
0x7c: {  	_ =	shalt  }
0x7d: {  	_ =	shalt  }
0x7e: {  	_ =	shalt  }
0x7f: {  	_ =	shalt  }
0x80: {  	_ =	shalt  }
0x81: {  	_ =	shalt  }
0x82: {  	_ =	shalt  }
0x83: {  	_ =	shalt  }
0x84: {  	_ =	shalt  }
0x85: {  	_ =	shalt  }
0x86: {  	_ =	shalt  }
0x87: {  	_ =	shalt  }
.Lfunc_end0:
.L_simem_size_0:
called_computation.2_lowered:
.L_overlay_start_0:
0x88: {  	s2 =	sld [smem:$0x3FD9]  }
0x89: {  	s3 =	sld [smem:$0x3FFE];
	_ =	sdelay $0x1  }
0x8a: {  	s1 =	srdreg.scid  }
0x8b: {  	s0 =	sand.u32 $0x1, s1  }
0x8c: {  	s16 =	sshll.u32 s0, $0xA;
	s2 =	sadd.s32 s3, s2  }
0x8d: {  	s2 =	sadd.s32 s2, s16  }
0x8e: {  	[smem:$0x3FB9] =	sst s2  }
0x8f: {  	_ = 	snop  }
0x90: {  	(tm) =	ssettm $0x1  }
0x91: {  	s17 =	sld [smem:$0x3FFB];
	_ =	sdelay $0x3  }
0x92: {  	_ =	strace s17  }
0x93: {  	s2 =	sld [smem:$0x3FFC];
	_ =	sdelay $0x3  }
0x94: {  	_ =	strace s2  }
0x95: {  	s2 =	sld [smem:$0x3FFD];
	_ =	sdelay $0x3  }
0x96: {  	_ =	strace s2  }
0x97: {  	_ =	strace $0x8FFFFFFF  }
0x98: {  	s18 =	sld [smem:$0x3FDB];
	_ =	sdelay $0x1  }
0x99: {  	s19 =	simm.s32 $_scs_section_size  }
0x9a: {  	s4 =	simm.s32 $_size__tile_overlayer_lowered;
	s5 =	simm.s32 $_tile_overlayer_lowered  }
0x9b: {  	s22 =	simm.s32 $0x1BFF;
	s21 =	sshll.u32 s5, $0x1;
	s2 =	sadd.s32 s19, s18  }
0x9c: {  	s6 =	simm.s32 $0x0;
	s20 =	sshll.u32 s4, $0x1;
	s4 =	sadd.s32 s21, s2  }
0x9d: {  	[timem:s6], [sflag:s22] =	dma.local [hbm:s4], s20  }
0x9e: {  	_ =	swait.ge [sflag:s22], s20  }
0x9f: {  	s3 =	ssub.s32 $0x0, s20;
	[sflag:s22] =	ssyncset.done $0x0  }
0xa0: {  	[sflag:s22] =	ssyncadd.s32 s3;
	_ =	sdelay $0x1  }
0xa1: {  	s23 =	simm.s32 $0x1B8B  }
0xa2: {  	_ =	swait.ge [sflag:s23], $0x1  }
0xa3: {  	[sflag:s23] =	ssyncset.done $0x0  }
0xa4: {  	s25 =	simm.s32 $0x1B8E;
	s24 =	sld [smem:$0x3FFE];
	[sflag:s23] =	ssyncadd.s32 $0xFFFFFFFF  }
0xa5: {  	s26 =	simm.s32 $execute0_lowered;
	[smem:$0x3FD2] =	sst s25  }
0xa6: {  	s4 =	sshll.u32 s26, $0x1;
	_ =	strace $0x8000004C;
	[dreg:$0x1] =	wrdreg $0xFFFFFFFF  }
0xa7: {  	s28 =	simm.s32 $_size_execute0_lowered;
	s2 =	sadd.s32 s2, s4;
	[dreg:$0x0] =	wrdreg $0x0  }
0xa8: {  	s4 =	sshll.u32 s28, $0x1;
	[dreg:$0x2] =	wrdreg s2  }
0xa9: {  	[dreg:$0x3] =	wrdreg s4  }
0xaa: {  	[dreg:$0x4] =	wrdreg $0xC0  }
0xab: {  	_ =	task [dreg:s6], $0x5FFFF  }
0xac: {  	[dreg:$0x1] =	wrdreg $0xFFFFFFFF  }
0xad: {  	[dreg:$0x0] =	wrdreg $0x60  }
0xae: {  	[dreg:$0x2] =	wrdreg s24  }
0xaf: {  	[dreg:$0x3] =	wrdreg $0x90000  }
0xb0: {  	[dreg:$0x4] =	wrdreg $0x9  }
0xb1: {  	_ =	task.clear_ibuf [dreg:s6], $0x5FFFF;
	_ =	strace $0x9000004C  }
0xb2: {  	s29 =	simm.s32 $0x9;
	_ =	strace $0x8000004E  }
0xb3: {  	_ =	swait.ge [sflag:s29], $0x1  }
0xb4: {  	[sflag:s29] =	ssyncadd.s32 $0xFFFFFFFF  }
0xb5: {  	_ =	strace $0x9000004E  }
0xb6: {  	_ =	sfence  }
0xb7: {  	s30 =	sld [smem:$0x0];
	_ =	sdelay $0x2  }
0xb8: {  	s31 =	sshll.u32 s1, $0xD;
	s1 =	sshrl.u32 s1, $0x2  }
0xb9: {  	s3 =	sand.u32 $0x4000, s31;
	s1 =	sadd.s32 s1, s30  }
0xba: {  	s0 =	sor.u32 s3, s0;
	s1 =	sshll.u32 s1, $0x11  }
0xbb: {  	s0 =	sor.u32 s1, s0  }
0xbc: {  	s0 =	sadd.s32 $0x8F2B, s0  }
0xbd: {  	[sflag:s0] =	ssyncadd.remote.s32 $0x1  }
0xbe: {  	_ =	sfence.sel $0xFFFF  }
0xbf: {  	[dreg:$0x0] =	wrdreg $0xFFFFFFFF;
	(pc) =	sbr.abs _section_cstart, $3  }
0xc0: {  	[dreg:$0x1] =	wrdreg $0xFFFFFFFF  }
0xc1: {  	_ =	task.clear_ibuf [dreg:s6], $0x2FFFF;
	_ =	strace $0x9FFFFFFF  }
0xc2: {  	(tm) =	ssettm $0x7FFFFFFF  }
0xc3: {  	_ =	shalt  }
tec
execute0_lowered:
.L_overlay_start_1:
0x0: {  	(tag) =	ssettag $0x1  }
0x1: {  	s1 =	srdreg.scid  }
0x2: {  	s0 =	stileid.u32;
	s5 =	rddreg [dreg:$0x0]  }
0x3: {  	s2 =	rddreg [dreg:$0x1];
	s3 =	simm.s32 $0x0;
	s21 =	simm.s32 $0x80  }
0x4: {  	s22 =	simm.s32 $0x1;
	s7 =	sand.u32 $0x1, s1;
	s1 =	rddreg [dreg:$0x2]  }
0x5: {  	s29 =	sshll.u32 s0, $0x1;
	[smem:$0x7FF] =	sst s3;
	s8 =	smul.u32 $0x50000, s0  }
0x6: {  	s10 =	smul.u32 $0x14000, s0;
	s16 =	sadd.s32 $0x68200, s5;
	s4 =	sor.u32 s7, s29  }
0x7: {  	_ =	strace $0x8000004D;
	s30 =	ssub.s32 $0x2, s7;
	s18 =	smul.u32 $0x140000, s7  }
0x8: {  	s6 =	smul.u32 $0x500, s4;
	s4 =	sadd.s32 $0x19E00, s5;
	s31 =	sshrl.u32 s30, $0x1  }
0x9: {  	s8 =	sshrl.u32 s8, $0x2;
	s12 =	sadd.s32 $0x4000, s10;
	s14 =	sadd.s32 $0x8000, s10  }
0xa: {  	s15 =	sadd.s32 $0xC000, s10;
	s19 =	sadd.s32 $0x10000, s10;
	s17 =	ssub.s32 s30, s31  }
0xb: {  	s7 =	sadd.s32 s14, s2;
	s9 =	sadd.s32 s19, s2;
	s13 =	sadd.s32 s10, s18  }
0xc: {  	s14 =	sadd.s32 s18, s14;
	s11 =	sadd.s32 s6, s5;
	s5 =	sadd.s32 s8, s2  }
0xd: {  	s6 =	sadd.s32 s12, s2;
	s8 =	sadd.s32 s15, s2;
	s12 =	sadd.s32 s18, s12  }
0xe: {  	s13 =	sshrl.u32 s13, $0x3;
	s15 =	sadd.s32 s18, s15;
	s18 =	sadd.s32 s18, s19  }
0xf: {  	s14 =	sshrl.u32 s14, $0x3;
	s17 =	smax.u32 s17, $0x1;
	s19 =	simm.s32 $0x2  }
0x10: {  	s10 =	sadd.s32 $0xFE00, s11;
	s20 =	sshrl.u32 s12, $0x3;
	s11 =	sadd.s32 $0x5E00, s11  }
0x11: {  	s12 =	sadd.s32 s16, s13;
	s15 =	sshrl.u32 s15, $0x3;
	s18 =	sshrl.u32 s18, $0x3  }
0x12: {  	s14 =	sadd.s32 s16, s14;
	s13 =	sadd.s32 s16, s20;
	s15 =	sadd.s32 s16, s15  }
0x13: {  	v0 =	vimm.f32 $0.0e+00;
	s16 =	sadd.s32 s16, s18;
	s18 =	simm.s32 $0x5000;
	s20 =	simm.s32 $0x2800  }
.LBB2_1:
0x14: {  	s23 =	simm.s32 $0x0;
	s24 =	simm.s32 $0x200  }
.LBB2_2:
0x15: {  	p0 =	sne.s32 s24, $0xFE00;
	[tilespmem:s23+$0x5070] =	vst v0  }
0x16: {  	[tilespmem:s23+$0x5000] =	vst v0  }
0x17: {  	[tilespmem:s23+$0x5010] =	vst v0  }
.Ltmp0:
0x18: {  	[tilespmem:s23+$0x5020] =	vst v0;
	(pc) =	sbr.rel @p0 .LBB2_2-.Ltmp0, $4  }
0x19: {  	[tilespmem:s23+$0x5030] =	vst v0  }
0x1a: {  	[tilespmem:s23+$0x5040] =	vst v0  }
0x1b: {  	[tilespmem:s23+$0x5050] =	vst v0  }
0x1c: {  	[tilespmem:s23+$0x5060] =	vst v0;
	s23 =	sshra.s32 s24, $0x2;
	s24 =	sadd.s32 $0x200, s24  }
0x1d: {  	[tilespmem:s23+$0x5070] =	vst v0  }
0x1e: {  	[tilespmem:s23+$0x5000] =	vst v0  }
0x1f: {  	[tilespmem:s23+$0x5010] =	vst v0  }
0x20: {  	[tilespmem:s23+$0x5020] =	vst v0  }
0x21: {  	[tilespmem:s23+$0x5030] =	vst v0  }
0x22: {  	[tilespmem:s23+$0x5040] =	vst v0  }
0x23: {  	[tilespmem:s23+$0x5050] =	vst v0  }
0x24: {  	[tilespmem:s23+$0x5060] =	vst v0  }
0x25: {  	[spmem:s5] =	stream.linear.scatter [tilespmem:s18], [sflag:$0x2], $0x4000, $0x38;
	[tilespmem:$0x1D000] =	vst v63  }
0x26: {  	_ =	swait.ge [sflag:s19], $0x4000  }
0x27: {  	[sflag:s19] =	ssyncset.done $0x0  }
0x28: {  	[sflag:s19] =	ssyncadd.s32 $0xFFFFC000  }
0x29: {  	[spmem:s6] =	stream.linear.scatter [tilespmem:s18], [sflag:$0x2], $0x4000, $0x38;
	[tilespmem:$0x1D000] =	vst v63  }
0x2a: {  	_ =	swait.ge [sflag:s19], $0x4000  }
0x2b: {  	[sflag:s19] =	ssyncset.done $0x0  }
0x2c: {  	[sflag:s19] =	ssyncadd.s32 $0xFFFFC000  }
0x2d: {  	[spmem:s7] =	stream.linear.scatter [tilespmem:s18], [sflag:$0x2], $0x4000, $0x38;
	[tilespmem:$0x1D000] =	vst v63  }
0x2e: {  	_ =	swait.ge [sflag:s19], $0x4000  }
0x2f: {  	[sflag:s19] =	ssyncset.done $0x0  }
0x30: {  	[sflag:s19] =	ssyncadd.s32 $0xFFFFC000  }
0x31: {  	[spmem:s8] =	stream.linear.scatter [tilespmem:s18], [sflag:$0x2], $0x4000, $0x38;
	[tilespmem:$0x1D000] =	vst v63  }
0x32: {  	_ =	swait.ge [sflag:s19], $0x4000  }
0x33: {  	[sflag:s19] =	ssyncset.done $0x0  }
0x34: {  	[sflag:s19] =	ssyncadd.s32 $0xFFFFC000  }
0x35: {  	[spmem:s9] =	stream.linear.scatter [tilespmem:s18], [sflag:$0x2], $0x4000, $0x38;
	[tilespmem:$0x1D000] =	vst v63  }
0x36: {  	_ =	swait.ge [sflag:s19], $0x4000  }
0x37: {  	[sflag:s19] =	ssyncset.done $0x0  }
0x38: {  	s29 =	simm.s32 $0x0;
	[sflag:s19] =	ssyncadd.s32 $0xFFFFC000  }
0x39: {  	[tilespmem:s29], [sflag:$0x2] =	stream.linear.gather [hbm4b:s10+s29], $0x2800, $0x38;
	[tilespmem:$0x1D000] =	vst v63  }
0x3a: {  	_ =	swait.ge [sflag:s19], $0x2800  }
0x3b: {  	[sflag:s19] =	ssyncset.done $0x0  }
0x3c: {  	[sflag:s19] =	ssyncadd.s32 $0xFFFFD800  }
0x3d: {  	[tilespmem:s20], [sflag:$0x2] =	stream.linear.gather [hbm4b:s11+s29], $0x2800, $0x38;
	[tilespmem:$0x1D000] =	vst v63  }
0x3e: {  	_ =	swait.ge [sflag:s19], $0x2800  }
0x3f: {  	[sflag:s19] =	ssyncset.done $0x0  }
0x40: {  	[sflag:s19] =	ssyncadd.s32 $0xFFFFD800  }
0x41: {  	s30 =	simm.s32 $0x0;
	[bflag:$0x0] =	sbarrier.arrive $0xFFFF  }
0x42: {  	[tilespmem:s18], [sflag:$0x1] =	stream.indirect.gather [hbm4b:s4+s21], $0x80, s30, s21, $0xb8;
	[tilespmem:$0x1D000] =	vst v63  }
0x43: {  	_ =	swait.ge [sflag:s22], $0x4000  }
0x44: {  	[sflag:s22] =	ssyncset.done $0x0  }
0x45: {  	s31 =	simm.s32 $0x2800;
	[sflag:s22] =	ssyncadd.s32 $0xFFFFC000  }
0x46: {  	[spmem:s2] =	stream.indirect.scatter.add.f32 [tilespmem:s18], [sflag:$0x2], $0x80, s31, s21, $0xb8;
	[tilespmem:$0x1D000] =	vst v63  }
0x47: {  	_ =	swait.ge [sflag:s19], $0x4000  }
0x48: {  	s23 =	simm.s32 $0x200;
	s24 =	simm.s32 $0x400;
	[sflag:s19] =	ssyncset.done $0x0  }
.LBB2_4:
0x49: {  	s25 =	sshra.s32 s23, $0x2  }
0x4a: {  	[sflag:s19] =	ssyncadd.s32 $0xFFFFC000;
	s23 =	smov.u32 s24;
	s26 =	sadd.s32 $0x200, s24  }
0x4b: {  	[tilespmem:s18], [sflag:$0x1] =	stream.indirect.gather [hbm4b:s4+s21], $0x80, s25, s21, $0xb8;
	[tilespmem:$0x1D000] =	vst v63  }
0x4c: {  	p0 =	sne.s32 s24, $0x9E00;
	_ =	swait.ge [sflag:s22], $0x4000  }
.Ltmp1:
0x4d: {  	[sflag:s22] =	ssyncset.done $0x0;
	(pc) =	sbr.rel @p0 .LBB2_4-.Ltmp1, $4  }
0x4e: {  	s24 =	sadd.s32 $0x2800, s25;
	[sflag:s22] =	ssyncadd.s32 $0xFFFFC000  }
0x4f: {  	[spmem:s2] =	stream.indirect.scatter.add.f32 [tilespmem:s18], [sflag:$0x2], $0x80, s24, s21, $0xb8;
	[tilespmem:$0x1D000] =	vst v63  }
0x50: {  	_ =	swait.ge [sflag:s19], $0x4000  }
0x51: {  	s24 =	smov.u32 s26;
	[sflag:s19] =	ssyncset.done $0x0  }
0x52: {  	s23 =	sshra.s32 s23, $0x2;
	[sflag:s19] =	ssyncadd.s32 $0xFFFFC000  }
0x53: {  	[tilespmem:s18], [sflag:$0x1] =	stream.indirect.gather [hbm4b:s4+s21], $0x80, s23, s21, $0xb8;
	[tilespmem:$0x1D000] =	vst v63  }
0x54: {  	_ =	swait.ge [sflag:s22], $0x4000  }
0x55: {  	[sflag:s22] =	ssyncset.done $0x0  }
0x56: {  	s23 =	sadd.s32 $0x2800, s23;
	[sflag:s22] =	ssyncadd.s32 $0xFFFFC000  }
0x57: {  	[spmem:s2] =	stream.indirect.scatter.add.f32 [tilespmem:s18], [sflag:$0x2], $0x80, s23, s21, $0xb8;
	[tilespmem:$0x1D000] =	vst v63  }
0x58: {  	s26 =	sshll.u32 s0, $0x6;
	_ =	swait.ge [sflag:s19], $0x4000  }
0x59: {  	s24 =	sshrl.u32 s5, $0x3;
	s28 =	sshrl.u32 s6, $0x3;
	[sflag:s19] =	ssyncset.done $0x0  }
0x5a: {  	s29 =	sshrl.u32 s7, $0x3;
	s30 =	sshrl.u32 s8, $0x3;
	[sflag:s19] =	ssyncadd.s32 $0xFFFFC000  }
0x5b: {  	s31 =	sshrl.u32 s9, $0x3;
	s23 =	sor.u32 $0x1C01, s26;
	[bflag:$0x0] =	sbarrier.arrive $0xFFFF  }
0x5c: {  	[hbm:s12], [sflag:s23] =	dma.local [spmem:s24], $0x800  }
0x5d: {  	[hbm:s13], [sflag:s23] =	dma.local [spmem:s28], $0x800  }
0x5e: {  	[hbm:s14], [sflag:s23] =	dma.local [spmem:s29], $0x800  }
0x5f: {  	[hbm:s15], [sflag:s23] =	dma.local [spmem:s30], $0x800  }
0x60: {  	[hbm:s16], [sflag:s23] =	dma.local [spmem:s31], $0x800  }
0x61: {  	_ =	swait.ge [sflag:s22], $0x800  }
0x62: {  	[sflag:s22] =	ssyncset.done $0x0  }
0x63: {  	[sflag:s22] =	ssyncadd.s32 $0xFFFFF800  }
0x64: {  	_ =	swait.ge [sflag:s22], $0x800  }
0x65: {  	[sflag:s22] =	ssyncset.done $0x0  }
0x66: {  	[sflag:s22] =	ssyncadd.s32 $0xFFFFF800  }
0x67: {  	_ =	swait.ge [sflag:s22], $0x800  }
0x68: {  	[sflag:s22] =	ssyncset.done $0x0  }
0x69: {  	s3 =	sadd.s32 $0x1, s3;
	[sflag:s22] =	ssyncadd.s32 $0xFFFFF800  }
0x6a: {  	p0 =	sne.s32 s3, s17;
	_ =	swait.ge [sflag:s22], $0x800  }
.Ltmp2:
0x6b: {  	[sflag:s22] =	ssyncset.done $0x0;
	(pc) =	sbr.rel @p0 .LBB2_1-.Ltmp2, $4  }
0x6c: {  	[sflag:s22] =	ssyncadd.s32 $0xFFFFF800  }
0x6d: {  	_ =	swait.ge [sflag:s22], $0x800  }
0x6e: {  	[sflag:s22] =	ssyncset.done $0x0  }
0x6f: {  	[sflag:s22] =	ssyncadd.s32 $0xFFFFF800  }
0x70: {  	_ =	sfence.sel $0x180000  }
0x71: {  	[bflag:$0x0] =	sbarrier.arrive $0xFFFF  }
0x72: {  	p0 =	sne.s32 s0, $0x0;
	_ =	strace $0x9000004D  }
0x73: {  	s0 =	sadd.s32 @!p0 $0x100000, s1;
	[bflag:$0x2] =	sbarrier.arrive $0xFFFF  }
0x74: {  	[sflag:s0] =	ssyncadd.tile.s32 @!p0 $0x1;
	_ =	shalt  }
.Lfunc_end2:
_tile_overlayer_lowered:
.L_overlay_start_2:
0x75: {  	(tag) =	ssettag $0x2  }
0x76: {  	s0 =	rddreg [dreg:$0x0];
	s2 =	stileid.u32  }
0x77: {  	s1 =	rddreg [dreg:$0x1];
	p0 =	sne.s32 s2, $0x0  }
0x78: {  	s3 =	rddreg [dreg:$0x2];
	[bflag:$0x3] =	sbarrier.arrive $0xFFFF;
	s2 =	simm.s32 @!p0 $0x1C02  }
0x79: {  	[timem:s3], [sflag:s2] =	dma.local @!p0 [hbm:s0], s1  }
0x7a: {  	s0 =	simm.s32 @!p0 $0x2  }
0x7b: {  	_ =	swait.ge @!p0 [sflag:s0], s1  }
0x7c: {  	s1 =	ssub.s32 @!p0 $0x0, s1;
	[sflag:s0] =	ssyncset.done @!p0 $0x0  }
0x7d: {  	[sflag:s0] =	ssyncadd.s32 @!p0 s1  }
0x7e: {  	[bflag:$0x3] =	sbarrier.arrive $0xFFFF  }
0x7f: {  	_ =	shalt  }

// kernel: kernel.19.cloned.1.call-start
scs
__scs_entry_jumppad:
0x0: {  	(pc) =	sbr.rel $0x88, $3  }
0x1: {  	(tag) =	ssettag $0x0;
	lr =	simm.s32 $0x1  }
0x2: {  	[smem:$0x3F92] =	sst lr;
	_ =	strace $0xD0000000  }
0x3: {  	_ = 	snop  }
0x4: {  	_ = 	snop  }
0x5: {  	_ = 	snop  }
0x6: {  	_ = 	snop  }
0x7: {  	_ = 	snop  }
__scs_overlays_trampoline_lowered:
0x8: {  	[smem:$0x3FA1] =	sst s0  }
0x9: {  	[smem:$0x3FA2] =	sst s1  }
0xa: {  	[smem:$0x3FA3] =	sst s2  }
0xb: {  	[smem:$0x3FA4] =	sst s3  }
0xc: {  	[smem:$0x3FA5] =	sst s4  }
0xd: {  	[smem:$0x3FA6] =	sst s5  }
0xe: {  	[smem:$0x3FA7] =	sst s6  }
0xf: {  	[smem:$0x3FA8] =	sst s7  }
0x10: {  	[smem:$0x3FA9] =	sst s8  }
0x11: {  	[smem:$0x3FAA] =	sst s9;
	s0 =	simm.s32 @!p0 $0x0  }
0x12: {  	s1 =	sld [smem:$0x3F90];
	s0 =	simm.s32 @p0 $0x1  }
0x13: {  	[smem:$0x3FAB] =	sst s0;
	s0 =	simm.s32 @!p1 $0x0  }
0x14: {  	s2 =	sld [smem:$0x3F8F];
	s0 =	simm.s32 @p1 $0x1  }
0x15: {  	[smem:$0x3FAC] =	sst s0;
	s0 =	simm.s32 @!p2 $0x0  }
0x16: {  	s3 =	sld [smem:$0x3FDB];
	s0 =	simm.s32 @p2 $0x1  }
0x17: {  	s4 =	simm.s32 $0x1BF5;
	[smem:$0x3FAE] =	sst s0  }
0x18: {  	s0 =	sld [smem:$0x3F91];
	_ =	swait.ge [sflag:s4], $0x0  }
0x19: {  	s7 =	sld [smem:$0x3F92]  }
0x1a: {  	s8 =	sadd.s32 $0xFFFFE003, lr  }
0x1b: {  	s9 =	sadd.s32 $0xFFFFFEF7, lr;
	s5 =	simm.s32 $0xFFFFFFFF;
	p2 =	slt.u32 s8, $0xFFFFF086  }
0x1c: {  	p1 =	slt.u32 s9, $0xF7A;
	s5 =	simm.s32 @!p2 $0x0  }
0x1d: {  	s5 =	simm.s32 @p1 $0x1;
	p0 =	seq.s32 s7, s2  }
0x1e: {  	s7 =	smul.u32 @!p0 $0xF7A, s2;
	p2 =	seq.s32 @!p0 s5, $0x0  }
0x1f: {  	s9 =	smul.u32 $0xF7A, s1;
	s8 =	simm.s32 @!p0 $0x1BF5;
	p2 =	por !p2, p0  }
0x20: {  	[sflag:s8] =	ssyncset.s32 @!p0 $0xFFFFF086;
	s6 =	sadd.s32 @!p0 s3, s7;
	s7 =	simm.s32 @!p0 $0x108  }
0x21: {  	s3 =	sadd.s32 s3, s9;
	s6 =	sadd.s32 @!p0 $0x88, s6;
	s7 =	simm.s32 @p2 $0x1082  }
0x22: {  	[simem:s7], [sflag:s8] =	dma.local @!p0 [hbm:s6], $0xF7A  }
0x23: {  	s9 =	sor.u32 $0xD0000000, s2;
	s6 =	simm.s32 $0x108;
	_ =	swait.ge @!p0 [sflag:s8], $0x0  }
0x24: {  	s3 =	sadd.s32 $0x88, s3;
	s6 =	simm.s32 @!p1 $0x1082;
	[sflag:s4] =	ssyncset.s32 $0xFFFFF086  }
0x25: {  	[simem:s6], [sflag:s4] =	dma.local [hbm:s3], $0xF7A  }
0x26: {  	[smem:$0x3F92] =	sst s1;
	(tag) =	ssettag s2;
	_ =	strace s9  }
0x27: {  	s1 =	sld [smem:$0x3FA2]  }
0x28: {  	s2 =	sld [smem:$0x3FA3]  }
0x29: {  	s4 =	sld [smem:$0x3FA5]  }
0x2a: {  	p0 =	seq.s32 s5, $0x0;
	s5 =	sld [smem:$0x3FA6]  }
0x2b: {  	s6 =	sld [smem:$0x3FA7]  }
0x2c: {  	s7 =	sld [smem:$0x3FA8]  }
0x2d: {  	s3 =	simm.s32 $0x108;
	s8 =	sld [smem:$0x3FA9]  }
0x2e: {  	s3 =	simm.s32 @!p0 $0x1082;
	s9 =	sld [smem:$0x3FAA]  }
0x2f: {  	lr =	sadd.s32 s0, s3;
	s0 =	sld [smem:$0x3FA1]  }
0x30: {  	s3 =	sld [smem:$0x3FA4]  }
0x31: {  	[smem:$0x3FAD] =	sst s10  }
0x32: {  	s10 =	sld [smem:$0x3FAB];
	_ =	sdelay $0x3  }
0x33: {  	p0 =	seq.s32 s10, $0x1;
	s10 =	sld [smem:$0x3FAD];
	_ =	sdelay $0x3  }
0x34: {  	[smem:$0x3FAD] =	sst s10  }
0x35: {  	s10 =	sld [smem:$0x3FAC];
	_ =	sdelay $0x3  }
0x36: {  	p1 =	seq.s32 s10, $0x1;
	s10 =	sld [smem:$0x3FAD];
	_ =	sdelay $0x3  }
0x37: {  	[smem:$0x3FAD] =	sst s10  }
0x38: {  	s10 =	sld [smem:$0x3FAE]  }
0x39: {  	_ = 	snop;
	(pc) =	sbr.ind lr, $3  }
0x3a: {  	_ = 	snop  }
0x3b: {  	_ = 	snop  }
0x3c: {  	p2 =	seq.s32 s10, $0x1;
	s10 =	sld [smem:$0x3FAD]  }
0x3d: {  	_ =	shalt  }
0x3e: {  	_ =	shalt  }
0x3f: {  	_ =	shalt  }
0x40: {  	_ =	shalt  }
0x41: {  	_ =	shalt  }
0x42: {  	_ =	shalt  }
0x43: {  	_ =	shalt  }
0x44: {  	_ =	shalt  }
0x45: {  	_ =	shalt  }
0x46: {  	_ =	shalt  }
0x47: {  	_ =	shalt  }
0x48: {  	_ =	shalt  }
0x49: {  	_ =	shalt  }
0x4a: {  	_ =	shalt  }
0x4b: {  	_ =	shalt  }
0x4c: {  	_ =	shalt  }
0x4d: {  	_ =	shalt  }
0x4e: {  	_ =	shalt  }
0x4f: {  	_ =	shalt  }
0x50: {  	_ =	shalt  }
0x51: {  	_ =	shalt  }
0x52: {  	_ =	shalt  }
0x53: {  	_ =	shalt  }
0x54: {  	_ =	shalt  }
0x55: {  	_ =	shalt  }
0x56: {  	_ =	shalt  }
0x57: {  	_ =	shalt  }
0x58: {  	_ =	shalt  }
0x59: {  	_ =	shalt  }
0x5a: {  	_ =	shalt  }
0x5b: {  	_ =	shalt  }
0x5c: {  	_ =	shalt  }
0x5d: {  	_ =	shalt  }
0x5e: {  	_ =	shalt  }
0x5f: {  	_ =	shalt  }
0x60: {  	_ =	shalt  }
0x61: {  	_ =	shalt  }
0x62: {  	_ =	shalt  }
0x63: {  	_ =	shalt  }
0x64: {  	_ =	shalt  }
0x65: {  	_ =	shalt  }
0x66: {  	_ =	shalt  }
0x67: {  	_ =	shalt  }
0x68: {  	_ =	shalt  }
0x69: {  	_ =	shalt  }
0x6a: {  	_ =	shalt  }
0x6b: {  	_ =	shalt  }
0x6c: {  	_ =	shalt  }
0x6d: {  	_ =	shalt  }
0x6e: {  	_ =	shalt  }
0x6f: {  	_ =	shalt  }
0x70: {  	_ =	shalt  }
0x71: {  	_ =	shalt  }
0x72: {  	_ =	shalt  }
0x73: {  	_ =	shalt  }
0x74: {  	_ =	shalt  }
0x75: {  	_ =	shalt  }
0x76: {  	_ =	shalt  }
0x77: {  	_ =	shalt  }
0x78: {  	_ =	shalt  }
0x79: {  	_ =	shalt  }
0x7a: {  	_ =	shalt  }
0x7b: {  	_ =	shalt  }
0x7c: {  	_ =	shalt  }
0x7d: {  	_ =	shalt  }
0x7e: {  	_ =	shalt  }
0x7f: {  	_ =	shalt  }
0x80: {  	_ =	shalt  }
0x81: {  	_ =	shalt  }
0x82: {  	_ =	shalt  }
0x83: {  	_ =	shalt  }
0x84: {  	_ =	shalt  }
0x85: {  	_ =	shalt  }
0x86: {  	_ =	shalt  }
0x87: {  	_ =	shalt  }
.Lfunc_end0:
.L_simem_size_0:
called_computation.3_lowered:
.L_overlay_start_0:
0x88: {  	s2 =	sld [smem:$0x3FD9]  }
0x89: {  	s3 =	sld [smem:$0x3FFE];
	_ =	sdelay $0x1  }
0x8a: {  	s1 =	srdreg.scid  }
0x8b: {  	s0 =	sand.u32 $0x1, s1  }
0x8c: {  	s16 =	sshll.u32 s0, $0xA;
	s2 =	sadd.s32 s3, s2  }
0x8d: {  	s2 =	sadd.s32 s2, s16  }
0x8e: {  	[smem:$0x3FB9] =	sst s2  }
0x8f: {  	_ = 	snop  }
0x90: {  	(tm) =	ssettm $0x1  }
0x91: {  	s17 =	sld [smem:$0x3FFB];
	_ =	sdelay $0x3  }
0x92: {  	_ =	strace s17  }
0x93: {  	s2 =	sld [smem:$0x3FFC];
	_ =	sdelay $0x3  }
0x94: {  	_ =	strace s2  }
0x95: {  	s2 =	sld [smem:$0x3FFD];
	_ =	sdelay $0x3  }
0x96: {  	_ =	strace s2  }
0x97: {  	_ =	strace $0x8FFFFFFF  }
0x98: {  	s18 =	sld [smem:$0x3FDB];
	_ =	sdelay $0x1  }
0x99: {  	s19 =	simm.s32 $_scs_section_size  }
0x9a: {  	s4 =	simm.s32 $_size__tile_overlayer_lowered;
	s5 =	simm.s32 $_tile_overlayer_lowered  }
0x9b: {  	s22 =	simm.s32 $0x1BFF;
	s21 =	sshll.u32 s5, $0x1;
	s2 =	sadd.s32 s19, s18  }
0x9c: {  	s6 =	simm.s32 $0x0;
	s20 =	sshll.u32 s4, $0x1;
	s4 =	sadd.s32 s21, s2  }
0x9d: {  	[timem:s6], [sflag:s22] =	dma.local [hbm:s4], s20  }
0x9e: {  	_ =	swait.ge [sflag:s22], s20  }
0x9f: {  	s3 =	ssub.s32 $0x0, s20;
	[sflag:s22] =	ssyncset.done $0x0  }
0xa0: {  	[sflag:s22] =	ssyncadd.s32 s3;
	_ =	sdelay $0x1  }
0xa1: {  	s23 =	simm.s32 $0x1B8B  }
0xa2: {  	_ =	swait.ge [sflag:s23], $0x1  }
0xa3: {  	[sflag:s23] =	ssyncset.done $0x0  }
0xa4: {  	s25 =	simm.s32 $0x1B8E;
	s24 =	sld [smem:$0x3FFE];
	[sflag:s23] =	ssyncadd.s32 $0xFFFFFFFF  }
0xa5: {  	s26 =	simm.s32 $execute0_lowered;
	[smem:$0x3FD2] =	sst s25  }
0xa6: {  	s4 =	sshll.u32 s26, $0x1;
	_ =	strace $0x8000004F;
	[dreg:$0x1] =	wrdreg $0xFFFFFFFF  }
0xa7: {  	s28 =	simm.s32 $_size_execute0_lowered;
	s2 =	sadd.s32 s2, s4;
	[dreg:$0x0] =	wrdreg $0x0  }
0xa8: {  	s4 =	sshll.u32 s28, $0x1;
	[dreg:$0x2] =	wrdreg s2  }
0xa9: {  	[dreg:$0x3] =	wrdreg s4  }
0xaa: {  	[dreg:$0x4] =	wrdreg $0xC0  }
0xab: {  	_ =	task [dreg:s6], $0x5FFFF  }
0xac: {  	[dreg:$0x1] =	wrdreg $0xFFFFFFFF  }
0xad: {  	[dreg:$0x0] =	wrdreg $0x60  }
0xae: {  	[dreg:$0x2] =	wrdreg s24  }
0xaf: {  	[dreg:$0x3] =	wrdreg $0x90000  }
0xb0: {  	[dreg:$0x4] =	wrdreg $0x9  }
0xb1: {  	_ =	task.clear_ibuf [dreg:s6], $0x5FFFF;
	_ =	strace $0x9000004F  }
0xb2: {  	s29 =	simm.s32 $0x9;
	_ =	strace $0x80000051  }
0xb3: {  	_ =	swait.ge [sflag:s29], $0x1  }
0xb4: {  	[sflag:s29] =	ssyncadd.s32 $0xFFFFFFFF  }
0xb5: {  	_ =	strace $0x90000051  }
0xb6: {  	_ =	sfence  }
0xb7: {  	s30 =	sld [smem:$0x0];
	_ =	sdelay $0x2  }
0xb8: {  	s31 =	sshll.u32 s1, $0xD;
	s1 =	sshrl.u32 s1, $0x2  }
0xb9: {  	s3 =	sand.u32 $0x4000, s31;
	s1 =	sadd.s32 s1, s30  }
0xba: {  	s0 =	sor.u32 s3, s0;
	s1 =	sshll.u32 s1, $0x11  }
0xbb: {  	s0 =	sor.u32 s1, s0  }
0xbc: {  	s0 =	sadd.s32 $0x8F2B, s0  }
0xbd: {  	[sflag:s0] =	ssyncadd.remote.s32 $0x1  }
0xbe: {  	_ =	sfence.sel $0xFFFF  }
0xbf: {  	[dreg:$0x0] =	wrdreg $0xFFFFFFFF;
	(pc) =	sbr.abs _section_cstart, $3  }
0xc0: {  	[dreg:$0x1] =	wrdreg $0xFFFFFFFF  }
0xc1: {  	_ =	task.clear_ibuf [dreg:s6], $0x2FFFF;
	_ =	strace $0x9FFFFFFF  }
0xc2: {  	(tm) =	ssettm $0x7FFFFFFF  }
0xc3: {  	_ =	shalt  }
tec
execute0_lowered:
.L_overlay_start_1:
0x0: {  	(tag) =	ssettag $0x1  }
0x1: {  	s1 =	srdreg.scid  }
0x2: {  	s0 =	stileid.u32;
	s5 =	rddreg [dreg:$0x0]  }
0x3: {  	s2 =	rddreg [dreg:$0x1];
	s3 =	simm.s32 $0x0;
	s21 =	simm.s32 $0x80  }
0x4: {  	s22 =	simm.s32 $0x1;
	s7 =	sand.u32 $0x1, s1;
	s1 =	rddreg [dreg:$0x2]  }
0x5: {  	s29 =	sshll.u32 s0, $0x1;
	[smem:$0x7FF] =	sst s3;
	s8 =	smul.u32 $0x50000, s0  }
0x6: {  	s10 =	smul.u32 $0x14000, s0;
	s16 =	sadd.s32 $0x68200, s5;
	s4 =	sor.u32 s7, s29  }
0x7: {  	_ =	strace $0x80000050;
	s30 =	ssub.s32 $0x2, s7;
	s18 =	smul.u32 $0x140000, s7  }
0x8: {  	s6 =	smul.u32 $0x500, s4;
	s4 =	sadd.s32 $0x19E00, s5;
	s31 =	sshrl.u32 s30, $0x1  }
0x9: {  	s8 =	sshrl.u32 s8, $0x2;
	s12 =	sadd.s32 $0x4000, s10;
	s14 =	sadd.s32 $0x8000, s10  }
0xa: {  	s15 =	sadd.s32 $0xC000, s10;
	s19 =	sadd.s32 $0x10000, s10;
	s17 =	ssub.s32 s30, s31  }
0xb: {  	s7 =	sadd.s32 s14, s2;
	s9 =	sadd.s32 s19, s2;
	s13 =	sadd.s32 s10, s18  }
0xc: {  	s14 =	sadd.s32 s18, s14;
	s11 =	sadd.s32 s6, s5;
	s5 =	sadd.s32 s8, s2  }
0xd: {  	s6 =	sadd.s32 s12, s2;
	s8 =	sadd.s32 s15, s2;
	s12 =	sadd.s32 s18, s12  }
0xe: {  	s13 =	sshrl.u32 s13, $0x3;
	s15 =	sadd.s32 s18, s15;
	s18 =	sadd.s32 s18, s19  }
0xf: {  	s14 =	sshrl.u32 s14, $0x3;
	s17 =	smax.u32 s17, $0x1;
	s19 =	simm.s32 $0x2  }
0x10: {  	s10 =	sadd.s32 $0xFE00, s11;
	s20 =	sshrl.u32 s12, $0x3;
	s11 =	sadd.s32 $0x5E00, s11  }
0x11: {  	s12 =	sadd.s32 s16, s13;
	s15 =	sshrl.u32 s15, $0x3;
	s18 =	sshrl.u32 s18, $0x3  }
0x12: {  	s14 =	sadd.s32 s16, s14;
	s13 =	sadd.s32 s16, s20;
	s15 =	sadd.s32 s16, s15  }
0x13: {  	v0 =	vimm.f32 $0.0e+00;
	s16 =	sadd.s32 s16, s18;
	s18 =	simm.s32 $0x5000;
	s20 =	simm.s32 $0x2800  }
.LBB2_1:
0x14: {  	s23 =	simm.s32 $0x0;
	s24 =	simm.s32 $0x200  }
.LBB2_2:
0x15: {  	p0 =	sne.s32 s24, $0xFE00;
	[tilespmem:s23+$0x5070] =	vst v0  }
0x16: {  	[tilespmem:s23+$0x5000] =	vst v0  }
0x17: {  	[tilespmem:s23+$0x5010] =	vst v0  }
.Ltmp0:
0x18: {  	[tilespmem:s23+$0x5020] =	vst v0;
	(pc) =	sbr.rel @p0 .LBB2_2-.Ltmp0, $4  }
0x19: {  	[tilespmem:s23+$0x5030] =	vst v0  }
0x1a: {  	[tilespmem:s23+$0x5040] =	vst v0  }
0x1b: {  	[tilespmem:s23+$0x5050] =	vst v0  }
0x1c: {  	[tilespmem:s23+$0x5060] =	vst v0;
	s23 =	sshra.s32 s24, $0x2;
	s24 =	sadd.s32 $0x200, s24  }
0x1d: {  	[tilespmem:s23+$0x5070] =	vst v0  }
0x1e: {  	[tilespmem:s23+$0x5000] =	vst v0  }
0x1f: {  	[tilespmem:s23+$0x5010] =	vst v0  }
0x20: {  	[tilespmem:s23+$0x5020] =	vst v0  }
0x21: {  	[tilespmem:s23+$0x5030] =	vst v0  }
0x22: {  	[tilespmem:s23+$0x5040] =	vst v0  }
0x23: {  	[tilespmem:s23+$0x5050] =	vst v0  }
0x24: {  	[tilespmem:s23+$0x5060] =	vst v0  }
0x25: {  	[spmem:s5] =	stream.linear.scatter [tilespmem:s18], [sflag:$0x2], $0x4000, $0x38;
	[tilespmem:$0x1D000] =	vst v63  }
0x26: {  	_ =	swait.ge [sflag:s19], $0x4000  }
0x27: {  	[sflag:s19] =	ssyncset.done $0x0  }
0x28: {  	[sflag:s19] =	ssyncadd.s32 $0xFFFFC000  }
0x29: {  	[spmem:s6] =	stream.linear.scatter [tilespmem:s18], [sflag:$0x2], $0x4000, $0x38;
	[tilespmem:$0x1D000] =	vst v63  }
0x2a: {  	_ =	swait.ge [sflag:s19], $0x4000  }
0x2b: {  	[sflag:s19] =	ssyncset.done $0x0  }
0x2c: {  	[sflag:s19] =	ssyncadd.s32 $0xFFFFC000  }
0x2d: {  	[spmem:s7] =	stream.linear.scatter [tilespmem:s18], [sflag:$0x2], $0x4000, $0x38;
	[tilespmem:$0x1D000] =	vst v63  }
0x2e: {  	_ =	swait.ge [sflag:s19], $0x4000  }
0x2f: {  	[sflag:s19] =	ssyncset.done $0x0  }
0x30: {  	[sflag:s19] =	ssyncadd.s32 $0xFFFFC000  }
0x31: {  	[spmem:s8] =	stream.linear.scatter [tilespmem:s18], [sflag:$0x2], $0x4000, $0x38;
	[tilespmem:$0x1D000] =	vst v63  }
0x32: {  	_ =	swait.ge [sflag:s19], $0x4000  }
0x33: {  	[sflag:s19] =	ssyncset.done $0x0  }
0x34: {  	[sflag:s19] =	ssyncadd.s32 $0xFFFFC000  }
0x35: {  	[spmem:s9] =	stream.linear.scatter [tilespmem:s18], [sflag:$0x2], $0x4000, $0x38;
	[tilespmem:$0x1D000] =	vst v63  }
0x36: {  	_ =	swait.ge [sflag:s19], $0x4000  }
0x37: {  	[sflag:s19] =	ssyncset.done $0x0  }
0x38: {  	s29 =	simm.s32 $0x0;
	[sflag:s19] =	ssyncadd.s32 $0xFFFFC000  }
0x39: {  	[tilespmem:s29], [sflag:$0x2] =	stream.linear.gather [hbm4b:s10+s29], $0x2800, $0x38;
	[tilespmem:$0x1D000] =	vst v63  }
0x3a: {  	_ =	swait.ge [sflag:s19], $0x2800  }
0x3b: {  	[sflag:s19] =	ssyncset.done $0x0  }
0x3c: {  	[sflag:s19] =	ssyncadd.s32 $0xFFFFD800  }
0x3d: {  	[tilespmem:s20], [sflag:$0x2] =	stream.linear.gather [hbm4b:s11+s29], $0x2800, $0x38;
	[tilespmem:$0x1D000] =	vst v63  }
0x3e: {  	_ =	swait.ge [sflag:s19], $0x2800  }
0x3f: {  	[sflag:s19] =	ssyncset.done $0x0  }
0x40: {  	[sflag:s19] =	ssyncadd.s32 $0xFFFFD800  }
0x41: {  	s30 =	simm.s32 $0x0;
	[bflag:$0x0] =	sbarrier.arrive $0xFFFF  }
0x42: {  	[tilespmem:s18], [sflag:$0x1] =	stream.indirect.gather [hbm4b:s4+s21], $0x80, s30, s21, $0xb8;
	[tilespmem:$0x1D000] =	vst v63  }
0x43: {  	_ =	swait.ge [sflag:s22], $0x4000  }
0x44: {  	[sflag:s22] =	ssyncset.done $0x0  }
0x45: {  	s31 =	simm.s32 $0x2800;
	[sflag:s22] =	ssyncadd.s32 $0xFFFFC000  }
0x46: {  	[spmem:s2] =	stream.indirect.scatter.add.f32 [tilespmem:s18], [sflag:$0x2], $0x80, s31, s21, $0xb8;
	[tilespmem:$0x1D000] =	vst v63  }
0x47: {  	_ =	swait.ge [sflag:s19], $0x4000  }
0x48: {  	s23 =	simm.s32 $0x200;
	s24 =	simm.s32 $0x400;
	[sflag:s19] =	ssyncset.done $0x0  }
.LBB2_4:
0x49: {  	s25 =	sshra.s32 s23, $0x2  }
0x4a: {  	[sflag:s19] =	ssyncadd.s32 $0xFFFFC000;
	s23 =	smov.u32 s24;
	s26 =	sadd.s32 $0x200, s24  }
0x4b: {  	[tilespmem:s18], [sflag:$0x1] =	stream.indirect.gather [hbm4b:s4+s21], $0x80, s25, s21, $0xb8;
	[tilespmem:$0x1D000] =	vst v63  }
0x4c: {  	p0 =	sne.s32 s24, $0x9E00;
	_ =	swait.ge [sflag:s22], $0x4000  }
.Ltmp1:
0x4d: {  	[sflag:s22] =	ssyncset.done $0x0;
	(pc) =	sbr.rel @p0 .LBB2_4-.Ltmp1, $4  }
0x4e: {  	s24 =	sadd.s32 $0x2800, s25;
	[sflag:s22] =	ssyncadd.s32 $0xFFFFC000  }
0x4f: {  	[spmem:s2] =	stream.indirect.scatter.add.f32 [tilespmem:s18], [sflag:$0x2], $0x80, s24, s21, $0xb8;
	[tilespmem:$0x1D000] =	vst v63  }
0x50: {  	_ =	swait.ge [sflag:s19], $0x4000  }
0x51: {  	s24 =	smov.u32 s26;
	[sflag:s19] =	ssyncset.done $0x0  }
0x52: {  	s23 =	sshra.s32 s23, $0x2;
	[sflag:s19] =	ssyncadd.s32 $0xFFFFC000  }
0x53: {  	[tilespmem:s18], [sflag:$0x1] =	stream.indirect.gather [hbm4b:s4+s21], $0x80, s23, s21, $0xb8;
	[tilespmem:$0x1D000] =	vst v63  }
0x54: {  	_ =	swait.ge [sflag:s22], $0x4000  }
0x55: {  	[sflag:s22] =	ssyncset.done $0x0  }
0x56: {  	s23 =	sadd.s32 $0x2800, s23;
	[sflag:s22] =	ssyncadd.s32 $0xFFFFC000  }
0x57: {  	[spmem:s2] =	stream.indirect.scatter.add.f32 [tilespmem:s18], [sflag:$0x2], $0x80, s23, s21, $0xb8;
	[tilespmem:$0x1D000] =	vst v63  }
0x58: {  	s26 =	sshll.u32 s0, $0x6;
	_ =	swait.ge [sflag:s19], $0x4000  }
0x59: {  	s24 =	sshrl.u32 s5, $0x3;
	s28 =	sshrl.u32 s6, $0x3;
	[sflag:s19] =	ssyncset.done $0x0  }
0x5a: {  	s29 =	sshrl.u32 s7, $0x3;
	s30 =	sshrl.u32 s8, $0x3;
	[sflag:s19] =	ssyncadd.s32 $0xFFFFC000  }
0x5b: {  	s31 =	sshrl.u32 s9, $0x3;
	s23 =	sor.u32 $0x1C01, s26;
	[bflag:$0x0] =	sbarrier.arrive $0xFFFF  }
0x5c: {  	[hbm:s12], [sflag:s23] =	dma.local [spmem:s24], $0x800  }
0x5d: {  	[hbm:s13], [sflag:s23] =	dma.local [spmem:s28], $0x800  }
0x5e: {  	[hbm:s14], [sflag:s23] =	dma.local [spmem:s29], $0x800  }
0x5f: {  	[hbm:s15], [sflag:s23] =	dma.local [spmem:s30], $0x800  }
0x60: {  	[hbm:s16], [sflag:s23] =	dma.local [spmem:s31], $0x800  }
0x61: {  	_ =	swait.ge [sflag:s22], $0x800  }
0x62: {  	[sflag:s22] =	ssyncset.done $0x0  }
0x63: {  	[sflag:s22] =	ssyncadd.s32 $0xFFFFF800  }
0x64: {  	_ =	swait.ge [sflag:s22], $0x800  }
0x65: {  	[sflag:s22] =	ssyncset.done $0x0  }
0x66: {  	[sflag:s22] =	ssyncadd.s32 $0xFFFFF800  }
0x67: {  	_ =	swait.ge [sflag:s22], $0x800  }
0x68: {  	[sflag:s22] =	ssyncset.done $0x0  }
0x69: {  	s3 =	sadd.s32 $0x1, s3;
	[sflag:s22] =	ssyncadd.s32 $0xFFFFF800  }
0x6a: {  	p0 =	sne.s32 s3, s17;
	_ =	swait.ge [sflag:s22], $0x800  }
.Ltmp2:
0x6b: {  	[sflag:s22] =	ssyncset.done $0x0;
	(pc) =	sbr.rel @p0 .LBB2_1-.Ltmp2, $4  }
0x6c: {  	[sflag:s22] =	ssyncadd.s32 $0xFFFFF800  }
0x6d: {  	_ =	swait.ge [sflag:s22], $0x800  }
0x6e: {  	[sflag:s22] =	ssyncset.done $0x0  }
0x6f: {  	[sflag:s22] =	ssyncadd.s32 $0xFFFFF800  }
0x70: {  	_ =	sfence.sel $0x180000  }
0x71: {  	[bflag:$0x0] =	sbarrier.arrive $0xFFFF  }
0x72: {  	p0 =	sne.s32 s0, $0x0;
	_ =	strace $0x90000050  }
0x73: {  	s0 =	sadd.s32 @!p0 $0x100000, s1;
	[bflag:$0x2] =	sbarrier.arrive $0xFFFF  }
0x74: {  	[sflag:s0] =	ssyncadd.tile.s32 @!p0 $0x1;
	_ =	shalt  }
.Lfunc_end2:
_tile_overlayer_lowered:
.L_overlay_start_2:
0x75: {  	(tag) =	ssettag $0x2  }
0x76: {  	s0 =	rddreg [dreg:$0x0];
	s2 =	stileid.u32  }
0x77: {  	s1 =	rddreg [dreg:$0x1];
	p0 =	sne.s32 s2, $0x0  }
0x78: {  	s3 =	rddreg [dreg:$0x2];
	[bflag:$0x3] =	sbarrier.arrive $0xFFFF;
	s2 =	simm.s32 @!p0 $0x1C02  }
0x79: {  	[timem:s3], [sflag:s2] =	dma.local @!p0 [hbm:s0], s1  }
0x7a: {  	s0 =	simm.s32 @!p0 $0x2  }
0x7b: {  	_ =	swait.ge @!p0 [sflag:s0], s1  }
0x7c: {  	s1 =	ssub.s32 @!p0 $0x0, s1;
	[sflag:s0] =	ssyncset.done @!p0 $0x0  }
0x7d: {  	[sflag:s0] =	ssyncadd.s32 @!p0 s1  }
0x7e: {  	[bflag:$0x3] =	sbarrier.arrive $0xFFFF  }
0x7f: {  	_ =	shalt  }

</sc_bundles>
